<compile_context>
chip_gen: v7x
topology: tpu7x:2x2x1
jax: 0.10.2.dev20260603
libtpu: 0.0.44.dev20260713+nightly
codegen_flags: <defaults>
</compile_context>

<pallas_src>
import functools

import jax
import jax.numpy as jnp
from jax import lax
from jax.experimental import pallas as pl
from jax.experimental.pallas import tpu as pltpu
from jax.experimental.pallas import tpu_sc as plsc

N = 10000
D = 128
H = 16
C = 40
E = 320000

NC = 2
NS = 16
NW = NC * NS
CH = 128
ROWS = 80
EP = NW * ROWS * CH
CHA = 1024
RA = EP // (NW * CHA)
NP = 10240
NPT = NP // NS
SROWS = 624
CSPLIT = (16, 16, 8)

_mesh = plsc.VectorSubcoreMesh(core_axis_name="c", subcore_axis_name="s")


def _sc_deg(dst_p, zblk):

  @functools.partial(
      pl.kernel,
      out_type=jax.ShapeDtypeStruct((NC, NP), jnp.float32),
      mesh=_mesh,
      scratch_types=[
          pltpu.VMEM((ROWS, CH), jnp.int32),
          pltpu.VMEM((CH,), jnp.float32),
          pltpu.VMEM_SHARED((NP,), jnp.float32),
          pltpu.SemaphoreType.DMA,
      ],
  )
  def k(dst_hbm, z_hbm, out_hbm, dstv, onesv, acc, sem):
    cid = lax.axis_index("c")
    sid = lax.axis_index("s")
    wid = sid * NC + cid
    pltpu.sync_copy(z_hbm.at[pl.ds(sid * NPT, NPT)], acc.at[pl.ds(sid * NPT, NPT)])
    for i in range(CH // 16):
      onesv[pl.ds(i * 16, 16)] = jnp.ones((16,), jnp.float32)
    pltpu.sync_copy(dst_hbm.at[pl.ds(wid * ROWS, ROWS)], dstv)
    plsc.subcore_barrier()

    def body(j, carry):
      pltpu.sync_copy(onesv, acc.at[dstv.at[j]], add=True)
      return carry

    lax.fori_loop(0, ROWS, body, 0)
    plsc.subcore_barrier()
    pltpu.sync_copy(acc.at[pl.ds(sid * NPT, NPT)],
                    out_hbm.at[cid, pl.ds(sid * NPT, NPT)])

  return k(dst_p, zblk)


def _sc_agg(F, stage_spmem):

  scratch = [
      pltpu.VMEM((RA, CHA), jnp.int32),
      pltpu.VMEM((RA, CHA), jnp.int32),
      pltpu.VMEM((CHA, F), jnp.float32),
      pltpu.VMEM((CHA, F), jnp.float32),
      pltpu.VMEM_SHARED((NP, F), jnp.float32),
      pltpu.VMEM_SHARED((N if stage_spmem else NS, F), jnp.float32),
      pltpu.SemaphoreType.DMA,
      pltpu.SemaphoreType.DMA,
      pltpu.SemaphoreType.DMA,
      pltpu.SemaphoreType.DMA,
  ]

  @functools.partial(
      pl.kernel,
      out_type=jax.ShapeDtypeStruct((NC, NP, F), jnp.float32),
      mesh=_mesh,
      compiler_params=pltpu.CompilerParams(use_tc_tiling_on_sc=False),
      scratch_types=scratch,
  )
  def k(src_hbm, dst_hbm, g_hbm, z_hbm, out_hbm, srcv, dstv, rows0, rows1,
        acc, gsh, gs0, gs1, ss0, ss1):
    cid = lax.axis_index("c")
    sid = lax.axis_index("s")
    wid = sid * NC + cid
    pltpu.sync_copy(z_hbm.at[pl.ds(sid * NPT, NPT)], acc.at[pl.ds(sid * NPT, NPT)])
    if stage_spmem:
      pltpu.sync_copy(g_hbm.at[pl.ds(sid * SROWS, SROWS)],
                      gsh.at[pl.ds(sid * SROWS, SROWS)])

      @pl.when(sid == 0)
      def _():
        pltpu.sync_copy(g_hbm.at[pl.ds(NS * SROWS, N - NS * SROWS)],
                        gsh.at[pl.ds(NS * SROWS, N - NS * SROWS)])

      gsrc = gsh
    else:
      gsrc = g_hbm
    pltpu.sync_copy(src_hbm.at[pl.ds(wid * RA, RA)], srcv)
    pltpu.sync_copy(dst_hbm.at[pl.ds(wid * RA, RA)], dstv)
    plsc.subcore_barrier()

    def gather(j, buf, sem):
      pltpu.async_copy(gsrc.at[srcv.at[j]], buf, sem)

    def scatter(j, buf, sem):
      pltpu.async_copy(buf, acc.at[dstv.at[j]], sem, add=True)

    def gwait(buf, sem):
      pltpu.make_async_copy(gsrc.at[srcv.at[0]], buf, sem).wait()

    def swait(buf, sem):
      pltpu.make_async_copy(buf, acc.at[dstv.at[0]], sem).wait()

    gather(0, rows0, gs0)
    gwait(rows0, gs0)
    scatter(0, rows0, ss0)
    gather(1, rows1, gs1)

    def body(j2, carry):
      j = 2 * j2 + 1
      gwait(rows1, gs1)
      scatter(j, rows1, ss1)
      swait(rows0, ss0)
      gather(j + 1, rows0, gs0)
      gwait(rows0, gs0)
      scatter(j + 1, rows0, ss0)
      swait(rows1, ss1)
      gather(j + 2, rows1, gs1)
      return carry

    lax.fori_loop(0, (RA - 2) // 2, body, 0)
    gwait(rows1, gs1)
    scatter(RA - 1, rows1, ss1)
    swait(rows0, ss0)
    swait(rows1, ss1)
    plsc.subcore_barrier()
    pltpu.sync_copy(acc.at[pl.ds(sid * NPT, NPT)],
                    out_hbm.at[cid, pl.ds(sid * NPT, NPT)])

  return k


def _dinv_col(degp_ref):
  deg = degp_ref[0, :N] + degp_ref[1, :N] + 1.0
  return lax.rsqrt(deg)[:, None]


def _tc_a(degp, x, W1):
  def body(degp_ref, x_ref, w_ref, g1_ref, dinv_ref):
    dinv = _dinv_col(degp_ref)
    h = jnp.dot(x_ref[...], w_ref[...], preferred_element_type=jnp.float32)
    g1_ref[...] = h * dinv
    dinv_ref[...] = dinv

  return pl.pallas_call(
      body, out_shape=[jax.ShapeDtypeStruct((N, H), jnp.float32),
                       jax.ShapeDtypeStruct((N, 1), jnp.float32)])(
          degp, x, W1)


def _tc_b(dinvc, acc1p, g1, W2, b1):
  def body(dinv_ref, accp_ref, g1_ref, w_ref, b_ref, *g2_refs):
    dinv = dinv_ref[...]
    agg = accp_ref[0, :N, :] + accp_ref[1, :N, :] + g1_ref[...]
    out1 = jnp.maximum(agg * dinv + b_ref[...][None, :], 0.0)
    g2 = jnp.dot(out1, w_ref[...], preferred_element_type=jnp.float32) * dinv
    lo = 0
    for f, ref in zip(CSPLIT, g2_refs):
      ref[...] = g2[:, lo:lo + f]
      lo += f

  return pl.pallas_call(
      body, out_shape=[jax.ShapeDtypeStruct((N, f), jnp.float32)
                       for f in CSPLIT])(dinvc, acc1p, g1, W2, b1)


def _tc_c(dinvc, acc2ps, g2s, b2):
  BN = 2000

  def body(dinv_ref, *refs):
    accp_refs = refs[:len(CSPLIT)]
    g2_refs = refs[len(CSPLIT):2 * len(CSPLIT)]
    b_ref = refs[2 * len(CSPLIT)]
    out_ref = refs[2 * len(CSPLIT) + 1]
    dinv = dinv_ref[...]
    aggs = [ap[0] + ap[1] + gp[...] for ap, gp in zip(accp_refs, g2_refs)]
    out2 = jnp.concatenate(aggs, axis=1) * dinv + b_ref[...][None, :]
    z = out2 - jnp.max(out2, axis=1, keepdims=True)
    out_ref[...] = z - jnp.log(jnp.sum(jnp.exp(z), axis=1, keepdims=True))

  in_specs = [pl.BlockSpec((BN, 1), lambda i: (i, 0))]
  in_specs += [pl.BlockSpec((2, BN, f), lambda i: (0, i, 0)) for f in CSPLIT]
  in_specs += [pl.BlockSpec((BN, f), lambda i: (i, 0)) for f in CSPLIT]
  in_specs += [pl.BlockSpec((C,), lambda i: (0,))]
  return pl.pallas_call(
      body,
      grid=(N // BN,),
      in_specs=in_specs,
      out_specs=pl.BlockSpec((BN, C), lambda i: (i, 0)),
      out_shape=jax.ShapeDtypeStruct((N, C), jnp.float32))(
          dinvc, *acc2ps, *g2s, b2)


def kernel(x, edge_index, W1, b1, W2, b2):
  pad = EP - E
  src_flat = jnp.concatenate([edge_index[0], jnp.zeros((pad,), jnp.int32)])
  dst_flat = jnp.concatenate([edge_index[1], jnp.full((pad,), NP - 1, jnp.int32)])
  dst_p = dst_flat.reshape(EP // CH, CH)
  src_a = src_flat.reshape(EP // CHA, CHA)
  dst_a = dst_flat.reshape(EP // CHA, CHA)

  z1 = jnp.zeros((NP,), jnp.float32)
  zH = jnp.zeros((NP, H), jnp.float32)

  degp = _sc_deg(dst_p, z1)
  g1, dinvc = _tc_a(degp, x, W1)
  acc1p = _sc_agg(H, True)(src_a, dst_a, g1, zH)
  g2s = _tc_b(dinvc, acc1p, g1, W2, b1)
  acc2ps = [
      _sc_agg(f, True)(src_a, dst_a, g2f, jnp.zeros((NP, f), jnp.float32))
      for f, g2f in zip(CSPLIT, g2s)
  ]
  return _tc_c(dinvc, acc2ps, g2s, b2)

# --- scband reference (transcript-rebuilt; emitter-appended) ---
"""Pipeline reference for scband-net-70463233458379 (READ-ONLY COPY).

The authoritative reference and input builder live on the scoring server;
editing this copy changes nothing except your own understanding.
"""

import jax, jax.numpy as jnp
import numpy as np

N = 10000
E = 320000
D = 128
H = 16
C = 40


def gcn_conv(x, edge_index, W, b, num_nodes):
    # GCNConv: out = D^{-1/2} (A + I) D^{-1/2} X W + b
    src = edge_index[0]
    dst = edge_index[1]
    loop = jnp.arange(num_nodes, dtype=src.dtype)
    src = jnp.concatenate([src, loop])
    dst = jnp.concatenate([dst, loop])
    deg = jnp.zeros((num_nodes,), dtype=x.dtype).at[dst].add(1.0)
    deg_inv_sqrt = jnp.where(deg > 0, deg ** -0.5, 0.0)
    norm = deg_inv_sqrt[src] * deg_inv_sqrt[dst]
    h = x @ W
    msg = h[src] * norm[:, None]
    out = jnp.zeros((num_nodes, W.shape[1]), dtype=x.dtype).at[dst].add(msg)
    return out + b


def setup_inputs(seed: int = 0) -> dict:
    key = jax.random.key(seed)
    k1, k2, k3, k4, k5, k6 = jax.random.split(key, 6)
    x = jax.random.normal(k1, (N, D), dtype=jnp.float32)
    edge_index = jax.random.randint(k2, (2, E), 0, N, dtype=jnp.int32)
    W1 = jax.random.normal(k3, (D, H), dtype=jnp.float32) * (1.0 / np.sqrt(D))
    b1 = jnp.zeros((H,), dtype=jnp.float32)
    W2 = jax.random.normal(k4, (H, C), dtype=jnp.float32) * (1.0 / np.sqrt(H))
    b2 = jnp.zeros((C,), dtype=jnp.float32)
    return {"x": x, "edge_index": edge_index, "W1": W1, "b1": b1, "W2": W2, "b2": b2}


def reference(x, edge_index, W1, b1, W2, b2):
    h = gcn_conv(x, edge_index, W1, b1, N)
    h = jax.nn.relu(h)
    # F.dropout(x, training=self.training): module assumed in eval mode -> identity
    out = gcn_conv(h, edge_index, W2, b2, N)
    return jax.nn.log_softmax(out, axis=1)

if __name__ == "__main__":
    import jax
    _d = setup_inputs()
    print(jax.jit(kernel)(*tuple(_d.values())))

</pallas_src>

<mosaic_0001>
#map = affine_map<(d0, d1) -> (0, 0)>
#map1 = affine_map<(d0, d1) -> (0)>
module attributes {stable_mosaic.version = 14 : i64} {
  func.func @k(%arg0: i32, %arg1: i32, %arg2: memref<2560x128xi32, #tpu.memory_space<hbm>>, %arg3: memref<10240xf32, #tpu.memory_space<hbm>>, %arg4: memref<2x10240xf32, #tpu.memory_space<hbm>>, %arg5: memref<80x128xi32, #tpu.memory_space<vmem>>, %arg6: memref<128xf32, #tpu.memory_space<vmem>>, %arg7: memref<10240xf32, #tpu.memory_space<vmem_shared>>, %arg8: memref<!tpu.dma_semaphore, #tpu.memory_space<semaphore_mem>>) attributes {dimension_semantics = [#tpu.dimension_semantics<core_parallel>, #tpu.dimension_semantics<subcore_parallel>], iteration_bounds = array<i64: 2, 16>, scalar_prefetch = 0 : i64, scratch_operands = 4 : i64, tpu.core_type = #tpu.core_type<sc_vector_subcore>, window_params = [{transform_indices = #map}, {transform_indices = #map1}, {transform_indices = #map}]} {
    %mul3A = arith.constant 2 : i32
    %mul3A_0 = arith.muli %arg1, %mul3A : i32
    %add3A = arith.addi %mul3A_0, %arg0 : i32
    %mul3A_1 = arith.constant 640 : i32
    %mul3A_2 = arith.muli %arg1, %mul3A_1 : i32
    %mul3A_3 = arith.constant 640 : i32
    %mul3A_4 = arith.muli %arg1, %mul3A_3 : i32
    "tpu.region"() ({
      %run_scoped3A = tpu.sem_alloc : memref<!tpu.dma_semaphore, #tpu.memory_space<semaphore_mem>>
      %dma_start3A = tpu.memref_slice %arg7[%mul3A_4] : memref<10240xf32, #tpu.memory_space<vmem_shared>> -> memref<640xf32, #tpu.memory_space<vmem_shared>>
      %dma_start3A_63 = tpu.memref_slice %arg3[%mul3A_2] : memref<10240xf32, #tpu.memory_space<hbm>> -> memref<640xf32, #tpu.memory_space<hbm>>
      tpu.enqueue_dma source(%dma_start3A_63 : memref<640xf32, #tpu.memory_space<hbm>>) target(%dma_start3A : memref<640xf32, #tpu.memory_space<vmem_shared>>) target_semaphore(%run_scoped3A : memref<!tpu.dma_semaphore, #tpu.memory_space<semaphore_mem>>)
      %dma_wait3A = tpu.memref_slice %arg7[%mul3A_4] : memref<10240xf32, #tpu.memory_space<vmem_shared>> -> memref<640xf32, #tpu.memory_space<vmem_shared>>
      %dma_wait3A_64 = tpu.memref_slice %arg3[%mul3A_2] : memref<10240xf32, #tpu.memory_space<hbm>> -> memref<640xf32, #tpu.memory_space<hbm>>
      tpu.wait_dma2 semaphore(%run_scoped3A : memref<!tpu.dma_semaphore, #tpu.memory_space<semaphore_mem>>) src(%dma_wait3A_64 : memref<640xf32, #tpu.memory_space<hbm>>) dst(%dma_wait3A : memref<640xf32, #tpu.memory_space<vmem_shared>>)
      tpu.yield
    }) : () -> ()
    %broadcast_in_dim3A = arith.constant 1.000000e+00 : f32
    %broadcast_in_dim3A_5 = vector.broadcast %broadcast_in_dim3A : f32 to vector<16xf32>
    %swap3A = arith.constant 0 : index
    %swap3A_6 = tpu.vector_load %arg6[%swap3A] {strides = array<i32>} : memref<128xf32, #tpu.memory_space<vmem>>, vector<16xf32>,
    %swap3A_7 = vector.shape_cast %swap3A_6 : vector<16xf32> to vector<16xf32>
    %swap3A_8 = vector.shape_cast %broadcast_in_dim3A_5 : vector<16xf32> to vector<16xf32>
    tpu.vector_store %arg6[%swap3A], %swap3A_8 {strides = array<i32>} : memref<128xf32, #tpu.memory_space<vmem>>, vector<16xf32>,
    %broadcast_in_dim3A_9 = arith.constant 1.000000e+00 : f32
    %broadcast_in_dim3A_10 = vector.broadcast %broadcast_in_dim3A_9 : f32 to vector<16xf32>
    %swap3A_11 = arith.constant 16 : index
    %swap3A_12 = tpu.vector_load %arg6[%swap3A_11] {strides = array<i32>} : memref<128xf32, #tpu.memory_space<vmem>>, vector<16xf32>,
    %swap3A_13 = vector.shape_cast %swap3A_12 : vector<16xf32> to vector<16xf32>
    %swap3A_14 = vector.shape_cast %broadcast_in_dim3A_10 : vector<16xf32> to vector<16xf32>
    tpu.vector_store %arg6[%swap3A_11], %swap3A_14 {strides = array<i32>} : memref<128xf32, #tpu.memory_space<vmem>>, vector<16xf32>,
    %broadcast_in_dim3A_15 = arith.constant 1.000000e+00 : f32
    %broadcast_in_dim3A_16 = vector.broadcast %broadcast_in_dim3A_15 : f32 to vector<16xf32>
    %swap3A_17 = arith.constant 32 : index
    %swap3A_18 = tpu.vector_load %arg6[%swap3A_17] {strides = array<i32>} : memref<128xf32, #tpu.memory_space<vmem>>, vector<16xf32>,
    %swap3A_19 = vector.shape_cast %swap3A_18 : vector<16xf32> to vector<16xf32>
    %swap3A_20 = vector.shape_cast %broadcast_in_dim3A_16 : vector<16xf32> to vector<16xf32>
    tpu.vector_store %arg6[%swap3A_17], %swap3A_20 {strides = array<i32>} : memref<128xf32, #tpu.memory_space<vmem>>, vector<16xf32>,
    %broadcast_in_dim3A_21 = arith.constant 1.000000e+00 : f32
    %broadcast_in_dim3A_22 = vector.broadcast %broadcast_in_dim3A_21 : f32 to vector<16xf32>
    %swap3A_23 = arith.constant 48 : index
    %swap3A_24 = tpu.vector_load %arg6[%swap3A_23] {strides = array<i32>} : memref<128xf32, #tpu.memory_space<vmem>>, vector<16xf32>,
    %swap3A_25 = vector.shape_cast %swap3A_24 : vector<16xf32> to vector<16xf32>
    %swap3A_26 = vector.shape_cast %broadcast_in_dim3A_22 : vector<16xf32> to vector<16xf32>
    tpu.vector_store %arg6[%swap3A_23], %swap3A_26 {strides = array<i32>} : memref<128xf32, #tpu.memory_space<vmem>>, vector<16xf32>,
    %broadcast_in_dim3A_27 = arith.constant 1.000000e+00 : f32
    %broadcast_in_dim3A_28 = vector.broadcast %broadcast_in_dim3A_27 : f32 to vector<16xf32>
    %swap3A_29 = arith.constant 64 : index
    %swap3A_30 = tpu.vector_load %arg6[%swap3A_29] {strides = array<i32>} : memref<128xf32, #tpu.memory_space<vmem>>, vector<16xf32>,
    %swap3A_31 = vector.shape_cast %swap3A_30 : vector<16xf32> to vector<16xf32>
    %swap3A_32 = vector.shape_cast %broadcast_in_dim3A_28 : vector<16xf32> to vector<16xf32>
    tpu.vector_store %arg6[%swap3A_29], %swap3A_32 {strides = array<i32>} : memref<128xf32, #tpu.memory_space<vmem>>, vector<16xf32>,
    %broadcast_in_dim3A_33 = arith.constant 1.000000e+00 : f32
    %broadcast_in_dim3A_34 = vector.broadcast %broadcast_in_dim3A_33 : f32 to vector<16xf32>
    %swap3A_35 = arith.constant 80 : index
    %swap3A_36 = tpu.vector_load %arg6[%swap3A_35] {strides = array<i32>} : memref<128xf32, #tpu.memory_space<vmem>>, vector<16xf32>,
    %swap3A_37 = vector.shape_cast %swap3A_36 : vector<16xf32> to vector<16xf32>
    %swap3A_38 = vector.shape_cast %broadcast_in_dim3A_34 : vector<16xf32> to vector<16xf32>
    tpu.vector_store %arg6[%swap3A_35], %swap3A_38 {strides = array<i32>} : memref<128xf32, #tpu.memory_space<vmem>>, vector<16xf32>,
    %broadcast_in_dim3A_39 = arith.constant 1.000000e+00 : f32
    %broadcast_in_dim3A_40 = vector.broadcast %broadcast_in_dim3A_39 : f32 to vector<16xf32>
    %swap3A_41 = arith.constant 96 : index
    %swap3A_42 = tpu.vector_load %arg6[%swap3A_41] {strides = array<i32>} : memref<128xf32, #tpu.memory_space<vmem>>, vector<16xf32>,
    %swap3A_43 = vector.shape_cast %swap3A_42 : vector<16xf32> to vector<16xf32>
    %swap3A_44 = vector.shape_cast %broadcast_in_dim3A_40 : vector<16xf32> to vector<16xf32>
    tpu.vector_store %arg6[%swap3A_41], %swap3A_44 {strides = array<i32>} : memref<128xf32, #tpu.memory_space<vmem>>, vector<16xf32>,
    %broadcast_in_dim3A_45 = arith.constant 1.000000e+00 : f32
    %broadcast_in_dim3A_46 = vector.broadcast %broadcast_in_dim3A_45 : f32 to vector<16xf32>
    %swap3A_47 = arith.constant 112 : index
    %swap3A_48 = tpu.vector_load %arg6[%swap3A_47] {strides = array<i32>} : memref<128xf32, #tpu.memory_space<vmem>>, vector<16xf32>,
    %swap3A_49 = vector.shape_cast %swap3A_48 : vector<16xf32> to vector<16xf32>
    %swap3A_50 = vector.shape_cast %broadcast_in_dim3A_46 : vector<16xf32> to vector<16xf32>
    tpu.vector_store %arg6[%swap3A_47], %swap3A_50 {strides = array<i32>} : memref<128xf32, #tpu.memory_space<vmem>>, vector<16xf32>,
    %mul3A_51 = arith.constant 80 : i32
    %mul3A_52 = arith.muli %add3A, %mul3A_51 : i32
    "tpu.region"() ({
      %run_scoped3A = tpu.sem_alloc : memref<!tpu.dma_semaphore, #tpu.memory_space<semaphore_mem>>
      %dma_start3A = arith.constant 0 : i32
      %dma_start3A_63 = tpu.memref_slice %arg2[%mul3A_52, %dma_start3A] : memref<2560x128xi32, #tpu.memory_space<hbm>> -> memref<80x128xi32, #tpu.memory_space<hbm>>
      %dma_start3A_64 = arith.constant 0 : i32
      %dma_start3A_65 = tpu.memref_slice %arg2[%mul3A_52, %dma_start3A_64] : memref<2560x128xi32, #tpu.memory_space<hbm>> -> memref<80x128xi32, #tpu.memory_space<hbm>>
      tpu.enqueue_dma source(%dma_start3A_65 : memref<80x128xi32, #tpu.memory_space<hbm>>) target(%arg5 : memref<80x128xi32, #tpu.memory_space<vmem>>) target_semaphore(%run_scoped3A : memref<!tpu.dma_semaphore, #tpu.memory_space<semaphore_mem>>)
      %dma_wait3A = arith.constant 0 : i32
      %dma_wait3A_66 = tpu.memref_slice %arg2[%mul3A_52, %dma_wait3A] : memref<2560x128xi32, #tpu.memory_space<hbm>> -> memref<80x128xi32, #tpu.memory_space<hbm>>
      %dma_wait3A_67 = arith.constant 0 : i32
      %dma_wait3A_68 = tpu.memref_slice %arg2[%mul3A_52, %dma_wait3A_67] : memref<2560x128xi32, #tpu.memory_space<hbm>> -> memref<80x128xi32, #tpu.memory_space<hbm>>
      tpu.wait_dma2 semaphore(%run_scoped3A : memref<!tpu.dma_semaphore, #tpu.memory_space<semaphore_mem>>) src(%dma_wait3A_68 : memref<80x128xi32, #tpu.memory_space<hbm>>) dst(%arg5 : memref<80x128xi32, #tpu.memory_space<vmem>>)
      tpu.yield
    }) : () -> ()
    %barrier3A = arith.constant 0 : index
    tpu.barrier barrier_id(%barrier3A)
    %scan3A = arith.constant 0 : i32
    %scan3A_53 = arith.constant 0 : i32
    %scan3A_54 = arith.constant 80 : i32
    %scan3A_55 = arith.addi %scan3A_53, %scan3A_54 : i32
    %scan3A_56 = arith.constant 1 : i32
    scf.for %scan3A_63 = %scan3A_53 to %scan3A_55 step %scan3A_56  : i32 {
      "tpu.region"() ({
        %run_scoped3A = tpu.sem_alloc : memref<!tpu.dma_semaphore, #tpu.memory_space<semaphore_mem>>
        %dma_start3A = arith.constant 0 : i32
        %dma_start3A_64 = tpu.memref_slice %arg5[%scan3A_63, %dma_start3A] : memref<80x128xi32, #tpu.memory_space<vmem>> -> memref<1x128xi32, #tpu.memory_space<vmem>>
        %dma_start3A_65 = tpu.memref_squeeze %dma_start3A_64 : memref<1x128xi32, #tpu.memory_space<vmem>> -> memref<128xi32, #tpu.memory_space<vmem>>
        %dma_start3A_66 = arith.constant 0 : i32
        %dma_start3A_67 = tpu.memref_slice %arg7[%dma_start3A_66] : memref<10240xf32, #tpu.memory_space<vmem_shared>> -> memref<10240xf32, #tpu.memory_space<vmem_shared>>
        tpu.enqueue_indirect_dma source(%arg6 : memref<128xf32, #tpu.memory_space<vmem>>) target(%dma_start3A_67 : memref<10240xf32, #tpu.memory_space<vmem_shared>>) offsets(%dma_start3A_65 : memref<128xi32, #tpu.memory_space<vmem>>) semaphore(%run_scoped3A : memref<!tpu.dma_semaphore, #tpu.memory_space<semaphore_mem>>) {add = true}
        %dma_wait3A = arith.constant 0 : i32
        %dma_wait3A_68 = tpu.memref_slice %arg5[%scan3A_63, %dma_wait3A] : memref<80x128xi32, #tpu.memory_space<vmem>> -> memref<1x128xi32, #tpu.memory_space<vmem>>
        %dma_wait3A_69 = tpu.memref_squeeze %dma_wait3A_68 : memref<1x128xi32, #tpu.memory_space<vmem>> -> memref<128xi32, #tpu.memory_space<vmem>>
        %dma_wait3A_70 = arith.constant 0 : i32
        %dma_wait3A_71 = tpu.memref_slice %arg7[%dma_wait3A_70] : memref<10240xf32, #tpu.memory_space<vmem_shared>> -> memref<10240xf32, #tpu.memory_space<vmem_shared>>
        tpu.wait_indirect_dma semaphore(%run_scoped3A : memref<!tpu.dma_semaphore, #tpu.memory_space<semaphore_mem>>) src(%arg6 : memref<128xf32, #tpu.memory_space<vmem>>) dst(%dma_wait3A_71 : memref<10240xf32, #tpu.memory_space<vmem_shared>>)
        tpu.yield
      }) : () -> ()
    }
    %scan3A_57 = arith.constant 80 : i32
    %barrier3A_58 = arith.constant 0 : index
    tpu.barrier barrier_id(%barrier3A_58)
    %mul3A_59 = arith.constant 640 : i32
    %mul3A_60 = arith.muli %arg1, %mul3A_59 : i32
    %mul3A_61 = arith.constant 640 : i32
    %mul3A_62 = arith.muli %arg1, %mul3A_61 : i32
    "tpu.region"() ({
      %run_scoped3A = tpu.sem_alloc : memref<!tpu.dma_semaphore, #tpu.memory_space<semaphore_mem>>
      %dma_start3A = tpu.memref_slice %arg4[%arg0, %mul3A_62] : memref<2x10240xf32, #tpu.memory_space<hbm>> -> memref<1x640xf32, #tpu.memory_space<hbm>>
      %dma_start3A_63 = tpu.memref_squeeze %dma_start3A : memref<1x640xf32, #tpu.memory_space<hbm>> -> memref<640xf32, #tpu.memory_space<hbm>>
      %dma_start3A_64 = tpu.memref_slice %arg7[%mul3A_60] : memref<10240xf32, #tpu.memory_space<vmem_shared>> -> memref<640xf32, #tpu.memory_space<vmem_shared>>
      tpu.enqueue_dma source(%dma_start3A_64 : memref<640xf32, #tpu.memory_space<vmem_shared>>) target(%dma_start3A_63 : memref<640xf32, #tpu.memory_space<hbm>>) target_semaphore(%run_scoped3A : memref<!tpu.dma_semaphore, #tpu.memory_space<semaphore_mem>>)
      %dma_wait3A = tpu.memref_slice %arg4[%arg0, %mul3A_62] : memref<2x10240xf32, #tpu.memory_space<hbm>> -> memref<1x640xf32, #tpu.memory_space<hbm>>
      %dma_wait3A_65 = tpu.memref_squeeze %dma_wait3A : memref<1x640xf32, #tpu.memory_space<hbm>> -> memref<640xf32, #tpu.memory_space<hbm>>
      %dma_wait3A_66 = tpu.memref_slice %arg7[%mul3A_60] : memref<10240xf32, #tpu.memory_space<vmem_shared>> -> memref<640xf32, #tpu.memory_space<vmem_shared>>
      tpu.wait_dma2 semaphore(%run_scoped3A : memref<!tpu.dma_semaphore, #tpu.memory_space<semaphore_mem>>) src(%dma_wait3A_66 : memref<640xf32, #tpu.memory_space<vmem_shared>>) dst(%dma_wait3A_65 : memref<640xf32, #tpu.memory_space<hbm>>)
      tpu.yield
    }) : () -> ()
    return
  }
}

#map = affine_map<(d0, d1) -> (0, 0)>
#map1 = affine_map<(d0, d1) -> (0, 0, 0)>
module attributes {stable_mosaic.version = 14 : i64} {
  func.func @k(%arg0: i32, %arg1: i32, %arg2: memref<320x1024xi32, #tpu.memory_space<hbm>>, %arg3: memref<320x1024xi32, #tpu.memory_space<hbm>>, %arg4: memref<10000x16xf32, #tpu.memory_space<hbm>>, %arg5: memref<10240x16xf32, #tpu.memory_space<hbm>>, %arg6: memref<2x10240x16xf32, #tpu.memory_space<hbm>>, %arg7: memref<10x1024xi32, #tpu.memory_space<vmem>>, %arg8: memref<10x1024xi32, #tpu.memory_space<vmem>>, %arg9: memref<1024x16xf32, #tpu.memory_space<vmem>>, %arg10: memref<1024x16xf32, #tpu.memory_space<vmem>>, %arg11: memref<10240x16xf32, #tpu.memory_space<vmem_shared>>, %arg12: memref<10000x16xf32, #tpu.memory_space<vmem_shared>>, %arg13: memref<!tpu.dma_semaphore, #tpu.memory_space<semaphore_mem>>, %arg14: memref<!tpu.dma_semaphore, #tpu.memory_space<semaphore_mem>>, %arg15: memref<!tpu.dma_semaphore, #tpu.memory_space<semaphore_mem>>, %arg16: memref<!tpu.dma_semaphore, #tpu.memory_space<semaphore_mem>>) attributes {dimension_semantics = [#tpu.dimension_semantics<core_parallel>, #tpu.dimension_semantics<subcore_parallel>], iteration_bounds = array<i64: 2, 16>, scalar_prefetch = 0 : i64, scratch_operands = 10 : i64, tpu.core_type = #tpu.core_type<sc_vector_subcore>, window_params = [{transform_indices = #map}, {transform_indices = #map}, {transform_indices = #map}, {transform_indices = #map}, {transform_indices = #map1}]} {
    %mul3A = arith.constant 2 : i32
    %mul3A_0 = arith.muli %arg1, %mul3A : i32
    %add3A = arith.addi %mul3A_0, %arg0 : i32
    %mul3A_1 = arith.constant 640 : i32
    %mul3A_2 = arith.muli %arg1, %mul3A_1 : i32
    %mul3A_3 = arith.constant 640 : i32
    %mul3A_4 = arith.muli %arg1, %mul3A_3 : i32
    "tpu.region"() ({
      %run_scoped3A = tpu.sem_alloc : memref<!tpu.dma_semaphore, #tpu.memory_space<semaphore_mem>>
      %dma_start3A_79 = arith.constant 0 : i32
      %dma_start3A_80 = tpu.memref_slice %arg11[%mul3A_4, %dma_start3A_79] : memref<10240x16xf32, #tpu.memory_space<vmem_shared>> -> memref<640x16xf32, #tpu.memory_space<vmem_shared>>
      %dma_start3A_81 = arith.constant 0 : i32
      %dma_start3A_82 = tpu.memref_slice %arg5[%mul3A_2, %dma_start3A_81] : memref<10240x16xf32, #tpu.memory_space<hbm>> -> memref<640x16xf32, #tpu.memory_space<hbm>>
      tpu.enqueue_dma source(%dma_start3A_82 : memref<640x16xf32, #tpu.memory_space<hbm>>) target(%dma_start3A_80 : memref<640x16xf32, #tpu.memory_space<vmem_shared>>) target_semaphore(%run_scoped3A : memref<!tpu.dma_semaphore, #tpu.memory_space<semaphore_mem>>)
      %dma_wait3A_83 = arith.constant 0 : i32
      %dma_wait3A_84 = tpu.memref_slice %arg11[%mul3A_4, %dma_wait3A_83] : memref<10240x16xf32, #tpu.memory_space<vmem_shared>> -> memref<640x16xf32, #tpu.memory_space<vmem_shared>>
      %dma_wait3A_85 = arith.constant 0 : i32
      %dma_wait3A_86 = tpu.memref_slice %arg5[%mul3A_2, %dma_wait3A_85] : memref<10240x16xf32, #tpu.memory_space<hbm>> -> memref<640x16xf32, #tpu.memory_space<hbm>>
      tpu.wait_dma2 semaphore(%run_scoped3A : memref<!tpu.dma_semaphore, #tpu.memory_space<semaphore_mem>>) src(%dma_wait3A_86 : memref<640x16xf32, #tpu.memory_space<hbm>>) dst(%dma_wait3A_84 : memref<640x16xf32, #tpu.memory_space<vmem_shared>>)
      tpu.yield
    }) : () -> ()
    %mul3A_5 = arith.constant 624 : i32
    %mul3A_6 = arith.muli %arg1, %mul3A_5 : i32
    %mul3A_7 = arith.constant 624 : i32
    %mul3A_8 = arith.muli %arg1, %mul3A_7 : i32
    "tpu.region"() ({
      %run_scoped3A = tpu.sem_alloc : memref<!tpu.dma_semaphore, #tpu.memory_space<semaphore_mem>>
      %dma_start3A_79 = arith.constant 0 : i32
      %dma_start3A_80 = tpu.memref_slice %arg12[%mul3A_8, %dma_start3A_79] : memref<10000x16xf32, #tpu.memory_space<vmem_shared>> -> memref<624x16xf32, #tpu.memory_space<vmem_shared>>
      %dma_start3A_81 = arith.constant 0 : i32
      %dma_start3A_82 = tpu.memref_slice %arg4[%mul3A_6, %dma_start3A_81] : memref<10000x16xf32, #tpu.memory_space<hbm>> -> memref<624x16xf32, #tpu.memory_space<hbm>>
      tpu.enqueue_dma source(%dma_start3A_82 : memref<624x16xf32, #tpu.memory_space<hbm>>) target(%dma_start3A_80 : memref<624x16xf32, #tpu.memory_space<vmem_shared>>) target_semaphore(%run_scoped3A : memref<!tpu.dma_semaphore, #tpu.memory_space<semaphore_mem>>)
      %dma_wait3A_83 = arith.constant 0 : i32
      %dma_wait3A_84 = tpu.memref_slice %arg12[%mul3A_8, %dma_wait3A_83] : memref<10000x16xf32, #tpu.memory_space<vmem_shared>> -> memref<624x16xf32, #tpu.memory_space<vmem_shared>>
      %dma_wait3A_85 = arith.constant 0 : i32
      %dma_wait3A_86 = tpu.memref_slice %arg4[%mul3A_6, %dma_wait3A_85] : memref<10000x16xf32, #tpu.memory_space<hbm>> -> memref<624x16xf32, #tpu.memory_space<hbm>>
      tpu.wait_dma2 semaphore(%run_scoped3A : memref<!tpu.dma_semaphore, #tpu.memory_space<semaphore_mem>>) src(%dma_wait3A_86 : memref<624x16xf32, #tpu.memory_space<hbm>>) dst(%dma_wait3A_84 : memref<624x16xf32, #tpu.memory_space<vmem_shared>>)
      tpu.yield
    }) : () -> ()
    %eq3A = arith.constant 0 : i32
    %eq3A_9 = arith.cmpi eq, %arg1, %eq3A : i32
    %convert_element_type3A = arith.extui %eq3A_9 : i1 to i32
    %cond3A = arith.constant 0 : i32
    %cond3A_10 = arith.cmpi ne, %convert_element_type3A, %cond3A : i32
    scf.if %cond3A_10 {
      "tpu.region"() ({
        %run_scoped3A = tpu.sem_alloc : memref<!tpu.dma_semaphore, #tpu.memory_space<semaphore_mem>>
        %dma_start3A_79 = arith.constant 9984 : i32
        %dma_start3A_80 = arith.constant 0 : i32
        %dma_start3A_81 = tpu.memref_slice %arg12[%dma_start3A_79, %dma_start3A_80] : memref<10000x16xf32, #tpu.memory_space<vmem_shared>> -> memref<16x16xf32, #tpu.memory_space<vmem_shared>>
        %dma_start3A_82 = arith.constant 9984 : i32
        %dma_start3A_83 = arith.constant 0 : i32
        %dma_start3A_84 = tpu.memref_slice %arg4[%dma_start3A_82, %dma_start3A_83] : memref<10000x16xf32, #tpu.memory_space<hbm>> -> memref<16x16xf32, #tpu.memory_space<hbm>>
        tpu.enqueue_dma source(%dma_start3A_84 : memref<16x16xf32, #tpu.memory_space<hbm>>) target(%dma_start3A_81 : memref<16x16xf32, #tpu.memory_space<vmem_shared>>) target_semaphore(%run_scoped3A : memref<!tpu.dma_semaphore, #tpu.memory_space<semaphore_mem>>)
        %dma_wait3A_85 = arith.constant 9984 : i32
        %dma_wait3A_86 = arith.constant 0 : i32
        %dma_wait3A_87 = tpu.memref_slice %arg12[%dma_wait3A_85, %dma_wait3A_86] : memref<10000x16xf32, #tpu.memory_space<vmem_shared>> -> memref<16x16xf32, #tpu.memory_space<vmem_shared>>
        %dma_wait3A_88 = arith.constant 9984 : i32
        %dma_wait3A_89 = arith.constant 0 : i32
        %dma_wait3A_90 = tpu.memref_slice %arg4[%dma_wait3A_88, %dma_wait3A_89] : memref<10000x16xf32, #tpu.memory_space<hbm>> -> memref<16x16xf32, #tpu.memory_space<hbm>>
        tpu.wait_dma2 semaphore(%run_scoped3A : memref<!tpu.dma_semaphore, #tpu.memory_space<semaphore_mem>>) src(%dma_wait3A_90 : memref<16x16xf32, #tpu.memory_space<hbm>>) dst(%dma_wait3A_87 : memref<16x16xf32, #tpu.memory_space<vmem_shared>>)
        tpu.yield
      }) : () -> ()
    } else {
    }
    %mul3A_11 = arith.constant 10 : i32
    %mul3A_12 = arith.muli %add3A, %mul3A_11 : i32
    "tpu.region"() ({
      %run_scoped3A = tpu.sem_alloc : memref<!tpu.dma_semaphore, #tpu.memory_space<semaphore_mem>>
      %dma_start3A_79 = arith.constant 0 : i32
      %dma_start3A_80 = tpu.memref_slice %arg2[%mul3A_12, %dma_start3A_79] : memref<320x1024xi32, #tpu.memory_space<hbm>> -> memref<10x1024xi32, #tpu.memory_space<hbm>>
      %dma_start3A_81 = arith.constant 0 : i32
      %dma_start3A_82 = tpu.memref_slice %arg2[%mul3A_12, %dma_start3A_81] : memref<320x1024xi32, #tpu.memory_space<hbm>> -> memref<10x1024xi32, #tpu.memory_space<hbm>>
      tpu.enqueue_dma source(%dma_start3A_82 : memref<10x1024xi32, #tpu.memory_space<hbm>>) target(%arg7 : memref<10x1024xi32, #tpu.memory_space<vmem>>) target_semaphore(%run_scoped3A : memref<!tpu.dma_semaphore, #tpu.memory_space<semaphore_mem>>)
      %dma_wait3A_83 = arith.constant 0 : i32
      %dma_wait3A_84 = tpu.memref_slice %arg2[%mul3A_12, %dma_wait3A_83] : memref<320x1024xi32, #tpu.memory_space<hbm>> -> memref<10x1024xi32, #tpu.memory_space<hbm>>
      %dma_wait3A_85 = arith.constant 0 : i32
      %dma_wait3A_86 = tpu.memref_slice %arg2[%mul3A_12, %dma_wait3A_85] : memref<320x1024xi32, #tpu.memory_space<hbm>> -> memref<10x1024xi32, #tpu.memory_space<hbm>>
      tpu.wait_dma2 semaphore(%run_scoped3A : memref<!tpu.dma_semaphore, #tpu.memory_space<semaphore_mem>>) src(%dma_wait3A_86 : memref<10x1024xi32, #tpu.memory_space<hbm>>) dst(%arg7 : memref<10x1024xi32, #tpu.memory_space<vmem>>)
      tpu.yield
    }) : () -> ()
    %mul3A_13 = arith.constant 10 : i32
    %mul3A_14 = arith.muli %add3A, %mul3A_13 : i32
    "tpu.region"() ({
      %run_scoped3A = tpu.sem_alloc : memref<!tpu.dma_semaphore, #tpu.memory_space<semaphore_mem>>
      %dma_start3A_79 = arith.constant 0 : i32
      %dma_start3A_80 = tpu.memref_slice %arg3[%mul3A_14, %dma_start3A_79] : memref<320x1024xi32, #tpu.memory_space<hbm>> -> memref<10x1024xi32, #tpu.memory_space<hbm>>
      %dma_start3A_81 = arith.constant 0 : i32
      %dma_start3A_82 = tpu.memref_slice %arg3[%mul3A_14, %dma_start3A_81] : memref<320x1024xi32, #tpu.memory_space<hbm>> -> memref<10x1024xi32, #tpu.memory_space<hbm>>
      tpu.enqueue_dma source(%dma_start3A_82 : memref<10x1024xi32, #tpu.memory_space<hbm>>) target(%arg8 : memref<10x1024xi32, #tpu.memory_space<vmem>>) target_semaphore(%run_scoped3A : memref<!tpu.dma_semaphore, #tpu.memory_space<semaphore_mem>>)
      %dma_wait3A_83 = arith.constant 0 : i32
      %dma_wait3A_84 = tpu.memref_slice %arg3[%mul3A_14, %dma_wait3A_83] : memref<320x1024xi32, #tpu.memory_space<hbm>> -> memref<10x1024xi32, #tpu.memory_space<hbm>>
      %dma_wait3A_85 = arith.constant 0 : i32
      %dma_wait3A_86 = tpu.memref_slice %arg3[%mul3A_14, %dma_wait3A_85] : memref<320x1024xi32, #tpu.memory_space<hbm>> -> memref<10x1024xi32, #tpu.memory_space<hbm>>
      tpu.wait_dma2 semaphore(%run_scoped3A : memref<!tpu.dma_semaphore, #tpu.memory_space<semaphore_mem>>) src(%dma_wait3A_86 : memref<10x1024xi32, #tpu.memory_space<hbm>>) dst(%arg8 : memref<10x1024xi32, #tpu.memory_space<vmem>>)
      tpu.yield
    }) : () -> ()
    %barrier3A = arith.constant 0 : index
    tpu.barrier barrier_id(%barrier3A)
    %dma_start3A = arith.constant 0 : i32
    %dma_start3A_15 = arith.constant 0 : i32
    %dma_start3A_16 = tpu.memref_slice %arg7[%dma_start3A, %dma_start3A_15] : memref<10x1024xi32, #tpu.memory_space<vmem>> -> memref<1x1024xi32, #tpu.memory_space<vmem>>
    %dma_start3A_17 = tpu.memref_squeeze %dma_start3A_16 : memref<1x1024xi32, #tpu.memory_space<vmem>> -> memref<1024xi32, #tpu.memory_space<vmem>>
    %dma_start3A_18 = arith.constant 0 : i32
    %dma_start3A_19 = arith.constant 0 : i32
    %dma_start3A_20 = tpu.memref_slice %arg12[%dma_start3A_18, %dma_start3A_19] : memref<10000x16xf32, #tpu.memory_space<vmem_shared>> -> memref<10000x16xf32, #tpu.memory_space<vmem_shared>>
    tpu.enqueue_indirect_dma source(%dma_start3A_20 : memref<10000x16xf32, #tpu.memory_space<vmem_shared>>) target(%arg9 : memref<1024x16xf32, #tpu.memory_space<vmem>>) offsets(%dma_start3A_17 : memref<1024xi32, #tpu.memory_space<vmem>>) semaphore(%arg13 : memref<!tpu.dma_semaphore, #tpu.memory_space<semaphore_mem>>)
    %dma_wait3A = arith.constant 0 : i32
    %dma_wait3A_21 = arith.constant 0 : i32
    %dma_wait3A_22 = tpu.memref_slice %arg7[%dma_wait3A, %dma_wait3A_21] : memref<10x1024xi32, #tpu.memory_space<vmem>> -> memref<1x1024xi32, #tpu.memory_space<vmem>>
    %dma_wait3A_23 = tpu.memref_squeeze %dma_wait3A_22 : memref<1x1024xi32, #tpu.memory_space<vmem>> -> memref<1024xi32, #tpu.memory_space<vmem>>
    %dma_wait3A_24 = arith.constant 0 : i32
    %dma_wait3A_25 = arith.constant 0 : i32
    %dma_wait3A_26 = tpu.memref_slice %arg12[%dma_wait3A_24, %dma_wait3A_25] : memref<10000x16xf32, #tpu.memory_space<vmem_shared>> -> memref<10000x16xf32, #tpu.memory_space<vmem_shared>>
    tpu.wait_indirect_dma semaphore(%arg13 : memref<!tpu.dma_semaphore, #tpu.memory_space<semaphore_mem>>) src(%dma_wait3A_26 : memref<10000x16xf32, #tpu.memory_space<vmem_shared>>) dst(%arg9 : memref<1024x16xf32, #tpu.memory_space<vmem>>)
    %dma_start3A_27 = arith.constant 0 : i32
    %dma_start3A_28 = arith.constant 0 : i32
    %dma_start3A_29 = tpu.memref_slice %arg8[%dma_start3A_27, %dma_start3A_28] : memref<10x1024xi32, #tpu.memory_space<vmem>> -> memref<1x1024xi32, #tpu.memory_space<vmem>>
    %dma_start3A_30 = tpu.memref_squeeze %dma_start3A_29 : memref<1x1024xi32, #tpu.memory_space<vmem>> -> memref<1024xi32, #tpu.memory_space<vmem>>
    %dma_start3A_31 = arith.constant 0 : i32
    %dma_start3A_32 = arith.constant 0 : i32
    %dma_start3A_33 = tpu.memref_slice %arg11[%dma_start3A_31, %dma_start3A_32] : memref<10240x16xf32, #tpu.memory_space<vmem_shared>> -> memref<10240x16xf32, #tpu.memory_space<vmem_shared>>
    tpu.enqueue_indirect_dma source(%arg9 : memref<1024x16xf32, #tpu.memory_space<vmem>>) target(%dma_start3A_33 : memref<10240x16xf32, #tpu.memory_space<vmem_shared>>) offsets(%dma_start3A_30 : memref<1024xi32, #tpu.memory_space<vmem>>) semaphore(%arg15 : memref<!tpu.dma_semaphore, #tpu.memory_space<semaphore_mem>>) {add = true}
    %dma_start3A_34 = arith.constant 1 : i32
    %dma_start3A_35 = arith.constant 0 : i32
    %dma_start3A_36 = tpu.memref_slice %arg7[%dma_start3A_34, %dma_start3A_35] : memref<10x1024xi32, #tpu.memory_space<vmem>> -> memref<1x1024xi32, #tpu.memory_space<vmem>>
    %dma_start3A_37 = tpu.memref_squeeze %dma_start3A_36 : memref<1x1024xi32, #tpu.memory_space<vmem>> -> memref<1024xi32, #tpu.memory_space<vmem>>
    %dma_start3A_38 = arith.constant 0 : i32
    %dma_start3A_39 = arith.constant 0 : i32
    %dma_start3A_40 = tpu.memref_slice %arg12[%dma_start3A_38, %dma_start3A_39] : memref<10000x16xf32, #tpu.memory_space<vmem_shared>> -> memref<10000x16xf32, #tpu.memory_space<vmem_shared>>
    tpu.enqueue_indirect_dma source(%dma_start3A_40 : memref<10000x16xf32, #tpu.memory_space<vmem_shared>>) target(%arg10 : memref<1024x16xf32, #tpu.memory_space<vmem>>) offsets(%dma_start3A_37 : memref<1024xi32, #tpu.memory_space<vmem>>) semaphore(%arg14 : memref<!tpu.dma_semaphore, #tpu.memory_space<semaphore_mem>>)
    %scan3A = arith.constant 0 : i32
    %scan3A_41 = arith.constant 0 : i32
    %scan3A_42 = arith.constant 4 : i32
    %scan3A_43 = arith.addi %scan3A_41, %scan3A_42 : i32
    %scan3A_44 = arith.constant 1 : i32
    scf.for %scan3A_79 = %scan3A_41 to %scan3A_43 step %scan3A_44  : i32 {
      %mul3A_80 = arith.constant 2 : i32
      %mul3A_81 = arith.muli %mul3A_80, %scan3A_79 : i32
      %add3A_82 = arith.constant 1 : i32
      %add3A_83 = arith.addi %mul3A_81, %add3A_82 : i32
      %dma_wait3A_84 = arith.constant 0 : i32
      %dma_wait3A_85 = arith.constant 0 : i32
      %dma_wait3A_86 = tpu.memref_slice %arg7[%dma_wait3A_84, %dma_wait3A_85] : memref<10x1024xi32, #tpu.memory_space<vmem>> -> memref<1x1024xi32, #tpu.memory_space<vmem>>
      %dma_wait3A_87 = tpu.memref_squeeze %dma_wait3A_86 : memref<1x1024xi32, #tpu.memory_space<vmem>> -> memref<1024xi32, #tpu.memory_space<vmem>>
      %dma_wait3A_88 = arith.constant 0 : i32
      %dma_wait3A_89 = arith.constant 0 : i32
      %dma_wait3A_90 = tpu.memref_slice %arg12[%dma_wait3A_88, %dma_wait3A_89] : memref<10000x16xf32, #tpu.memory_space<vmem_shared>> -> memref<10000x16xf32, #tpu.memory_space<vmem_shared>>
      tpu.wait_indirect_dma semaphore(%arg14 : memref<!tpu.dma_semaphore, #tpu.memory_space<semaphore_mem>>) src(%dma_wait3A_90 : memref<10000x16xf32, #tpu.memory_space<vmem_shared>>) dst(%arg10 : memref<1024x16xf32, #tpu.memory_space<vmem>>)
      %dma_start3A_91 = arith.constant 0 : i32
      %dma_start3A_92 = tpu.memref_slice %arg8[%add3A_83, %dma_start3A_91] : memref<10x1024xi32, #tpu.memory_space<vmem>> -> memref<1x1024xi32, #tpu.memory_space<vmem>>
      %dma_start3A_93 = tpu.memref_squeeze %dma_start3A_92 : memref<1x1024xi32, #tpu.memory_space<vmem>> -> memref<1024xi32, #tpu.memory_space<vmem>>
      %dma_start3A_94 = arith.constant 0 : i32
      %dma_start3A_95 = arith.constant 0 : i32
      %dma_start3A_96 = tpu.memref_slice %arg11[%dma_start3A_94, %dma_start3A_95] : memref<10240x16xf32, #tpu.memory_space<vmem_shared>> -> memref<10240x16xf32, #tpu.memory_space<vmem_shared>>
      tpu.enqueue_indirect_dma source(%arg10 : memref<1024x16xf32, #tpu.memory_space<vmem>>) target(%dma_start3A_96 : memref<10240x16xf32, #tpu.memory_space<vmem_shared>>) offsets(%dma_start3A_93 : memref<1024xi32, #tpu.memory_space<vmem>>) semaphore(%arg16 : memref<!tpu.dma_semaphore, #tpu.memory_space<semaphore_mem>>) {add = true}
      %dma_wait3A_97 = arith.constant 0 : i32
      %dma_wait3A_98 = arith.constant 0 : i32
      %dma_wait3A_99 = tpu.memref_slice %arg8[%dma_wait3A_97, %dma_wait3A_98] : memref<10x1024xi32, #tpu.memory_space<vmem>> -> memref<1x1024xi32, #tpu.memory_space<vmem>>
      %dma_wait3A_100 = tpu.memref_squeeze %dma_wait3A_99 : memref<1x1024xi32, #tpu.memory_space<vmem>> -> memref<1024xi32, #tpu.memory_space<vmem>>
      %dma_wait3A_101 = arith.constant 0 : i32
      %dma_wait3A_102 = arith.constant 0 : i32
      %dma_wait3A_103 = tpu.memref_slice %arg11[%dma_wait3A_101, %dma_wait3A_102] : memref<10240x16xf32, #tpu.memory_space<vmem_shared>> -> memref<10240x16xf32, #tpu.memory_space<vmem_shared>>
      tpu.wait_indirect_dma semaphore(%arg15 : memref<!tpu.dma_semaphore, #tpu.memory_space<semaphore_mem>>) src(%arg9 : memref<1024x16xf32, #tpu.memory_space<vmem>>) dst(%dma_wait3A_103 : memref<10240x16xf32, #tpu.memory_space<vmem_shared>>)
      %add3A_104 = arith.constant 1 : i32
      %add3A_105 = arith.addi %add3A_83, %add3A_104 : i32
      %dma_start3A_106 = arith.constant 0 : i32
      %dma_start3A_107 = tpu.memref_slice %arg7[%add3A_105, %dma_start3A_106] : memref<10x1024xi32, #tpu.memory_space<vmem>> -> memref<1x1024xi32, #tpu.memory_space<vmem>>
      %dma_start3A_108 = tpu.memref_squeeze %dma_start3A_107 : memref<1x1024xi32, #tpu.memory_space<vmem>> -> memref<1024xi32, #tpu.memory_space<vmem>>
      %dma_start3A_109 = arith.constant 0 : i32
      %dma_start3A_110 = arith.constant 0 : i32
      %dma_start3A_111 = tpu.memref_slice %arg12[%dma_start3A_109, %dma_start3A_110] : memref<10000x16xf32, #tpu.memory_space<vmem_shared>> -> memref<10000x16xf32, #tpu.memory_space<vmem_shared>>
      tpu.enqueue_indirect_dma source(%dma_start3A_111 : memref<10000x16xf32, #tpu.memory_space<vmem_shared>>) target(%arg9 : memref<1024x16xf32, #tpu.memory_space<vmem>>) offsets(%dma_start3A_108 : memref<1024xi32, #tpu.memory_space<vmem>>) semaphore(%arg13 : memref<!tpu.dma_semaphore, #tpu.memory_space<semaphore_mem>>)
      %dma_wait3A_112 = arith.constant 0 : i32
      %dma_wait3A_113 = arith.constant 0 : i32
      %dma_wait3A_114 = tpu.memref_slice %arg7[%dma_wait3A_112, %dma_wait3A_113] : memref<10x1024xi32, #tpu.memory_space<vmem>> -> memref<1x1024xi32, #tpu.memory_space<vmem>>
      %dma_wait3A_115 = tpu.memref_squeeze %dma_wait3A_114 : memref<1x1024xi32, #tpu.memory_space<vmem>> -> memref<1024xi32, #tpu.memory_space<vmem>>
      %dma_wait3A_116 = arith.constant 0 : i32
      %dma_wait3A_117 = arith.constant 0 : i32
      %dma_wait3A_118 = tpu.memref_slice %arg12[%dma_wait3A_116, %dma_wait3A_117] : memref<10000x16xf32, #tpu.memory_space<vmem_shared>> -> memref<10000x16xf32, #tpu.memory_space<vmem_shared>>
      tpu.wait_indirect_dma semaphore(%arg13 : memref<!tpu.dma_semaphore, #tpu.memory_space<semaphore_mem>>) src(%dma_wait3A_118 : memref<10000x16xf32, #tpu.memory_space<vmem_shared>>) dst(%arg9 : memref<1024x16xf32, #tpu.memory_space<vmem>>)
      %add3A_119 = arith.constant 1 : i32
      %add3A_120 = arith.addi %add3A_83, %add3A_119 : i32
      %dma_start3A_121 = arith.constant 0 : i32
      %dma_start3A_122 = tpu.memref_slice %arg8[%add3A_120, %dma_start3A_121] : memref<10x1024xi32, #tpu.memory_space<vmem>> -> memref<1x1024xi32, #tpu.memory_space<vmem>>
      %dma_start3A_123 = tpu.memref_squeeze %dma_start3A_122 : memref<1x1024xi32, #tpu.memory_space<vmem>> -> memref<1024xi32, #tpu.memory_space<vmem>>
      %dma_start3A_124 = arith.constant 0 : i32
      %dma_start3A_125 = arith.constant 0 : i32
      %dma_start3A_126 = tpu.memref_slice %arg11[%dma_start3A_124, %dma_start3A_125] : memref<10240x16xf32, #tpu.memory_space<vmem_shared>> -> memref<10240x16xf32, #tpu.memory_space<vmem_shared>>
      tpu.enqueue_indirect_dma source(%arg9 : memref<1024x16xf32, #tpu.memory_space<vmem>>) target(%dma_start3A_126 : memref<10240x16xf32, #tpu.memory_space<vmem_shared>>) offsets(%dma_start3A_123 : memref<1024xi32, #tpu.memory_space<vmem>>) semaphore(%arg15 : memref<!tpu.dma_semaphore, #tpu.memory_space<semaphore_mem>>) {add = true}
      %dma_wait3A_127 = arith.constant 0 : i32
      %dma_wait3A_128 = arith.constant 0 : i32
      %dma_wait3A_129 = tpu.memref_slice %arg8[%dma_wait3A_127, %dma_wait3A_128] : memref<10x1024xi32, #tpu.memory_space<vmem>> -> memref<1x1024xi32, #tpu.memory_space<vmem>>
      %dma_wait3A_130 = tpu.memref_squeeze %dma_wait3A_129 : memref<1x1024xi32, #tpu.memory_space<vmem>> -> memref<1024xi32, #tpu.memory_space<vmem>>
      %dma_wait3A_131 = arith.constant 0 : i32
      %dma_wait3A_132 = arith.constant 0 : i32
      %dma_wait3A_133 = tpu.memref_slice %arg11[%dma_wait3A_131, %dma_wait3A_132] : memref<10240x16xf32, #tpu.memory_space<vmem_shared>> -> memref<10240x16xf32, #tpu.memory_space<vmem_shared>>
      tpu.wait_indirect_dma semaphore(%arg16 : memref<!tpu.dma_semaphore, #tpu.memory_space<semaphore_mem>>) src(%arg10 : memref<1024x16xf32, #tpu.memory_space<vmem>>) dst(%dma_wait3A_133 : memref<10240x16xf32, #tpu.memory_space<vmem_shared>>)
      %add3A_134 = arith.constant 2 : i32
      %add3A_135 = arith.addi %add3A_83, %add3A_134 : i32
      %dma_start3A_136 = arith.constant 0 : i32
      %dma_start3A_137 = tpu.memref_slice %arg7[%add3A_135, %dma_start3A_136] : memref<10x1024xi32, #tpu.memory_space<vmem>> -> memref<1x1024xi32, #tpu.memory_space<vmem>>
      %dma_start3A_138 = tpu.memref_squeeze %dma_start3A_137 : memref<1x1024xi32, #tpu.memory_space<vmem>> -> memref<1024xi32, #tpu.memory_space<vmem>>
      %dma_start3A_139 = arith.constant 0 : i32
      %dma_start3A_140 = arith.constant 0 : i32
      %dma_start3A_141 = tpu.memref_slice %arg12[%dma_start3A_139, %dma_start3A_140] : memref<10000x16xf32, #tpu.memory_space<vmem_shared>> -> memref<10000x16xf32, #tpu.memory_space<vmem_shared>>
      tpu.enqueue_indirect_dma source(%dma_start3A_141 : memref<10000x16xf32, #tpu.memory_space<vmem_shared>>) target(%arg10 : memref<1024x16xf32, #tpu.memory_space<vmem>>) offsets(%dma_start3A_138 : memref<1024xi32, #tpu.memory_space<vmem>>) semaphore(%arg14 : memref<!tpu.dma_semaphore, #tpu.memory_space<semaphore_mem>>)
    }
    %scan3A_45 = arith.constant 4 : i32
    %dma_wait3A_46 = arith.constant 0 : i32
    %dma_wait3A_47 = arith.constant 0 : i32
    %dma_wait3A_48 = tpu.memref_slice %arg7[%dma_wait3A_46, %dma_wait3A_47] : memref<10x1024xi32, #tpu.memory_space<vmem>> -> memref<1x1024xi32, #tpu.memory_space<vmem>>
    %dma_wait3A_49 = tpu.memref_squeeze %dma_wait3A_48 : memref<1x1024xi32, #tpu.memory_space<vmem>> -> memref<1024xi32, #tpu.memory_space<vmem>>
    %dma_wait3A_50 = arith.constant 0 : i32
    %dma_wait3A_51 = arith.constant 0 : i32
    %dma_wait3A_52 = tpu.memref_slice %arg12[%dma_wait3A_50, %dma_wait3A_51] : memref<10000x16xf32, #tpu.memory_space<vmem_shared>> -> memref<10000x16xf32, #tpu.memory_space<vmem_shared>>
    tpu.wait_indirect_dma semaphore(%arg14 : memref<!tpu.dma_semaphore, #tpu.memory_space<semaphore_mem>>) src(%dma_wait3A_52 : memref<10000x16xf32, #tpu.memory_space<vmem_shared>>) dst(%arg10 : memref<1024x16xf32, #tpu.memory_space<vmem>>)
    %dma_start3A_53 = arith.constant 9 : i32
    %dma_start3A_54 = arith.constant 0 : i32
    %dma_start3A_55 = tpu.memref_slice %arg8[%dma_start3A_53, %dma_start3A_54] : memref<10x1024xi32, #tpu.memory_space<vmem>> -> memref<1x1024xi32, #tpu.memory_space<vmem>>
    %dma_start3A_56 = tpu.memref_squeeze %dma_start3A_55 : memref<1x1024xi32, #tpu.memory_space<vmem>> -> memref<1024xi32, #tpu.memory_space<vmem>>
    %dma_start3A_57 = arith.constant 0 : i32
    %dma_start3A_58 = arith.constant 0 : i32
    %dma_start3A_59 = tpu.memref_slice %arg11[%dma_start3A_57, %dma_start3A_58] : memref<10240x16xf32, #tpu.memory_space<vmem_shared>> -> memref<10240x16xf32, #tpu.memory_space<vmem_shared>>
    tpu.enqueue_indirect_dma source(%arg10 : memref<1024x16xf32, #tpu.memory_space<vmem>>) target(%dma_start3A_59 : memref<10240x16xf32, #tpu.memory_space<vmem_shared>>) offsets(%dma_start3A_56 : memref<1024xi32, #tpu.memory_space<vmem>>) semaphore(%arg16 : memref<!tpu.dma_semaphore, #tpu.memory_space<semaphore_mem>>) {add = true}
    %dma_wait3A_60 = arith.constant 0 : i32
    %dma_wait3A_61 = arith.constant 0 : i32
    %dma_wait3A_62 = tpu.memref_slice %arg8[%dma_wait3A_60, %dma_wait3A_61] : memref<10x1024xi32, #tpu.memory_space<vmem>> -> memref<1x1024xi32, #tpu.memory_space<vmem>>
    %dma_wait3A_63 = tpu.memref_squeeze %dma_wait3A_62 : memref<1x1024xi32, #tpu.memory_space<vmem>> -> memref<1024xi32, #tpu.memory_space<vmem>>
    %dma_wait3A_64 = arith.constant 0 : i32
    %dma_wait3A_65 = arith.constant 0 : i32
    %dma_wait3A_66 = tpu.memref_slice %arg11[%dma_wait3A_64, %dma_wait3A_65] : memref<10240x16xf32, #tpu.memory_space<vmem_shared>> -> memref<10240x16xf32, #tpu.memory_space<vmem_shared>>
    tpu.wait_indirect_dma semaphore(%arg15 : memref<!tpu.dma_semaphore, #tpu.memory_space<semaphore_mem>>) src(%arg9 : memref<1024x16xf32, #tpu.memory_space<vmem>>) dst(%dma_wait3A_66 : memref<10240x16xf32, #tpu.memory_space<vmem_shared>>)
    %dma_wait3A_67 = arith.constant 0 : i32
    %dma_wait3A_68 = arith.constant 0 : i32
    %dma_wait3A_69 = tpu.memref_slice %arg8[%dma_wait3A_67, %dma_wait3A_68] : memref<10x1024xi32, #tpu.memory_space<vmem>> -> memref<1x1024xi32, #tpu.memory_space<vmem>>
    %dma_wait3A_70 = tpu.memref_squeeze %dma_wait3A_69 : memref<1x1024xi32, #tpu.memory_space<vmem>> -> memref<1024xi32, #tpu.memory_space<vmem>>
    %dma_wait3A_71 = arith.constant 0 : i32
    %dma_wait3A_72 = arith.constant 0 : i32
    %dma_wait3A_73 = tpu.memref_slice %arg11[%dma_wait3A_71, %dma_wait3A_72] : memref<10240x16xf32, #tpu.memory_space<vmem_shared>> -> memref<10240x16xf32, #tpu.memory_space<vmem_shared>>
    tpu.wait_indirect_dma semaphore(%arg16 : memref<!tpu.dma_semaphore, #tpu.memory_space<semaphore_mem>>) src(%arg10 : memref<1024x16xf32, #tpu.memory_space<vmem>>) dst(%dma_wait3A_73 : memref<10240x16xf32, #tpu.memory_space<vmem_shared>>)
    %barrier3A_74 = arith.constant 0 : index
    tpu.barrier barrier_id(%barrier3A_74)
    %mul3A_75 = arith.constant 640 : i32
    %mul3A_76 = arith.muli %arg1, %mul3A_75 : i32
    %mul3A_77 = arith.constant 640 : i32
    %mul3A_78 = arith.muli %arg1, %mul3A_77 : i32
    "tpu.region"() ({
      %run_scoped3A = tpu.sem_alloc : memref<!tpu.dma_semaphore, #tpu.memory_space<semaphore_mem>>
      %dma_start3A_79 = arith.constant 0 : i32
      %dma_start3A_80 = tpu.memref_slice %arg6[%arg0, %mul3A_78, %dma_start3A_79] : memref<2x10240x16xf32, #tpu.memory_space<hbm>> -> memref<1x640x16xf32, #tpu.memory_space<hbm>>
      %dma_start3A_81 = tpu.memref_squeeze %dma_start3A_80 : memref<1x640x16xf32, #tpu.memory_space<hbm>> -> memref<640x16xf32, #tpu.memory_space<hbm>>
      %dma_start3A_82 = arith.constant 0 : i32
      %dma_start3A_83 = tpu.memref_slice %arg11[%mul3A_76, %dma_start3A_82] : memref<10240x16xf32, #tpu.memory_space<vmem_shared>> -> memref<640x16xf32, #tpu.memory_space<vmem_shared>>
      tpu.enqueue_dma source(%dma_start3A_83 : memref<640x16xf32, #tpu.memory_space<vmem_shared>>) target(%dma_start3A_81 : memref<640x16xf32, #tpu.memory_space<hbm>>) target_semaphore(%run_scoped3A : memref<!tpu.dma_semaphore, #tpu.memory_space<semaphore_mem>>)
      %dma_wait3A_84 = arith.constant 0 : i32
      %dma_wait3A_85 = tpu.memref_slice %arg6[%arg0, %mul3A_78, %dma_wait3A_84] : memref<2x10240x16xf32, #tpu.memory_space<hbm>> -> memref<1x640x16xf32, #tpu.memory_space<hbm>>
      %dma_wait3A_86 = tpu.memref_squeeze %dma_wait3A_85 : memref<1x640x16xf32, #tpu.memory_space<hbm>> -> memref<640x16xf32, #tpu.memory_space<hbm>>
      %dma_wait3A_87 = arith.constant 0 : i32
      %dma_wait3A_88 = tpu.memref_slice %arg11[%mul3A_76, %dma_wait3A_87] : memref<10240x16xf32, #tpu.memory_space<vmem_shared>> -> memref<640x16xf32, #tpu.memory_space<vmem_shared>>
      tpu.wait_dma2 semaphore(%run_scoped3A : memref<!tpu.dma_semaphore, #tpu.memory_space<semaphore_mem>>) src(%dma_wait3A_88 : memref<640x16xf32, #tpu.memory_space<vmem_shared>>) dst(%dma_wait3A_86 : memref<640x16xf32, #tpu.memory_space<hbm>>)
      tpu.yield
    }) : () -> ()
    return
  }
}

#map = affine_map<(d0, d1) -> (0, 0)>
#map1 = affine_map<(d0, d1) -> (0, 0, 0)>
module attributes {stable_mosaic.version = 14 : i64} {
  func.func @k(%arg0: i32, %arg1: i32, %arg2: memref<320x1024xi32, #tpu.memory_space<hbm>>, %arg3: memref<320x1024xi32, #tpu.memory_space<hbm>>, %arg4: memref<10000x16xf32, #tpu.memory_space<hbm>>, %arg5: memref<10240x16xf32, #tpu.memory_space<hbm>>, %arg6: memref<2x10240x16xf32, #tpu.memory_space<hbm>>, %arg7: memref<10x1024xi32, #tpu.memory_space<vmem>>, %arg8: memref<10x1024xi32, #tpu.memory_space<vmem>>, %arg9: memref<1024x16xf32, #tpu.memory_space<vmem>>, %arg10: memref<1024x16xf32, #tpu.memory_space<vmem>>, %arg11: memref<10240x16xf32, #tpu.memory_space<vmem_shared>>, %arg12: memref<10000x16xf32, #tpu.memory_space<vmem_shared>>, %arg13: memref<!tpu.dma_semaphore, #tpu.memory_space<semaphore_mem>>, %arg14: memref<!tpu.dma_semaphore, #tpu.memory_space<semaphore_mem>>, %arg15: memref<!tpu.dma_semaphore, #tpu.memory_space<semaphore_mem>>, %arg16: memref<!tpu.dma_semaphore, #tpu.memory_space<semaphore_mem>>) attributes {dimension_semantics = [#tpu.dimension_semantics<core_parallel>, #tpu.dimension_semantics<subcore_parallel>], iteration_bounds = array<i64: 2, 16>, scalar_prefetch = 0 : i64, scratch_operands = 10 : i64, tpu.core_type = #tpu.core_type<sc_vector_subcore>, window_params = [{transform_indices = #map}, {transform_indices = #map}, {transform_indices = #map}, {transform_indices = #map}, {transform_indices = #map1}]} {
    %mul3A = arith.constant 2 : i32
    %mul3A_0 = arith.muli %arg1, %mul3A : i32
    %add3A = arith.addi %mul3A_0, %arg0 : i32
    %mul3A_1 = arith.constant 640 : i32
    %mul3A_2 = arith.muli %arg1, %mul3A_1 : i32
    %mul3A_3 = arith.constant 640 : i32
    %mul3A_4 = arith.muli %arg1, %mul3A_3 : i32
    "tpu.region"() ({
      %run_scoped3A = tpu.sem_alloc : memref<!tpu.dma_semaphore, #tpu.memory_space<semaphore_mem>>
      %dma_start3A_79 = arith.constant 0 : i32
      %dma_start3A_80 = tpu.memref_slice %arg11[%mul3A_4, %dma_start3A_79] : memref<10240x16xf32, #tpu.memory_space<vmem_shared>> -> memref<640x16xf32, #tpu.memory_space<vmem_shared>>
      %dma_start3A_81 = arith.constant 0 : i32
      %dma_start3A_82 = tpu.memref_slice %arg5[%mul3A_2, %dma_start3A_81] : memref<10240x16xf32, #tpu.memory_space<hbm>> -> memref<640x16xf32, #tpu.memory_space<hbm>>
      tpu.enqueue_dma source(%dma_start3A_82 : memref<640x16xf32, #tpu.memory_space<hbm>>) target(%dma_start3A_80 : memref<640x16xf32, #tpu.memory_space<vmem_shared>>) target_semaphore(%run_scoped3A : memref<!tpu.dma_semaphore, #tpu.memory_space<semaphore_mem>>)
      %dma_wait3A_83 = arith.constant 0 : i32
      %dma_wait3A_84 = tpu.memref_slice %arg11[%mul3A_4, %dma_wait3A_83] : memref<10240x16xf32, #tpu.memory_space<vmem_shared>> -> memref<640x16xf32, #tpu.memory_space<vmem_shared>>
      %dma_wait3A_85 = arith.constant 0 : i32
      %dma_wait3A_86 = tpu.memref_slice %arg5[%mul3A_2, %dma_wait3A_85] : memref<10240x16xf32, #tpu.memory_space<hbm>> -> memref<640x16xf32, #tpu.memory_space<hbm>>
      tpu.wait_dma2 semaphore(%run_scoped3A : memref<!tpu.dma_semaphore, #tpu.memory_space<semaphore_mem>>) src(%dma_wait3A_86 : memref<640x16xf32, #tpu.memory_space<hbm>>) dst(%dma_wait3A_84 : memref<640x16xf32, #tpu.memory_space<vmem_shared>>)
      tpu.yield
    }) : () -> ()
    %mul3A_5 = arith.constant 624 : i32
    %mul3A_6 = arith.muli %arg1, %mul3A_5 : i32
    %mul3A_7 = arith.constant 624 : i32
    %mul3A_8 = arith.muli %arg1, %mul3A_7 : i32
    "tpu.region"() ({
      %run_scoped3A = tpu.sem_alloc : memref<!tpu.dma_semaphore, #tpu.memory_space<semaphore_mem>>
      %dma_start3A_79 = arith.constant 0 : i32
      %dma_start3A_80 = tpu.memref_slice %arg12[%mul3A_8, %dma_start3A_79] : memref<10000x16xf32, #tpu.memory_space<vmem_shared>> -> memref<624x16xf32, #tpu.memory_space<vmem_shared>>
      %dma_start3A_81 = arith.constant 0 : i32
      %dma_start3A_82 = tpu.memref_slice %arg4[%mul3A_6, %dma_start3A_81] : memref<10000x16xf32, #tpu.memory_space<hbm>> -> memref<624x16xf32, #tpu.memory_space<hbm>>
      tpu.enqueue_dma source(%dma_start3A_82 : memref<624x16xf32, #tpu.memory_space<hbm>>) target(%dma_start3A_80 : memref<624x16xf32, #tpu.memory_space<vmem_shared>>) target_semaphore(%run_scoped3A : memref<!tpu.dma_semaphore, #tpu.memory_space<semaphore_mem>>)
      %dma_wait3A_83 = arith.constant 0 : i32
      %dma_wait3A_84 = tpu.memref_slice %arg12[%mul3A_8, %dma_wait3A_83] : memref<10000x16xf32, #tpu.memory_space<vmem_shared>> -> memref<624x16xf32, #tpu.memory_space<vmem_shared>>
      %dma_wait3A_85 = arith.constant 0 : i32
      %dma_wait3A_86 = tpu.memref_slice %arg4[%mul3A_6, %dma_wait3A_85] : memref<10000x16xf32, #tpu.memory_space<hbm>> -> memref<624x16xf32, #tpu.memory_space<hbm>>
      tpu.wait_dma2 semaphore(%run_scoped3A : memref<!tpu.dma_semaphore, #tpu.memory_space<semaphore_mem>>) src(%dma_wait3A_86 : memref<624x16xf32, #tpu.memory_space<hbm>>) dst(%dma_wait3A_84 : memref<624x16xf32, #tpu.memory_space<vmem_shared>>)
      tpu.yield
    }) : () -> ()
    %eq3A = arith.constant 0 : i32
    %eq3A_9 = arith.cmpi eq, %arg1, %eq3A : i32
    %convert_element_type3A = arith.extui %eq3A_9 : i1 to i32
    %cond3A = arith.constant 0 : i32
    %cond3A_10 = arith.cmpi ne, %convert_element_type3A, %cond3A : i32
    scf.if %cond3A_10 {
      "tpu.region"() ({
        %run_scoped3A = tpu.sem_alloc : memref<!tpu.dma_semaphore, #tpu.memory_space<semaphore_mem>>
        %dma_start3A_79 = arith.constant 9984 : i32
        %dma_start3A_80 = arith.constant 0 : i32
        %dma_start3A_81 = tpu.memref_slice %arg12[%dma_start3A_79, %dma_start3A_80] : memref<10000x16xf32, #tpu.memory_space<vmem_shared>> -> memref<16x16xf32, #tpu.memory_space<vmem_shared>>
        %dma_start3A_82 = arith.constant 9984 : i32
        %dma_start3A_83 = arith.constant 0 : i32
        %dma_start3A_84 = tpu.memref_slice %arg4[%dma_start3A_82, %dma_start3A_83] : memref<10000x16xf32, #tpu.memory_space<hbm>> -> memref<16x16xf32, #tpu.memory_space<hbm>>
        tpu.enqueue_dma source(%dma_start3A_84 : memref<16x16xf32, #tpu.memory_space<hbm>>) target(%dma_start3A_81 : memref<16x16xf32, #tpu.memory_space<vmem_shared>>) target_semaphore(%run_scoped3A : memref<!tpu.dma_semaphore, #tpu.memory_space<semaphore_mem>>)
        %dma_wait3A_85 = arith.constant 9984 : i32
        %dma_wait3A_86 = arith.constant 0 : i32
        %dma_wait3A_87 = tpu.memref_slice %arg12[%dma_wait3A_85, %dma_wait3A_86] : memref<10000x16xf32, #tpu.memory_space<vmem_shared>> -> memref<16x16xf32, #tpu.memory_space<vmem_shared>>
        %dma_wait3A_88 = arith.constant 9984 : i32
        %dma_wait3A_89 = arith.constant 0 : i32
        %dma_wait3A_90 = tpu.memref_slice %arg4[%dma_wait3A_88, %dma_wait3A_89] : memref<10000x16xf32, #tpu.memory_space<hbm>> -> memref<16x16xf32, #tpu.memory_space<hbm>>
        tpu.wait_dma2 semaphore(%run_scoped3A : memref<!tpu.dma_semaphore, #tpu.memory_space<semaphore_mem>>) src(%dma_wait3A_90 : memref<16x16xf32, #tpu.memory_space<hbm>>) dst(%dma_wait3A_87 : memref<16x16xf32, #tpu.memory_space<vmem_shared>>)
        tpu.yield
      }) : () -> ()
    } else {
    }
    %mul3A_11 = arith.constant 10 : i32
    %mul3A_12 = arith.muli %add3A, %mul3A_11 : i32
    "tpu.region"() ({
      %run_scoped3A = tpu.sem_alloc : memref<!tpu.dma_semaphore, #tpu.memory_space<semaphore_mem>>
      %dma_start3A_79 = arith.constant 0 : i32
      %dma_start3A_80 = tpu.memref_slice %arg2[%mul3A_12, %dma_start3A_79] : memref<320x1024xi32, #tpu.memory_space<hbm>> -> memref<10x1024xi32, #tpu.memory_space<hbm>>
      %dma_start3A_81 = arith.constant 0 : i32
      %dma_start3A_82 = tpu.memref_slice %arg2[%mul3A_12, %dma_start3A_81] : memref<320x1024xi32, #tpu.memory_space<hbm>> -> memref<10x1024xi32, #tpu.memory_space<hbm>>
      tpu.enqueue_dma source(%dma_start3A_82 : memref<10x1024xi32, #tpu.memory_space<hbm>>) target(%arg7 : memref<10x1024xi32, #tpu.memory_space<vmem>>) target_semaphore(%run_scoped3A : memref<!tpu.dma_semaphore, #tpu.memory_space<semaphore_mem>>)
      %dma_wait3A_83 = arith.constant 0 : i32
      %dma_wait3A_84 = tpu.memref_slice %arg2[%mul3A_12, %dma_wait3A_83] : memref<320x1024xi32, #tpu.memory_space<hbm>> -> memref<10x1024xi32, #tpu.memory_space<hbm>>
      %dma_wait3A_85 = arith.constant 0 : i32
      %dma_wait3A_86 = tpu.memref_slice %arg2[%mul3A_12, %dma_wait3A_85] : memref<320x1024xi32, #tpu.memory_space<hbm>> -> memref<10x1024xi32, #tpu.memory_space<hbm>>
      tpu.wait_dma2 semaphore(%run_scoped3A : memref<!tpu.dma_semaphore, #tpu.memory_space<semaphore_mem>>) src(%dma_wait3A_86 : memref<10x1024xi32, #tpu.memory_space<hbm>>) dst(%arg7 : memref<10x1024xi32, #tpu.memory_space<vmem>>)
      tpu.yield
    }) : () -> ()
    %mul3A_13 = arith.constant 10 : i32
    %mul3A_14 = arith.muli %add3A, %mul3A_13 : i32
    "tpu.region"() ({
      %run_scoped3A = tpu.sem_alloc : memref<!tpu.dma_semaphore, #tpu.memory_space<semaphore_mem>>
      %dma_start3A_79 = arith.constant 0 : i32
      %dma_start3A_80 = tpu.memref_slice %arg3[%mul3A_14, %dma_start3A_79] : memref<320x1024xi32, #tpu.memory_space<hbm>> -> memref<10x1024xi32, #tpu.memory_space<hbm>>
      %dma_start3A_81 = arith.constant 0 : i32
      %dma_start3A_82 = tpu.memref_slice %arg3[%mul3A_14, %dma_start3A_81] : memref<320x1024xi32, #tpu.memory_space<hbm>> -> memref<10x1024xi32, #tpu.memory_space<hbm>>
      tpu.enqueue_dma source(%dma_start3A_82 : memref<10x1024xi32, #tpu.memory_space<hbm>>) target(%arg8 : memref<10x1024xi32, #tpu.memory_space<vmem>>) target_semaphore(%run_scoped3A : memref<!tpu.dma_semaphore, #tpu.memory_space<semaphore_mem>>)
      %dma_wait3A_83 = arith.constant 0 : i32
      %dma_wait3A_84 = tpu.memref_slice %arg3[%mul3A_14, %dma_wait3A_83] : memref<320x1024xi32, #tpu.memory_space<hbm>> -> memref<10x1024xi32, #tpu.memory_space<hbm>>
      %dma_wait3A_85 = arith.constant 0 : i32
      %dma_wait3A_86 = tpu.memref_slice %arg3[%mul3A_14, %dma_wait3A_85] : memref<320x1024xi32, #tpu.memory_space<hbm>> -> memref<10x1024xi32, #tpu.memory_space<hbm>>
      tpu.wait_dma2 semaphore(%run_scoped3A : memref<!tpu.dma_semaphore, #tpu.memory_space<semaphore_mem>>) src(%dma_wait3A_86 : memref<10x1024xi32, #tpu.memory_space<hbm>>) dst(%arg8 : memref<10x1024xi32, #tpu.memory_space<vmem>>)
      tpu.yield
    }) : () -> ()
    %barrier3A = arith.constant 0 : index
    tpu.barrier barrier_id(%barrier3A)
    %dma_start3A = arith.constant 0 : i32
    %dma_start3A_15 = arith.constant 0 : i32
    %dma_start3A_16 = tpu.memref_slice %arg7[%dma_start3A, %dma_start3A_15] : memref<10x1024xi32, #tpu.memory_space<vmem>> -> memref<1x1024xi32, #tpu.memory_space<vmem>>
    %dma_start3A_17 = tpu.memref_squeeze %dma_start3A_16 : memref<1x1024xi32, #tpu.memory_space<vmem>> -> memref<1024xi32, #tpu.memory_space<vmem>>
    %dma_start3A_18 = arith.constant 0 : i32
    %dma_start3A_19 = arith.constant 0 : i32
    %dma_start3A_20 = tpu.memref_slice %arg12[%dma_start3A_18, %dma_start3A_19] : memref<10000x16xf32, #tpu.memory_space<vmem_shared>> -> memref<10000x16xf32, #tpu.memory_space<vmem_shared>>
    tpu.enqueue_indirect_dma source(%dma_start3A_20 : memref<10000x16xf32, #tpu.memory_space<vmem_shared>>) target(%arg9 : memref<1024x16xf32, #tpu.memory_space<vmem>>) offsets(%dma_start3A_17 : memref<1024xi32, #tpu.memory_space<vmem>>) semaphore(%arg13 : memref<!tpu.dma_semaphore, #tpu.memory_space<semaphore_mem>>)
    %dma_wait3A = arith.constant 0 : i32
    %dma_wait3A_21 = arith.constant 0 : i32
    %dma_wait3A_22 = tpu.memref_slice %arg7[%dma_wait3A, %dma_wait3A_21] : memref<10x1024xi32, #tpu.memory_space<vmem>> -> memref<1x1024xi32, #tpu.memory_space<vmem>>
    %dma_wait3A_23 = tpu.memref_squeeze %dma_wait3A_22 : memref<1x1024xi32, #tpu.memory_space<vmem>> -> memref<1024xi32, #tpu.memory_space<vmem>>
    %dma_wait3A_24 = arith.constant 0 : i32
    %dma_wait3A_25 = arith.constant 0 : i32
    %dma_wait3A_26 = tpu.memref_slice %arg12[%dma_wait3A_24, %dma_wait3A_25] : memref<10000x16xf32, #tpu.memory_space<vmem_shared>> -> memref<10000x16xf32, #tpu.memory_space<vmem_shared>>
    tpu.wait_indirect_dma semaphore(%arg13 : memref<!tpu.dma_semaphore, #tpu.memory_space<semaphore_mem>>) src(%dma_wait3A_26 : memref<10000x16xf32, #tpu.memory_space<vmem_shared>>) dst(%arg9 : memref<1024x16xf32, #tpu.memory_space<vmem>>)
    %dma_start3A_27 = arith.constant 0 : i32
    %dma_start3A_28 = arith.constant 0 : i32
    %dma_start3A_29 = tpu.memref_slice %arg8[%dma_start3A_27, %dma_start3A_28] : memref<10x1024xi32, #tpu.memory_space<vmem>> -> memref<1x1024xi32, #tpu.memory_space<vmem>>
    %dma_start3A_30 = tpu.memref_squeeze %dma_start3A_29 : memref<1x1024xi32, #tpu.memory_space<vmem>> -> memref<1024xi32, #tpu.memory_space<vmem>>
    %dma_start3A_31 = arith.constant 0 : i32
    %dma_start3A_32 = arith.constant 0 : i32
    %dma_start3A_33 = tpu.memref_slice %arg11[%dma_start3A_31, %dma_start3A_32] : memref<10240x16xf32, #tpu.memory_space<vmem_shared>> -> memref<10240x16xf32, #tpu.memory_space<vmem_shared>>
    tpu.enqueue_indirect_dma source(%arg9 : memref<1024x16xf32, #tpu.memory_space<vmem>>) target(%dma_start3A_33 : memref<10240x16xf32, #tpu.memory_space<vmem_shared>>) offsets(%dma_start3A_30 : memref<1024xi32, #tpu.memory_space<vmem>>) semaphore(%arg15 : memref<!tpu.dma_semaphore, #tpu.memory_space<semaphore_mem>>) {add = true}
    %dma_start3A_34 = arith.constant 1 : i32
    %dma_start3A_35 = arith.constant 0 : i32
    %dma_start3A_36 = tpu.memref_slice %arg7[%dma_start3A_34, %dma_start3A_35] : memref<10x1024xi32, #tpu.memory_space<vmem>> -> memref<1x1024xi32, #tpu.memory_space<vmem>>
    %dma_start3A_37 = tpu.memref_squeeze %dma_start3A_36 : memref<1x1024xi32, #tpu.memory_space<vmem>> -> memref<1024xi32, #tpu.memory_space<vmem>>
    %dma_start3A_38 = arith.constant 0 : i32
    %dma_start3A_39 = arith.constant 0 : i32
    %dma_start3A_40 = tpu.memref_slice %arg12[%dma_start3A_38, %dma_start3A_39] : memref<10000x16xf32, #tpu.memory_space<vmem_shared>> -> memref<10000x16xf32, #tpu.memory_space<vmem_shared>>
    tpu.enqueue_indirect_dma source(%dma_start3A_40 : memref<10000x16xf32, #tpu.memory_space<vmem_shared>>) target(%arg10 : memref<1024x16xf32, #tpu.memory_space<vmem>>) offsets(%dma_start3A_37 : memref<1024xi32, #tpu.memory_space<vmem>>) semaphore(%arg14 : memref<!tpu.dma_semaphore, #tpu.memory_space<semaphore_mem>>)
    %scan3A = arith.constant 0 : i32
    %scan3A_41 = arith.constant 0 : i32
    %scan3A_42 = arith.constant 4 : i32
    %scan3A_43 = arith.addi %scan3A_41, %scan3A_42 : i32
    %scan3A_44 = arith.constant 1 : i32
    scf.for %scan3A_79 = %scan3A_41 to %scan3A_43 step %scan3A_44  : i32 {
      %mul3A_80 = arith.constant 2 : i32
      %mul3A_81 = arith.muli %mul3A_80, %scan3A_79 : i32
      %add3A_82 = arith.constant 1 : i32
      %add3A_83 = arith.addi %mul3A_81, %add3A_82 : i32
      %dma_wait3A_84 = arith.constant 0 : i32
      %dma_wait3A_85 = arith.constant 0 : i32
      %dma_wait3A_86 = tpu.memref_slice %arg7[%dma_wait3A_84, %dma_wait3A_85] : memref<10x1024xi32, #tpu.memory_space<vmem>> -> memref<1x1024xi32, #tpu.memory_space<vmem>>
      %dma_wait3A_87 = tpu.memref_squeeze %dma_wait3A_86 : memref<1x1024xi32, #tpu.memory_space<vmem>> -> memref<1024xi32, #tpu.memory_space<vmem>>
      %dma_wait3A_88 = arith.constant 0 : i32
      %dma_wait3A_89 = arith.constant 0 : i32
      %dma_wait3A_90 = tpu.memref_slice %arg12[%dma_wait3A_88, %dma_wait3A_89] : memref<10000x16xf32, #tpu.memory_space<vmem_shared>> -> memref<10000x16xf32, #tpu.memory_space<vmem_shared>>
      tpu.wait_indirect_dma semaphore(%arg14 : memref<!tpu.dma_semaphore, #tpu.memory_space<semaphore_mem>>) src(%dma_wait3A_90 : memref<10000x16xf32, #tpu.memory_space<vmem_shared>>) dst(%arg10 : memref<1024x16xf32, #tpu.memory_space<vmem>>)
      %dma_start3A_91 = arith.constant 0 : i32
      %dma_start3A_92 = tpu.memref_slice %arg8[%add3A_83, %dma_start3A_91] : memref<10x1024xi32, #tpu.memory_space<vmem>> -> memref<1x1024xi32, #tpu.memory_space<vmem>>
      %dma_start3A_93 = tpu.memref_squeeze %dma_start3A_92 : memref<1x1024xi32, #tpu.memory_space<vmem>> -> memref<1024xi32, #tpu.memory_space<vmem>>
      %dma_start3A_94 = arith.constant 0 : i32
      %dma_start3A_95 = arith.constant 0 : i32
      %dma_start3A_96 = tpu.memref_slice %arg11[%dma_start3A_94, %dma_start3A_95] : memref<10240x16xf32, #tpu.memory_space<vmem_shared>> -> memref<10240x16xf32, #tpu.memory_space<vmem_shared>>
      tpu.enqueue_indirect_dma source(%arg10 : memref<1024x16xf32, #tpu.memory_space<vmem>>) target(%dma_start3A_96 : memref<10240x16xf32, #tpu.memory_space<vmem_shared>>) offsets(%dma_start3A_93 : memref<1024xi32, #tpu.memory_space<vmem>>) semaphore(%arg16 : memref<!tpu.dma_semaphore, #tpu.memory_space<semaphore_mem>>) {add = true}
      %dma_wait3A_97 = arith.constant 0 : i32
      %dma_wait3A_98 = arith.constant 0 : i32
      %dma_wait3A_99 = tpu.memref_slice %arg8[%dma_wait3A_97, %dma_wait3A_98] : memref<10x1024xi32, #tpu.memory_space<vmem>> -> memref<1x1024xi32, #tpu.memory_space<vmem>>
      %dma_wait3A_100 = tpu.memref_squeeze %dma_wait3A_99 : memref<1x1024xi32, #tpu.memory_space<vmem>> -> memref<1024xi32, #tpu.memory_space<vmem>>
      %dma_wait3A_101 = arith.constant 0 : i32
      %dma_wait3A_102 = arith.constant 0 : i32
      %dma_wait3A_103 = tpu.memref_slice %arg11[%dma_wait3A_101, %dma_wait3A_102] : memref<10240x16xf32, #tpu.memory_space<vmem_shared>> -> memref<10240x16xf32, #tpu.memory_space<vmem_shared>>
      tpu.wait_indirect_dma semaphore(%arg15 : memref<!tpu.dma_semaphore, #tpu.memory_space<semaphore_mem>>) src(%arg9 : memref<1024x16xf32, #tpu.memory_space<vmem>>) dst(%dma_wait3A_103 : memref<10240x16xf32, #tpu.memory_space<vmem_shared>>)
      %add3A_104 = arith.constant 1 : i32
      %add3A_105 = arith.addi %add3A_83, %add3A_104 : i32
      %dma_start3A_106 = arith.constant 0 : i32
      %dma_start3A_107 = tpu.memref_slice %arg7[%add3A_105, %dma_start3A_106] : memref<10x1024xi32, #tpu.memory_space<vmem>> -> memref<1x1024xi32, #tpu.memory_space<vmem>>
      %dma_start3A_108 = tpu.memref_squeeze %dma_start3A_107 : memref<1x1024xi32, #tpu.memory_space<vmem>> -> memref<1024xi32, #tpu.memory_space<vmem>>
      %dma_start3A_109 = arith.constant 0 : i32
      %dma_start3A_110 = arith.constant 0 : i32
      %dma_start3A_111 = tpu.memref_slice %arg12[%dma_start3A_109, %dma_start3A_110] : memref<10000x16xf32, #tpu.memory_space<vmem_shared>> -> memref<10000x16xf32, #tpu.memory_space<vmem_shared>>
      tpu.enqueue_indirect_dma source(%dma_start3A_111 : memref<10000x16xf32, #tpu.memory_space<vmem_shared>>) target(%arg9 : memref<1024x16xf32, #tpu.memory_space<vmem>>) offsets(%dma_start3A_108 : memref<1024xi32, #tpu.memory_space<vmem>>) semaphore(%arg13 : memref<!tpu.dma_semaphore, #tpu.memory_space<semaphore_mem>>)
      %dma_wait3A_112 = arith.constant 0 : i32
      %dma_wait3A_113 = arith.constant 0 : i32
      %dma_wait3A_114 = tpu.memref_slice %arg7[%dma_wait3A_112, %dma_wait3A_113] : memref<10x1024xi32, #tpu.memory_space<vmem>> -> memref<1x1024xi32, #tpu.memory_space<vmem>>
      %dma_wait3A_115 = tpu.memref_squeeze %dma_wait3A_114 : memref<1x1024xi32, #tpu.memory_space<vmem>> -> memref<1024xi32, #tpu.memory_space<vmem>>
      %dma_wait3A_116 = arith.constant 0 : i32
      %dma_wait3A_117 = arith.constant 0 : i32
      %dma_wait3A_118 = tpu.memref_slice %arg12[%dma_wait3A_116, %dma_wait3A_117] : memref<10000x16xf32, #tpu.memory_space<vmem_shared>> -> memref<10000x16xf32, #tpu.memory_space<vmem_shared>>
      tpu.wait_indirect_dma semaphore(%arg13 : memref<!tpu.dma_semaphore, #tpu.memory_space<semaphore_mem>>) src(%dma_wait3A_118 : memref<10000x16xf32, #tpu.memory_space<vmem_shared>>) dst(%arg9 : memref<1024x16xf32, #tpu.memory_space<vmem>>)
      %add3A_119 = arith.constant 1 : i32
      %add3A_120 = arith.addi %add3A_83, %add3A_119 : i32
      %dma_start3A_121 = arith.constant 0 : i32
      %dma_start3A_122 = tpu.memref_slice %arg8[%add3A_120, %dma_start3A_121] : memref<10x1024xi32, #tpu.memory_space<vmem>> -> memref<1x1024xi32, #tpu.memory_space<vmem>>
      %dma_start3A_123 = tpu.memref_squeeze %dma_start3A_122 : memref<1x1024xi32, #tpu.memory_space<vmem>> -> memref<1024xi32, #tpu.memory_space<vmem>>
      %dma_start3A_124 = arith.constant 0 : i32
      %dma_start3A_125 = arith.constant 0 : i32
      %dma_start3A_126 = tpu.memref_slice %arg11[%dma_start3A_124, %dma_start3A_125] : memref<10240x16xf32, #tpu.memory_space<vmem_shared>> -> memref<10240x16xf32, #tpu.memory_space<vmem_shared>>
      tpu.enqueue_indirect_dma source(%arg9 : memref<1024x16xf32, #tpu.memory_space<vmem>>) target(%dma_start3A_126 : memref<10240x16xf32, #tpu.memory_space<vmem_shared>>) offsets(%dma_start3A_123 : memref<1024xi32, #tpu.memory_space<vmem>>) semaphore(%arg15 : memref<!tpu.dma_semaphore, #tpu.memory_space<semaphore_mem>>) {add = true}
      %dma_wait3A_127 = arith.constant 0 : i32
      %dma_wait3A_128 = arith.constant 0 : i32
      %dma_wait3A_129 = tpu.memref_slice %arg8[%dma_wait3A_127, %dma_wait3A_128] : memref<10x1024xi32, #tpu.memory_space<vmem>> -> memref<1x1024xi32, #tpu.memory_space<vmem>>
      %dma_wait3A_130 = tpu.memref_squeeze %dma_wait3A_129 : memref<1x1024xi32, #tpu.memory_space<vmem>> -> memref<1024xi32, #tpu.memory_space<vmem>>
      %dma_wait3A_131 = arith.constant 0 : i32
      %dma_wait3A_132 = arith.constant 0 : i32
      %dma_wait3A_133 = tpu.memref_slice %arg11[%dma_wait3A_131, %dma_wait3A_132] : memref<10240x16xf32, #tpu.memory_space<vmem_shared>> -> memref<10240x16xf32, #tpu.memory_space<vmem_shared>>
      tpu.wait_indirect_dma semaphore(%arg16 : memref<!tpu.dma_semaphore, #tpu.memory_space<semaphore_mem>>) src(%arg10 : memref<1024x16xf32, #tpu.memory_space<vmem>>) dst(%dma_wait3A_133 : memref<10240x16xf32, #tpu.memory_space<vmem_shared>>)
      %add3A_134 = arith.constant 2 : i32
      %add3A_135 = arith.addi %add3A_83, %add3A_134 : i32
      %dma_start3A_136 = arith.constant 0 : i32
      %dma_start3A_137 = tpu.memref_slice %arg7[%add3A_135, %dma_start3A_136] : memref<10x1024xi32, #tpu.memory_space<vmem>> -> memref<1x1024xi32, #tpu.memory_space<vmem>>
      %dma_start3A_138 = tpu.memref_squeeze %dma_start3A_137 : memref<1x1024xi32, #tpu.memory_space<vmem>> -> memref<1024xi32, #tpu.memory_space<vmem>>
      %dma_start3A_139 = arith.constant 0 : i32
      %dma_start3A_140 = arith.constant 0 : i32
      %dma_start3A_141 = tpu.memref_slice %arg12[%dma_start3A_139, %dma_start3A_140] : memref<10000x16xf32, #tpu.memory_space<vmem_shared>> -> memref<10000x16xf32, #tpu.memory_space<vmem_shared>>
      tpu.enqueue_indirect_dma source(%dma_start3A_141 : memref<10000x16xf32, #tpu.memory_space<vmem_shared>>) target(%arg10 : memref<1024x16xf32, #tpu.memory_space<vmem>>) offsets(%dma_start3A_138 : memref<1024xi32, #tpu.memory_space<vmem>>) semaphore(%arg14 : memref<!tpu.dma_semaphore, #tpu.memory_space<semaphore_mem>>)
    }
    %scan3A_45 = arith.constant 4 : i32
    %dma_wait3A_46 = arith.constant 0 : i32
    %dma_wait3A_47 = arith.constant 0 : i32
    %dma_wait3A_48 = tpu.memref_slice %arg7[%dma_wait3A_46, %dma_wait3A_47] : memref<10x1024xi32, #tpu.memory_space<vmem>> -> memref<1x1024xi32, #tpu.memory_space<vmem>>
    %dma_wait3A_49 = tpu.memref_squeeze %dma_wait3A_48 : memref<1x1024xi32, #tpu.memory_space<vmem>> -> memref<1024xi32, #tpu.memory_space<vmem>>
    %dma_wait3A_50 = arith.constant 0 : i32
    %dma_wait3A_51 = arith.constant 0 : i32
    %dma_wait3A_52 = tpu.memref_slice %arg12[%dma_wait3A_50, %dma_wait3A_51] : memref<10000x16xf32, #tpu.memory_space<vmem_shared>> -> memref<10000x16xf32, #tpu.memory_space<vmem_shared>>
    tpu.wait_indirect_dma semaphore(%arg14 : memref<!tpu.dma_semaphore, #tpu.memory_space<semaphore_mem>>) src(%dma_wait3A_52 : memref<10000x16xf32, #tpu.memory_space<vmem_shared>>) dst(%arg10 : memref<1024x16xf32, #tpu.memory_space<vmem>>)
    %dma_start3A_53 = arith.constant 9 : i32
    %dma_start3A_54 = arith.constant 0 : i32
    %dma_start3A_55 = tpu.memref_slice %arg8[%dma_start3A_53, %dma_start3A_54] : memref<10x1024xi32, #tpu.memory_space<vmem>> -> memref<1x1024xi32, #tpu.memory_space<vmem>>
    %dma_start3A_56 = tpu.memref_squeeze %dma_start3A_55 : memref<1x1024xi32, #tpu.memory_space<vmem>> -> memref<1024xi32, #tpu.memory_space<vmem>>
    %dma_start3A_57 = arith.constant 0 : i32
    %dma_start3A_58 = arith.constant 0 : i32
    %dma_start3A_59 = tpu.memref_slice %arg11[%dma_start3A_57, %dma_start3A_58] : memref<10240x16xf32, #tpu.memory_space<vmem_shared>> -> memref<10240x16xf32, #tpu.memory_space<vmem_shared>>
    tpu.enqueue_indirect_dma source(%arg10 : memref<1024x16xf32, #tpu.memory_space<vmem>>) target(%dma_start3A_59 : memref<10240x16xf32, #tpu.memory_space<vmem_shared>>) offsets(%dma_start3A_56 : memref<1024xi32, #tpu.memory_space<vmem>>) semaphore(%arg16 : memref<!tpu.dma_semaphore, #tpu.memory_space<semaphore_mem>>) {add = true}
    %dma_wait3A_60 = arith.constant 0 : i32
    %dma_wait3A_61 = arith.constant 0 : i32
    %dma_wait3A_62 = tpu.memref_slice %arg8[%dma_wait3A_60, %dma_wait3A_61] : memref<10x1024xi32, #tpu.memory_space<vmem>> -> memref<1x1024xi32, #tpu.memory_space<vmem>>
    %dma_wait3A_63 = tpu.memref_squeeze %dma_wait3A_62 : memref<1x1024xi32, #tpu.memory_space<vmem>> -> memref<1024xi32, #tpu.memory_space<vmem>>
    %dma_wait3A_64 = arith.constant 0 : i32
    %dma_wait3A_65 = arith.constant 0 : i32
    %dma_wait3A_66 = tpu.memref_slice %arg11[%dma_wait3A_64, %dma_wait3A_65] : memref<10240x16xf32, #tpu.memory_space<vmem_shared>> -> memref<10240x16xf32, #tpu.memory_space<vmem_shared>>
    tpu.wait_indirect_dma semaphore(%arg15 : memref<!tpu.dma_semaphore, #tpu.memory_space<semaphore_mem>>) src(%arg9 : memref<1024x16xf32, #tpu.memory_space<vmem>>) dst(%dma_wait3A_66 : memref<10240x16xf32, #tpu.memory_space<vmem_shared>>)
    %dma_wait3A_67 = arith.constant 0 : i32
    %dma_wait3A_68 = arith.constant 0 : i32
    %dma_wait3A_69 = tpu.memref_slice %arg8[%dma_wait3A_67, %dma_wait3A_68] : memref<10x1024xi32, #tpu.memory_space<vmem>> -> memref<1x1024xi32, #tpu.memory_space<vmem>>
    %dma_wait3A_70 = tpu.memref_squeeze %dma_wait3A_69 : memref<1x1024xi32, #tpu.memory_space<vmem>> -> memref<1024xi32, #tpu.memory_space<vmem>>
    %dma_wait3A_71 = arith.constant 0 : i32
    %dma_wait3A_72 = arith.constant 0 : i32
    %dma_wait3A_73 = tpu.memref_slice %arg11[%dma_wait3A_71, %dma_wait3A_72] : memref<10240x16xf32, #tpu.memory_space<vmem_shared>> -> memref<10240x16xf32, #tpu.memory_space<vmem_shared>>
    tpu.wait_indirect_dma semaphore(%arg16 : memref<!tpu.dma_semaphore, #tpu.memory_space<semaphore_mem>>) src(%arg10 : memref<1024x16xf32, #tpu.memory_space<vmem>>) dst(%dma_wait3A_73 : memref<10240x16xf32, #tpu.memory_space<vmem_shared>>)
    %barrier3A_74 = arith.constant 0 : index
    tpu.barrier barrier_id(%barrier3A_74)
    %mul3A_75 = arith.constant 640 : i32
    %mul3A_76 = arith.muli %arg1, %mul3A_75 : i32
    %mul3A_77 = arith.constant 640 : i32
    %mul3A_78 = arith.muli %arg1, %mul3A_77 : i32
    "tpu.region"() ({
      %run_scoped3A = tpu.sem_alloc : memref<!tpu.dma_semaphore, #tpu.memory_space<semaphore_mem>>
      %dma_start3A_79 = arith.constant 0 : i32
      %dma_start3A_80 = tpu.memref_slice %arg6[%arg0, %mul3A_78, %dma_start3A_79] : memref<2x10240x16xf32, #tpu.memory_space<hbm>> -> memref<1x640x16xf32, #tpu.memory_space<hbm>>
      %dma_start3A_81 = tpu.memref_squeeze %dma_start3A_80 : memref<1x640x16xf32, #tpu.memory_space<hbm>> -> memref<640x16xf32, #tpu.memory_space<hbm>>
      %dma_start3A_82 = arith.constant 0 : i32
      %dma_start3A_83 = tpu.memref_slice %arg11[%mul3A_76, %dma_start3A_82] : memref<10240x16xf32, #tpu.memory_space<vmem_shared>> -> memref<640x16xf32, #tpu.memory_space<vmem_shared>>
      tpu.enqueue_dma source(%dma_start3A_83 : memref<640x16xf32, #tpu.memory_space<vmem_shared>>) target(%dma_start3A_81 : memref<640x16xf32, #tpu.memory_space<hbm>>) target_semaphore(%run_scoped3A : memref<!tpu.dma_semaphore, #tpu.memory_space<semaphore_mem>>)
      %dma_wait3A_84 = arith.constant 0 : i32
      %dma_wait3A_85 = tpu.memref_slice %arg6[%arg0, %mul3A_78, %dma_wait3A_84] : memref<2x10240x16xf32, #tpu.memory_space<hbm>> -> memref<1x640x16xf32, #tpu.memory_space<hbm>>
      %dma_wait3A_86 = tpu.memref_squeeze %dma_wait3A_85 : memref<1x640x16xf32, #tpu.memory_space<hbm>> -> memref<640x16xf32, #tpu.memory_space<hbm>>
      %dma_wait3A_87 = arith.constant 0 : i32
      %dma_wait3A_88 = tpu.memref_slice %arg11[%mul3A_76, %dma_wait3A_87] : memref<10240x16xf32, #tpu.memory_space<vmem_shared>> -> memref<640x16xf32, #tpu.memory_space<vmem_shared>>
      tpu.wait_dma2 semaphore(%run_scoped3A : memref<!tpu.dma_semaphore, #tpu.memory_space<semaphore_mem>>) src(%dma_wait3A_88 : memref<640x16xf32, #tpu.memory_space<vmem_shared>>) dst(%dma_wait3A_86 : memref<640x16xf32, #tpu.memory_space<hbm>>)
      tpu.yield
    }) : () -> ()
    return
  }
}

#map = affine_map<(d0, d1) -> (0, 0)>
#map1 = affine_map<(d0, d1) -> (0, 0, 0)>
module attributes {stable_mosaic.version = 14 : i64} {
  func.func @k(%arg0: i32, %arg1: i32, %arg2: memref<320x1024xi32, #tpu.memory_space<hbm>>, %arg3: memref<320x1024xi32, #tpu.memory_space<hbm>>, %arg4: memref<10000x16xf32, #tpu.memory_space<hbm>>, %arg5: memref<10240x16xf32, #tpu.memory_space<hbm>>, %arg6: memref<2x10240x16xf32, #tpu.memory_space<hbm>>, %arg7: memref<10x1024xi32, #tpu.memory_space<vmem>>, %arg8: memref<10x1024xi32, #tpu.memory_space<vmem>>, %arg9: memref<1024x16xf32, #tpu.memory_space<vmem>>, %arg10: memref<1024x16xf32, #tpu.memory_space<vmem>>, %arg11: memref<10240x16xf32, #tpu.memory_space<vmem_shared>>, %arg12: memref<10000x16xf32, #tpu.memory_space<vmem_shared>>, %arg13: memref<!tpu.dma_semaphore, #tpu.memory_space<semaphore_mem>>, %arg14: memref<!tpu.dma_semaphore, #tpu.memory_space<semaphore_mem>>, %arg15: memref<!tpu.dma_semaphore, #tpu.memory_space<semaphore_mem>>, %arg16: memref<!tpu.dma_semaphore, #tpu.memory_space<semaphore_mem>>) attributes {dimension_semantics = [#tpu.dimension_semantics<core_parallel>, #tpu.dimension_semantics<subcore_parallel>], iteration_bounds = array<i64: 2, 16>, scalar_prefetch = 0 : i64, scratch_operands = 10 : i64, tpu.core_type = #tpu.core_type<sc_vector_subcore>, window_params = [{transform_indices = #map}, {transform_indices = #map}, {transform_indices = #map}, {transform_indices = #map}, {transform_indices = #map1}]} {
    %mul3A = arith.constant 2 : i32
    %mul3A_0 = arith.muli %arg1, %mul3A : i32
    %add3A = arith.addi %mul3A_0, %arg0 : i32
    %mul3A_1 = arith.constant 640 : i32
    %mul3A_2 = arith.muli %arg1, %mul3A_1 : i32
    %mul3A_3 = arith.constant 640 : i32
    %mul3A_4 = arith.muli %arg1, %mul3A_3 : i32
    "tpu.region"() ({
      %run_scoped3A = tpu.sem_alloc : memref<!tpu.dma_semaphore, #tpu.memory_space<semaphore_mem>>
      %dma_start3A_79 = arith.constant 0 : i32
      %dma_start3A_80 = tpu.memref_slice %arg11[%mul3A_4, %dma_start3A_79] : memref<10240x16xf32, #tpu.memory_space<vmem_shared>> -> memref<640x16xf32, #tpu.memory_space<vmem_shared>>
      %dma_start3A_81 = arith.constant 0 : i32
      %dma_start3A_82 = tpu.memref_slice %arg5[%mul3A_2, %dma_start3A_81] : memref<10240x16xf32, #tpu.memory_space<hbm>> -> memref<640x16xf32, #tpu.memory_space<hbm>>
      tpu.enqueue_dma source(%dma_start3A_82 : memref<640x16xf32, #tpu.memory_space<hbm>>) target(%dma_start3A_80 : memref<640x16xf32, #tpu.memory_space<vmem_shared>>) target_semaphore(%run_scoped3A : memref<!tpu.dma_semaphore, #tpu.memory_space<semaphore_mem>>)
      %dma_wait3A_83 = arith.constant 0 : i32
      %dma_wait3A_84 = tpu.memref_slice %arg11[%mul3A_4, %dma_wait3A_83] : memref<10240x16xf32, #tpu.memory_space<vmem_shared>> -> memref<640x16xf32, #tpu.memory_space<vmem_shared>>
      %dma_wait3A_85 = arith.constant 0 : i32
      %dma_wait3A_86 = tpu.memref_slice %arg5[%mul3A_2, %dma_wait3A_85] : memref<10240x16xf32, #tpu.memory_space<hbm>> -> memref<640x16xf32, #tpu.memory_space<hbm>>
      tpu.wait_dma2 semaphore(%run_scoped3A : memref<!tpu.dma_semaphore, #tpu.memory_space<semaphore_mem>>) src(%dma_wait3A_86 : memref<640x16xf32, #tpu.memory_space<hbm>>) dst(%dma_wait3A_84 : memref<640x16xf32, #tpu.memory_space<vmem_shared>>)
      tpu.yield
    }) : () -> ()
    %mul3A_5 = arith.constant 624 : i32
    %mul3A_6 = arith.muli %arg1, %mul3A_5 : i32
    %mul3A_7 = arith.constant 624 : i32
    %mul3A_8 = arith.muli %arg1, %mul3A_7 : i32
    "tpu.region"() ({
      %run_scoped3A = tpu.sem_alloc : memref<!tpu.dma_semaphore, #tpu.memory_space<semaphore_mem>>
      %dma_start3A_79 = arith.constant 0 : i32
      %dma_start3A_80 = tpu.memref_slice %arg12[%mul3A_8, %dma_start3A_79] : memref<10000x16xf32, #tpu.memory_space<vmem_shared>> -> memref<624x16xf32, #tpu.memory_space<vmem_shared>>
      %dma_start3A_81 = arith.constant 0 : i32
      %dma_start3A_82 = tpu.memref_slice %arg4[%mul3A_6, %dma_start3A_81] : memref<10000x16xf32, #tpu.memory_space<hbm>> -> memref<624x16xf32, #tpu.memory_space<hbm>>
      tpu.enqueue_dma source(%dma_start3A_82 : memref<624x16xf32, #tpu.memory_space<hbm>>) target(%dma_start3A_80 : memref<624x16xf32, #tpu.memory_space<vmem_shared>>) target_semaphore(%run_scoped3A : memref<!tpu.dma_semaphore, #tpu.memory_space<semaphore_mem>>)
      %dma_wait3A_83 = arith.constant 0 : i32
      %dma_wait3A_84 = tpu.memref_slice %arg12[%mul3A_8, %dma_wait3A_83] : memref<10000x16xf32, #tpu.memory_space<vmem_shared>> -> memref<624x16xf32, #tpu.memory_space<vmem_shared>>
      %dma_wait3A_85 = arith.constant 0 : i32
      %dma_wait3A_86 = tpu.memref_slice %arg4[%mul3A_6, %dma_wait3A_85] : memref<10000x16xf32, #tpu.memory_space<hbm>> -> memref<624x16xf32, #tpu.memory_space<hbm>>
      tpu.wait_dma2 semaphore(%run_scoped3A : memref<!tpu.dma_semaphore, #tpu.memory_space<semaphore_mem>>) src(%dma_wait3A_86 : memref<624x16xf32, #tpu.memory_space<hbm>>) dst(%dma_wait3A_84 : memref<624x16xf32, #tpu.memory_space<vmem_shared>>)
      tpu.yield
    }) : () -> ()
    %eq3A = arith.constant 0 : i32
    %eq3A_9 = arith.cmpi eq, %arg1, %eq3A : i32
    %convert_element_type3A = arith.extui %eq3A_9 : i1 to i32
    %cond3A = arith.constant 0 : i32
    %cond3A_10 = arith.cmpi ne, %convert_element_type3A, %cond3A : i32
    scf.if %cond3A_10 {
      "tpu.region"() ({
        %run_scoped3A = tpu.sem_alloc : memref<!tpu.dma_semaphore, #tpu.memory_space<semaphore_mem>>
        %dma_start3A_79 = arith.constant 9984 : i32
        %dma_start3A_80 = arith.constant 0 : i32
        %dma_start3A_81 = tpu.memref_slice %arg12[%dma_start3A_79, %dma_start3A_80] : memref<10000x16xf32, #tpu.memory_space<vmem_shared>> -> memref<16x16xf32, #tpu.memory_space<vmem_shared>>
        %dma_start3A_82 = arith.constant 9984 : i32
        %dma_start3A_83 = arith.constant 0 : i32
        %dma_start3A_84 = tpu.memref_slice %arg4[%dma_start3A_82, %dma_start3A_83] : memref<10000x16xf32, #tpu.memory_space<hbm>> -> memref<16x16xf32, #tpu.memory_space<hbm>>
        tpu.enqueue_dma source(%dma_start3A_84 : memref<16x16xf32, #tpu.memory_space<hbm>>) target(%dma_start3A_81 : memref<16x16xf32, #tpu.memory_space<vmem_shared>>) target_semaphore(%run_scoped3A : memref<!tpu.dma_semaphore, #tpu.memory_space<semaphore_mem>>)
        %dma_wait3A_85 = arith.constant 9984 : i32
        %dma_wait3A_86 = arith.constant 0 : i32
        %dma_wait3A_87 = tpu.memref_slice %arg12[%dma_wait3A_85, %dma_wait3A_86] : memref<10000x16xf32, #tpu.memory_space<vmem_shared>> -> memref<16x16xf32, #tpu.memory_space<vmem_shared>>
        %dma_wait3A_88 = arith.constant 9984 : i32
        %dma_wait3A_89 = arith.constant 0 : i32
        %dma_wait3A_90 = tpu.memref_slice %arg4[%dma_wait3A_88, %dma_wait3A_89] : memref<10000x16xf32, #tpu.memory_space<hbm>> -> memref<16x16xf32, #tpu.memory_space<hbm>>
        tpu.wait_dma2 semaphore(%run_scoped3A : memref<!tpu.dma_semaphore, #tpu.memory_space<semaphore_mem>>) src(%dma_wait3A_90 : memref<16x16xf32, #tpu.memory_space<hbm>>) dst(%dma_wait3A_87 : memref<16x16xf32, #tpu.memory_space<vmem_shared>>)
        tpu.yield
      }) : () -> ()
    } else {
    }
    %mul3A_11 = arith.constant 10 : i32
    %mul3A_12 = arith.muli %add3A, %mul3A_11 : i32
    "tpu.region"() ({
      %run_scoped3A = tpu.sem_alloc : memref<!tpu.dma_semaphore, #tpu.memory_space<semaphore_mem>>
      %dma_start3A_79 = arith.constant 0 : i32
      %dma_start3A_80 = tpu.memref_slice %arg2[%mul3A_12, %dma_start3A_79] : memref<320x1024xi32, #tpu.memory_space<hbm>> -> memref<10x1024xi32, #tpu.memory_space<hbm>>
      %dma_start3A_81 = arith.constant 0 : i32
      %dma_start3A_82 = tpu.memref_slice %arg2[%mul3A_12, %dma_start3A_81] : memref<320x1024xi32, #tpu.memory_space<hbm>> -> memref<10x1024xi32, #tpu.memory_space<hbm>>
      tpu.enqueue_dma source(%dma_start3A_82 : memref<10x1024xi32, #tpu.memory_space<hbm>>) target(%arg7 : memref<10x1024xi32, #tpu.memory_space<vmem>>) target_semaphore(%run_scoped3A : memref<!tpu.dma_semaphore, #tpu.memory_space<semaphore_mem>>)
      %dma_wait3A_83 = arith.constant 0 : i32
      %dma_wait3A_84 = tpu.memref_slice %arg2[%mul3A_12, %dma_wait3A_83] : memref<320x1024xi32, #tpu.memory_space<hbm>> -> memref<10x1024xi32, #tpu.memory_space<hbm>>
      %dma_wait3A_85 = arith.constant 0 : i32
      %dma_wait3A_86 = tpu.memref_slice %arg2[%mul3A_12, %dma_wait3A_85] : memref<320x1024xi32, #tpu.memory_space<hbm>> -> memref<10x1024xi32, #tpu.memory_space<hbm>>
      tpu.wait_dma2 semaphore(%run_scoped3A : memref<!tpu.dma_semaphore, #tpu.memory_space<semaphore_mem>>) src(%dma_wait3A_86 : memref<10x1024xi32, #tpu.memory_space<hbm>>) dst(%arg7 : memref<10x1024xi32, #tpu.memory_space<vmem>>)
      tpu.yield
    }) : () -> ()
    %mul3A_13 = arith.constant 10 : i32
    %mul3A_14 = arith.muli %add3A, %mul3A_13 : i32
    "tpu.region"() ({
      %run_scoped3A = tpu.sem_alloc : memref<!tpu.dma_semaphore, #tpu.memory_space<semaphore_mem>>
      %dma_start3A_79 = arith.constant 0 : i32
      %dma_start3A_80 = tpu.memref_slice %arg3[%mul3A_14, %dma_start3A_79] : memref<320x1024xi32, #tpu.memory_space<hbm>> -> memref<10x1024xi32, #tpu.memory_space<hbm>>
      %dma_start3A_81 = arith.constant 0 : i32
      %dma_start3A_82 = tpu.memref_slice %arg3[%mul3A_14, %dma_start3A_81] : memref<320x1024xi32, #tpu.memory_space<hbm>> -> memref<10x1024xi32, #tpu.memory_space<hbm>>
      tpu.enqueue_dma source(%dma_start3A_82 : memref<10x1024xi32, #tpu.memory_space<hbm>>) target(%arg8 : memref<10x1024xi32, #tpu.memory_space<vmem>>) target_semaphore(%run_scoped3A : memref<!tpu.dma_semaphore, #tpu.memory_space<semaphore_mem>>)
      %dma_wait3A_83 = arith.constant 0 : i32
      %dma_wait3A_84 = tpu.memref_slice %arg3[%mul3A_14, %dma_wait3A_83] : memref<320x1024xi32, #tpu.memory_space<hbm>> -> memref<10x1024xi32, #tpu.memory_space<hbm>>
      %dma_wait3A_85 = arith.constant 0 : i32
      %dma_wait3A_86 = tpu.memref_slice %arg3[%mul3A_14, %dma_wait3A_85] : memref<320x1024xi32, #tpu.memory_space<hbm>> -> memref<10x1024xi32, #tpu.memory_space<hbm>>
      tpu.wait_dma2 semaphore(%run_scoped3A : memref<!tpu.dma_semaphore, #tpu.memory_space<semaphore_mem>>) src(%dma_wait3A_86 : memref<10x1024xi32, #tpu.memory_space<hbm>>) dst(%arg8 : memref<10x1024xi32, #tpu.memory_space<vmem>>)
      tpu.yield
    }) : () -> ()
    %barrier3A = arith.constant 0 : index
    tpu.barrier barrier_id(%barrier3A)
    %dma_start3A = arith.constant 0 : i32
    %dma_start3A_15 = arith.constant 0 : i32
    %dma_start3A_16 = tpu.memref_slice %arg7[%dma_start3A, %dma_start3A_15] : memref<10x1024xi32, #tpu.memory_space<vmem>> -> memref<1x1024xi32, #tpu.memory_space<vmem>>
    %dma_start3A_17 = tpu.memref_squeeze %dma_start3A_16 : memref<1x1024xi32, #tpu.memory_space<vmem>> -> memref<1024xi32, #tpu.memory_space<vmem>>
    %dma_start3A_18 = arith.constant 0 : i32
    %dma_start3A_19 = arith.constant 0 : i32
    %dma_start3A_20 = tpu.memref_slice %arg12[%dma_start3A_18, %dma_start3A_19] : memref<10000x16xf32, #tpu.memory_space<vmem_shared>> -> memref<10000x16xf32, #tpu.memory_space<vmem_shared>>
    tpu.enqueue_indirect_dma source(%dma_start3A_20 : memref<10000x16xf32, #tpu.memory_space<vmem_shared>>) target(%arg9 : memref<1024x16xf32, #tpu.memory_space<vmem>>) offsets(%dma_start3A_17 : memref<1024xi32, #tpu.memory_space<vmem>>) semaphore(%arg13 : memref<!tpu.dma_semaphore, #tpu.memory_space<semaphore_mem>>)
    %dma_wait3A = arith.constant 0 : i32
    %dma_wait3A_21 = arith.constant 0 : i32
    %dma_wait3A_22 = tpu.memref_slice %arg7[%dma_wait3A, %dma_wait3A_21] : memref<10x1024xi32, #tpu.memory_space<vmem>> -> memref<1x1024xi32, #tpu.memory_space<vmem>>
    %dma_wait3A_23 = tpu.memref_squeeze %dma_wait3A_22 : memref<1x1024xi32, #tpu.memory_space<vmem>> -> memref<1024xi32, #tpu.memory_space<vmem>>
    %dma_wait3A_24 = arith.constant 0 : i32
    %dma_wait3A_25 = arith.constant 0 : i32
    %dma_wait3A_26 = tpu.memref_slice %arg12[%dma_wait3A_24, %dma_wait3A_25] : memref<10000x16xf32, #tpu.memory_space<vmem_shared>> -> memref<10000x16xf32, #tpu.memory_space<vmem_shared>>
    tpu.wait_indirect_dma semaphore(%arg13 : memref<!tpu.dma_semaphore, #tpu.memory_space<semaphore_mem>>) src(%dma_wait3A_26 : memref<10000x16xf32, #tpu.memory_space<vmem_shared>>) dst(%arg9 : memref<1024x16xf32, #tpu.memory_space<vmem>>)
    %dma_start3A_27 = arith.constant 0 : i32
    %dma_start3A_28 = arith.constant 0 : i32
    %dma_start3A_29 = tpu.memref_slice %arg8[%dma_start3A_27, %dma_start3A_28] : memref<10x1024xi32, #tpu.memory_space<vmem>> -> memref<1x1024xi32, #tpu.memory_space<vmem>>
    %dma_start3A_30 = tpu.memref_squeeze %dma_start3A_29 : memref<1x1024xi32, #tpu.memory_space<vmem>> -> memref<1024xi32, #tpu.memory_space<vmem>>
    %dma_start3A_31 = arith.constant 0 : i32
    %dma_start3A_32 = arith.constant 0 : i32
    %dma_start3A_33 = tpu.memref_slice %arg11[%dma_start3A_31, %dma_start3A_32] : memref<10240x16xf32, #tpu.memory_space<vmem_shared>> -> memref<10240x16xf32, #tpu.memory_space<vmem_shared>>
    tpu.enqueue_indirect_dma source(%arg9 : memref<1024x16xf32, #tpu.memory_space<vmem>>) target(%dma_start3A_33 : memref<10240x16xf32, #tpu.memory_space<vmem_shared>>) offsets(%dma_start3A_30 : memref<1024xi32, #tpu.memory_space<vmem>>) semaphore(%arg15 : memref<!tpu.dma_semaphore, #tpu.memory_space<semaphore_mem>>) {add = true}
    %dma_start3A_34 = arith.constant 1 : i32
    %dma_start3A_35 = arith.constant 0 : i32
    %dma_start3A_36 = tpu.memref_slice %arg7[%dma_start3A_34, %dma_start3A_35] : memref<10x1024xi32, #tpu.memory_space<vmem>> -> memref<1x1024xi32, #tpu.memory_space<vmem>>
    %dma_start3A_37 = tpu.memref_squeeze %dma_start3A_36 : memref<1x1024xi32, #tpu.memory_space<vmem>> -> memref<1024xi32, #tpu.memory_space<vmem>>
    %dma_start3A_38 = arith.constant 0 : i32
    %dma_start3A_39 = arith.constant 0 : i32
    %dma_start3A_40 = tpu.memref_slice %arg12[%dma_start3A_38, %dma_start3A_39] : memref<10000x16xf32, #tpu.memory_space<vmem_shared>> -> memref<10000x16xf32, #tpu.memory_space<vmem_shared>>
    tpu.enqueue_indirect_dma source(%dma_start3A_40 : memref<10000x16xf32, #tpu.memory_space<vmem_shared>>) target(%arg10 : memref<1024x16xf32, #tpu.memory_space<vmem>>) offsets(%dma_start3A_37 : memref<1024xi32, #tpu.memory_space<vmem>>) semaphore(%arg14 : memref<!tpu.dma_semaphore, #tpu.memory_space<semaphore_mem>>)
    %scan3A = arith.constant 0 : i32
    %scan3A_41 = arith.constant 0 : i32
    %scan3A_42 = arith.constant 4 : i32
    %scan3A_43 = arith.addi %scan3A_41, %scan3A_42 : i32
    %scan3A_44 = arith.constant 1 : i32
    scf.for %scan3A_79 = %scan3A_41 to %scan3A_43 step %scan3A_44  : i32 {
      %mul3A_80 = arith.constant 2 : i32
      %mul3A_81 = arith.muli %mul3A_80, %scan3A_79 : i32
      %add3A_82 = arith.constant 1 : i32
      %add3A_83 = arith.addi %mul3A_81, %add3A_82 : i32
      %dma_wait3A_84 = arith.constant 0 : i32
      %dma_wait3A_85 = arith.constant 0 : i32
      %dma_wait3A_86 = tpu.memref_slice %arg7[%dma_wait3A_84, %dma_wait3A_85] : memref<10x1024xi32, #tpu.memory_space<vmem>> -> memref<1x1024xi32, #tpu.memory_space<vmem>>
      %dma_wait3A_87 = tpu.memref_squeeze %dma_wait3A_86 : memref<1x1024xi32, #tpu.memory_space<vmem>> -> memref<1024xi32, #tpu.memory_space<vmem>>
      %dma_wait3A_88 = arith.constant 0 : i32
      %dma_wait3A_89 = arith.constant 0 : i32
      %dma_wait3A_90 = tpu.memref_slice %arg12[%dma_wait3A_88, %dma_wait3A_89] : memref<10000x16xf32, #tpu.memory_space<vmem_shared>> -> memref<10000x16xf32, #tpu.memory_space<vmem_shared>>
      tpu.wait_indirect_dma semaphore(%arg14 : memref<!tpu.dma_semaphore, #tpu.memory_space<semaphore_mem>>) src(%dma_wait3A_90 : memref<10000x16xf32, #tpu.memory_space<vmem_shared>>) dst(%arg10 : memref<1024x16xf32, #tpu.memory_space<vmem>>)
      %dma_start3A_91 = arith.constant 0 : i32
      %dma_start3A_92 = tpu.memref_slice %arg8[%add3A_83, %dma_start3A_91] : memref<10x1024xi32, #tpu.memory_space<vmem>> -> memref<1x1024xi32, #tpu.memory_space<vmem>>
      %dma_start3A_93 = tpu.memref_squeeze %dma_start3A_92 : memref<1x1024xi32, #tpu.memory_space<vmem>> -> memref<1024xi32, #tpu.memory_space<vmem>>
      %dma_start3A_94 = arith.constant 0 : i32
      %dma_start3A_95 = arith.constant 0 : i32
      %dma_start3A_96 = tpu.memref_slice %arg11[%dma_start3A_94, %dma_start3A_95] : memref<10240x16xf32, #tpu.memory_space<vmem_shared>> -> memref<10240x16xf32, #tpu.memory_space<vmem_shared>>
      tpu.enqueue_indirect_dma source(%arg10 : memref<1024x16xf32, #tpu.memory_space<vmem>>) target(%dma_start3A_96 : memref<10240x16xf32, #tpu.memory_space<vmem_shared>>) offsets(%dma_start3A_93 : memref<1024xi32, #tpu.memory_space<vmem>>) semaphore(%arg16 : memref<!tpu.dma_semaphore, #tpu.memory_space<semaphore_mem>>) {add = true}
      %dma_wait3A_97 = arith.constant 0 : i32
      %dma_wait3A_98 = arith.constant 0 : i32
      %dma_wait3A_99 = tpu.memref_slice %arg8[%dma_wait3A_97, %dma_wait3A_98] : memref<10x1024xi32, #tpu.memory_space<vmem>> -> memref<1x1024xi32, #tpu.memory_space<vmem>>
      %dma_wait3A_100 = tpu.memref_squeeze %dma_wait3A_99 : memref<1x1024xi32, #tpu.memory_space<vmem>> -> memref<1024xi32, #tpu.memory_space<vmem>>
      %dma_wait3A_101 = arith.constant 0 : i32
      %dma_wait3A_102 = arith.constant 0 : i32
      %dma_wait3A_103 = tpu.memref_slice %arg11[%dma_wait3A_101, %dma_wait3A_102] : memref<10240x16xf32, #tpu.memory_space<vmem_shared>> -> memref<10240x16xf32, #tpu.memory_space<vmem_shared>>
      tpu.wait_indirect_dma semaphore(%arg15 : memref<!tpu.dma_semaphore, #tpu.memory_space<semaphore_mem>>) src(%arg9 : memref<1024x16xf32, #tpu.memory_space<vmem>>) dst(%dma_wait3A_103 : memref<10240x16xf32, #tpu.memory_space<vmem_shared>>)
      %add3A_104 = arith.constant 1 : i32
      %add3A_105 = arith.addi %add3A_83, %add3A_104 : i32
      %dma_start3A_106 = arith.constant 0 : i32
      %dma_start3A_107 = tpu.memref_slice %arg7[%add3A_105, %dma_start3A_106] : memref<10x1024xi32, #tpu.memory_space<vmem>> -> memref<1x1024xi32, #tpu.memory_space<vmem>>
      %dma_start3A_108 = tpu.memref_squeeze %dma_start3A_107 : memref<1x1024xi32, #tpu.memory_space<vmem>> -> memref<1024xi32, #tpu.memory_space<vmem>>
      %dma_start3A_109 = arith.constant 0 : i32
      %dma_start3A_110 = arith.constant 0 : i32
      %dma_start3A_111 = tpu.memref_slice %arg12[%dma_start3A_109, %dma_start3A_110] : memref<10000x16xf32, #tpu.memory_space<vmem_shared>> -> memref<10000x16xf32, #tpu.memory_space<vmem_shared>>
      tpu.enqueue_indirect_dma source(%dma_start3A_111 : memref<10000x16xf32, #tpu.memory_space<vmem_shared>>) target(%arg9 : memref<1024x16xf32, #tpu.memory_space<vmem>>) offsets(%dma_start3A_108 : memref<1024xi32, #tpu.memory_space<vmem>>) semaphore(%arg13 : memref<!tpu.dma_semaphore, #tpu.memory_space<semaphore_mem>>)
      %dma_wait3A_112 = arith.constant 0 : i32
      %dma_wait3A_113 = arith.constant 0 : i32
      %dma_wait3A_114 = tpu.memref_slice %arg7[%dma_wait3A_112, %dma_wait3A_113] : memref<10x1024xi32, #tpu.memory_space<vmem>> -> memref<1x1024xi32, #tpu.memory_space<vmem>>
      %dma_wait3A_115 = tpu.memref_squeeze %dma_wait3A_114 : memref<1x1024xi32, #tpu.memory_space<vmem>> -> memref<1024xi32, #tpu.memory_space<vmem>>
      %dma_wait3A_116 = arith.constant 0 : i32
      %dma_wait3A_117 = arith.constant 0 : i32
      %dma_wait3A_118 = tpu.memref_slice %arg12[%dma_wait3A_116, %dma_wait3A_117] : memref<10000x16xf32, #tpu.memory_space<vmem_shared>> -> memref<10000x16xf32, #tpu.memory_space<vmem_shared>>
      tpu.wait_indirect_dma semaphore(%arg13 : memref<!tpu.dma_semaphore, #tpu.memory_space<semaphore_mem>>) src(%dma_wait3A_118 : memref<10000x16xf32, #tpu.memory_space<vmem_shared>>) dst(%arg9 : memref<1024x16xf32, #tpu.memory_space<vmem>>)
      %add3A_119 = arith.constant 1 : i32
      %add3A_120 = arith.addi %add3A_83, %add3A_119 : i32
      %dma_start3A_121 = arith.constant 0 : i32
      %dma_start3A_122 = tpu.memref_slice %arg8[%add3A_120, %dma_start3A_121] : memref<10x1024xi32, #tpu.memory_space<vmem>> -> memref<1x1024xi32, #tpu.memory_space<vmem>>
      %dma_start3A_123 = tpu.memref_squeeze %dma_start3A_122 : memref<1x1024xi32, #tpu.memory_space<vmem>> -> memref<1024xi32, #tpu.memory_space<vmem>>
      %dma_start3A_124 = arith.constant 0 : i32
      %dma_start3A_125 = arith.constant 0 : i32
      %dma_start3A_126 = tpu.memref_slice %arg11[%dma_start3A_124, %dma_start3A_125] : memref<10240x16xf32, #tpu.memory_space<vmem_shared>> -> memref<10240x16xf32, #tpu.memory_space<vmem_shared>>
      tpu.enqueue_indirect_dma source(%arg9 : memref<1024x16xf32, #tpu.memory_space<vmem>>) target(%dma_start3A_126 : memref<10240x16xf32, #tpu.memory_space<vmem_shared>>) offsets(%dma_start3A_123 : memref<1024xi32, #tpu.memory_space<vmem>>) semaphore(%arg15 : memref<!tpu.dma_semaphore, #tpu.memory_space<semaphore_mem>>) {add = true}
      %dma_wait3A_127 = arith.constant 0 : i32
      %dma_wait3A_128 = arith.constant 0 : i32
      %dma_wait3A_129 = tpu.memref_slice %arg8[%dma_wait3A_127, %dma_wait3A_128] : memref<10x1024xi32, #tpu.memory_space<vmem>> -> memref<1x1024xi32, #tpu.memory_space<vmem>>
      %dma_wait3A_130 = tpu.memref_squeeze %dma_wait3A_129 : memref<1x1024xi32, #tpu.memory_space<vmem>> -> memref<1024xi32, #tpu.memory_space<vmem>>
      %dma_wait3A_131 = arith.constant 0 : i32
      %dma_wait3A_132 = arith.constant 0 : i32
      %dma_wait3A_133 = tpu.memref_slice %arg11[%dma_wait3A_131, %dma_wait3A_132] : memref<10240x16xf32, #tpu.memory_space<vmem_shared>> -> memref<10240x16xf32, #tpu.memory_space<vmem_shared>>
      tpu.wait_indirect_dma semaphore(%arg16 : memref<!tpu.dma_semaphore, #tpu.memory_space<semaphore_mem>>) src(%arg10 : memref<1024x16xf32, #tpu.memory_space<vmem>>) dst(%dma_wait3A_133 : memref<10240x16xf32, #tpu.memory_space<vmem_shared>>)
      %add3A_134 = arith.constant 2 : i32
      %add3A_135 = arith.addi %add3A_83, %add3A_134 : i32
      %dma_start3A_136 = arith.constant 0 : i32
      %dma_start3A_137 = tpu.memref_slice %arg7[%add3A_135, %dma_start3A_136] : memref<10x1024xi32, #tpu.memory_space<vmem>> -> memref<1x1024xi32, #tpu.memory_space<vmem>>
      %dma_start3A_138 = tpu.memref_squeeze %dma_start3A_137 : memref<1x1024xi32, #tpu.memory_space<vmem>> -> memref<1024xi32, #tpu.memory_space<vmem>>
      %dma_start3A_139 = arith.constant 0 : i32
      %dma_start3A_140 = arith.constant 0 : i32
      %dma_start3A_141 = tpu.memref_slice %arg12[%dma_start3A_139, %dma_start3A_140] : memref<10000x16xf32, #tpu.memory_space<vmem_shared>> -> memref<10000x16xf32, #tpu.memory_space<vmem_shared>>
      tpu.enqueue_indirect_dma source(%dma_start3A_141 : memref<10000x16xf32, #tpu.memory_space<vmem_shared>>) target(%arg10 : memref<1024x16xf32, #tpu.memory_space<vmem>>) offsets(%dma_start3A_138 : memref<1024xi32, #tpu.memory_space<vmem>>) semaphore(%arg14 : memref<!tpu.dma_semaphore, #tpu.memory_space<semaphore_mem>>)
    }
    %scan3A_45 = arith.constant 4 : i32
    %dma_wait3A_46 = arith.constant 0 : i32
    %dma_wait3A_47 = arith.constant 0 : i32
    %dma_wait3A_48 = tpu.memref_slice %arg7[%dma_wait3A_46, %dma_wait3A_47] : memref<10x1024xi32, #tpu.memory_space<vmem>> -> memref<1x1024xi32, #tpu.memory_space<vmem>>
    %dma_wait3A_49 = tpu.memref_squeeze %dma_wait3A_48 : memref<1x1024xi32, #tpu.memory_space<vmem>> -> memref<1024xi32, #tpu.memory_space<vmem>>
    %dma_wait3A_50 = arith.constant 0 : i32
    %dma_wait3A_51 = arith.constant 0 : i32
    %dma_wait3A_52 = tpu.memref_slice %arg12[%dma_wait3A_50, %dma_wait3A_51] : memref<10000x16xf32, #tpu.memory_space<vmem_shared>> -> memref<10000x16xf32, #tpu.memory_space<vmem_shared>>
    tpu.wait_indirect_dma semaphore(%arg14 : memref<!tpu.dma_semaphore, #tpu.memory_space<semaphore_mem>>) src(%dma_wait3A_52 : memref<10000x16xf32, #tpu.memory_space<vmem_shared>>) dst(%arg10 : memref<1024x16xf32, #tpu.memory_space<vmem>>)
    %dma_start3A_53 = arith.constant 9 : i32
    %dma_start3A_54 = arith.constant 0 : i32
    %dma_start3A_55 = tpu.memref_slice %arg8[%dma_start3A_53, %dma_start3A_54] : memref<10x1024xi32, #tpu.memory_space<vmem>> -> memref<1x1024xi32, #tpu.memory_space<vmem>>
    %dma_start3A_56 = tpu.memref_squeeze %dma_start3A_55 : memref<1x1024xi32, #tpu.memory_space<vmem>> -> memref<1024xi32, #tpu.memory_space<vmem>>
    %dma_start3A_57 = arith.constant 0 : i32
    %dma_start3A_58 = arith.constant 0 : i32
    %dma_start3A_59 = tpu.memref_slice %arg11[%dma_start3A_57, %dma_start3A_58] : memref<10240x16xf32, #tpu.memory_space<vmem_shared>> -> memref<10240x16xf32, #tpu.memory_space<vmem_shared>>
    tpu.enqueue_indirect_dma source(%arg10 : memref<1024x16xf32, #tpu.memory_space<vmem>>) target(%dma_start3A_59 : memref<10240x16xf32, #tpu.memory_space<vmem_shared>>) offsets(%dma_start3A_56 : memref<1024xi32, #tpu.memory_space<vmem>>) semaphore(%arg16 : memref<!tpu.dma_semaphore, #tpu.memory_space<semaphore_mem>>) {add = true}
    %dma_wait3A_60 = arith.constant 0 : i32
    %dma_wait3A_61 = arith.constant 0 : i32
    %dma_wait3A_62 = tpu.memref_slice %arg8[%dma_wait3A_60, %dma_wait3A_61] : memref<10x1024xi32, #tpu.memory_space<vmem>> -> memref<1x1024xi32, #tpu.memory_space<vmem>>
    %dma_wait3A_63 = tpu.memref_squeeze %dma_wait3A_62 : memref<1x1024xi32, #tpu.memory_space<vmem>> -> memref<1024xi32, #tpu.memory_space<vmem>>
    %dma_wait3A_64 = arith.constant 0 : i32
    %dma_wait3A_65 = arith.constant 0 : i32
    %dma_wait3A_66 = tpu.memref_slice %arg11[%dma_wait3A_64, %dma_wait3A_65] : memref<10240x16xf32, #tpu.memory_space<vmem_shared>> -> memref<10240x16xf32, #tpu.memory_space<vmem_shared>>
    tpu.wait_indirect_dma semaphore(%arg15 : memref<!tpu.dma_semaphore, #tpu.memory_space<semaphore_mem>>) src(%arg9 : memref<1024x16xf32, #tpu.memory_space<vmem>>) dst(%dma_wait3A_66 : memref<10240x16xf32, #tpu.memory_space<vmem_shared>>)
    %dma_wait3A_67 = arith.constant 0 : i32
    %dma_wait3A_68 = arith.constant 0 : i32
    %dma_wait3A_69 = tpu.memref_slice %arg8[%dma_wait3A_67, %dma_wait3A_68] : memref<10x1024xi32, #tpu.memory_space<vmem>> -> memref<1x1024xi32, #tpu.memory_space<vmem>>
    %dma_wait3A_70 = tpu.memref_squeeze %dma_wait3A_69 : memref<1x1024xi32, #tpu.memory_space<vmem>> -> memref<1024xi32, #tpu.memory_space<vmem>>
    %dma_wait3A_71 = arith.constant 0 : i32
    %dma_wait3A_72 = arith.constant 0 : i32
    %dma_wait3A_73 = tpu.memref_slice %arg11[%dma_wait3A_71, %dma_wait3A_72] : memref<10240x16xf32, #tpu.memory_space<vmem_shared>> -> memref<10240x16xf32, #tpu.memory_space<vmem_shared>>
    tpu.wait_indirect_dma semaphore(%arg16 : memref<!tpu.dma_semaphore, #tpu.memory_space<semaphore_mem>>) src(%arg10 : memref<1024x16xf32, #tpu.memory_space<vmem>>) dst(%dma_wait3A_73 : memref<10240x16xf32, #tpu.memory_space<vmem_shared>>)
    %barrier3A_74 = arith.constant 0 : index
    tpu.barrier barrier_id(%barrier3A_74)
    %mul3A_75 = arith.constant 640 : i32
    %mul3A_76 = arith.muli %arg1, %mul3A_75 : i32
    %mul3A_77 = arith.constant 640 : i32
    %mul3A_78 = arith.muli %arg1, %mul3A_77 : i32
    "tpu.region"() ({
      %run_scoped3A = tpu.sem_alloc : memref<!tpu.dma_semaphore, #tpu.memory_space<semaphore_mem>>
      %dma_start3A_79 = arith.constant 0 : i32
      %dma_start3A_80 = tpu.memref_slice %arg6[%arg0, %mul3A_78, %dma_start3A_79] : memref<2x10240x16xf32, #tpu.memory_space<hbm>> -> memref<1x640x16xf32, #tpu.memory_space<hbm>>
      %dma_start3A_81 = tpu.memref_squeeze %dma_start3A_80 : memref<1x640x16xf32, #tpu.memory_space<hbm>> -> memref<640x16xf32, #tpu.memory_space<hbm>>
      %dma_start3A_82 = arith.constant 0 : i32
      %dma_start3A_83 = tpu.memref_slice %arg11[%mul3A_76, %dma_start3A_82] : memref<10240x16xf32, #tpu.memory_space<vmem_shared>> -> memref<640x16xf32, #tpu.memory_space<vmem_shared>>
      tpu.enqueue_dma source(%dma_start3A_83 : memref<640x16xf32, #tpu.memory_space<vmem_shared>>) target(%dma_start3A_81 : memref<640x16xf32, #tpu.memory_space<hbm>>) target_semaphore(%run_scoped3A : memref<!tpu.dma_semaphore, #tpu.memory_space<semaphore_mem>>)
      %dma_wait3A_84 = arith.constant 0 : i32
      %dma_wait3A_85 = tpu.memref_slice %arg6[%arg0, %mul3A_78, %dma_wait3A_84] : memref<2x10240x16xf32, #tpu.memory_space<hbm>> -> memref<1x640x16xf32, #tpu.memory_space<hbm>>
      %dma_wait3A_86 = tpu.memref_squeeze %dma_wait3A_85 : memref<1x640x16xf32, #tpu.memory_space<hbm>> -> memref<640x16xf32, #tpu.memory_space<hbm>>
      %dma_wait3A_87 = arith.constant 0 : i32
      %dma_wait3A_88 = tpu.memref_slice %arg11[%mul3A_76, %dma_wait3A_87] : memref<10240x16xf32, #tpu.memory_space<vmem_shared>> -> memref<640x16xf32, #tpu.memory_space<vmem_shared>>
      tpu.wait_dma2 semaphore(%run_scoped3A : memref<!tpu.dma_semaphore, #tpu.memory_space<semaphore_mem>>) src(%dma_wait3A_88 : memref<640x16xf32, #tpu.memory_space<vmem_shared>>) dst(%dma_wait3A_86 : memref<640x16xf32, #tpu.memory_space<hbm>>)
      tpu.yield
    }) : () -> ()
    return
  }
}

#map = affine_map<(d0, d1) -> (0, 0)>
#map1 = affine_map<(d0, d1) -> (0, 0, 0)>
module attributes {stable_mosaic.version = 14 : i64} {
  func.func @k(%arg0: i32, %arg1: i32, %arg2: memref<320x1024xi32, #tpu.memory_space<hbm>>, %arg3: memref<320x1024xi32, #tpu.memory_space<hbm>>, %arg4: memref<10000x8xf32, #tpu.memory_space<hbm>>, %arg5: memref<10240x8xf32, #tpu.memory_space<hbm>>, %arg6: memref<2x10240x8xf32, #tpu.memory_space<hbm>>, %arg7: memref<10x1024xi32, #tpu.memory_space<vmem>>, %arg8: memref<10x1024xi32, #tpu.memory_space<vmem>>, %arg9: memref<1024x8xf32, #tpu.memory_space<vmem>>, %arg10: memref<1024x8xf32, #tpu.memory_space<vmem>>, %arg11: memref<10240x8xf32, #tpu.memory_space<vmem_shared>>, %arg12: memref<10000x8xf32, #tpu.memory_space<vmem_shared>>, %arg13: memref<!tpu.dma_semaphore, #tpu.memory_space<semaphore_mem>>, %arg14: memref<!tpu.dma_semaphore, #tpu.memory_space<semaphore_mem>>, %arg15: memref<!tpu.dma_semaphore, #tpu.memory_space<semaphore_mem>>, %arg16: memref<!tpu.dma_semaphore, #tpu.memory_space<semaphore_mem>>) attributes {dimension_semantics = [#tpu.dimension_semantics<core_parallel>, #tpu.dimension_semantics<subcore_parallel>], iteration_bounds = array<i64: 2, 16>, scalar_prefetch = 0 : i64, scratch_operands = 10 : i64, tpu.core_type = #tpu.core_type<sc_vector_subcore>, window_params = [{transform_indices = #map}, {transform_indices = #map}, {transform_indices = #map}, {transform_indices = #map}, {transform_indices = #map1}]} {
    %mul3A = arith.constant 2 : i32
    %mul3A_0 = arith.muli %arg1, %mul3A : i32
    %add3A = arith.addi %mul3A_0, %arg0 : i32
    %mul3A_1 = arith.constant 640 : i32
    %mul3A_2 = arith.muli %arg1, %mul3A_1 : i32
    %mul3A_3 = arith.constant 640 : i32
    %mul3A_4 = arith.muli %arg1, %mul3A_3 : i32
    "tpu.region"() ({
      %run_scoped3A = tpu.sem_alloc : memref<!tpu.dma_semaphore, #tpu.memory_space<semaphore_mem>>
      %dma_start3A_79 = arith.constant 0 : i32
      %dma_start3A_80 = tpu.memref_slice %arg11[%mul3A_4, %dma_start3A_79] : memref<10240x8xf32, #tpu.memory_space<vmem_shared>> -> memref<640x8xf32, #tpu.memory_space<vmem_shared>>
      %dma_start3A_81 = arith.constant 0 : i32
      %dma_start3A_82 = tpu.memref_slice %arg5[%mul3A_2, %dma_start3A_81] : memref<10240x8xf32, #tpu.memory_space<hbm>> -> memref<640x8xf32, #tpu.memory_space<hbm>>
      tpu.enqueue_dma source(%dma_start3A_82 : memref<640x8xf32, #tpu.memory_space<hbm>>) target(%dma_start3A_80 : memref<640x8xf32, #tpu.memory_space<vmem_shared>>) target_semaphore(%run_scoped3A : memref<!tpu.dma_semaphore, #tpu.memory_space<semaphore_mem>>)
      %dma_wait3A_83 = arith.constant 0 : i32
      %dma_wait3A_84 = tpu.memref_slice %arg11[%mul3A_4, %dma_wait3A_83] : memref<10240x8xf32, #tpu.memory_space<vmem_shared>> -> memref<640x8xf32, #tpu.memory_space<vmem_shared>>
      %dma_wait3A_85 = arith.constant 0 : i32
      %dma_wait3A_86 = tpu.memref_slice %arg5[%mul3A_2, %dma_wait3A_85] : memref<10240x8xf32, #tpu.memory_space<hbm>> -> memref<640x8xf32, #tpu.memory_space<hbm>>
      tpu.wait_dma2 semaphore(%run_scoped3A : memref<!tpu.dma_semaphore, #tpu.memory_space<semaphore_mem>>) src(%dma_wait3A_86 : memref<640x8xf32, #tpu.memory_space<hbm>>) dst(%dma_wait3A_84 : memref<640x8xf32, #tpu.memory_space<vmem_shared>>)
      tpu.yield
    }) : () -> ()
    %mul3A_5 = arith.constant 624 : i32
    %mul3A_6 = arith.muli %arg1, %mul3A_5 : i32
    %mul3A_7 = arith.constant 624 : i32
    %mul3A_8 = arith.muli %arg1, %mul3A_7 : i32
    "tpu.region"() ({
      %run_scoped3A = tpu.sem_alloc : memref<!tpu.dma_semaphore, #tpu.memory_space<semaphore_mem>>
      %dma_start3A_79 = arith.constant 0 : i32
      %dma_start3A_80 = tpu.memref_slice %arg12[%mul3A_8, %dma_start3A_79] : memref<10000x8xf32, #tpu.memory_space<vmem_shared>> -> memref<624x8xf32, #tpu.memory_space<vmem_shared>>
      %dma_start3A_81 = arith.constant 0 : i32
      %dma_start3A_82 = tpu.memref_slice %arg4[%mul3A_6, %dma_start3A_81] : memref<10000x8xf32, #tpu.memory_space<hbm>> -> memref<624x8xf32, #tpu.memory_space<hbm>>
      tpu.enqueue_dma source(%dma_start3A_82 : memref<624x8xf32, #tpu.memory_space<hbm>>) target(%dma_start3A_80 : memref<624x8xf32, #tpu.memory_space<vmem_shared>>) target_semaphore(%run_scoped3A : memref<!tpu.dma_semaphore, #tpu.memory_space<semaphore_mem>>)
      %dma_wait3A_83 = arith.constant 0 : i32
      %dma_wait3A_84 = tpu.memref_slice %arg12[%mul3A_8, %dma_wait3A_83] : memref<10000x8xf32, #tpu.memory_space<vmem_shared>> -> memref<624x8xf32, #tpu.memory_space<vmem_shared>>
      %dma_wait3A_85 = arith.constant 0 : i32
      %dma_wait3A_86 = tpu.memref_slice %arg4[%mul3A_6, %dma_wait3A_85] : memref<10000x8xf32, #tpu.memory_space<hbm>> -> memref<624x8xf32, #tpu.memory_space<hbm>>
      tpu.wait_dma2 semaphore(%run_scoped3A : memref<!tpu.dma_semaphore, #tpu.memory_space<semaphore_mem>>) src(%dma_wait3A_86 : memref<624x8xf32, #tpu.memory_space<hbm>>) dst(%dma_wait3A_84 : memref<624x8xf32, #tpu.memory_space<vmem_shared>>)
      tpu.yield
    }) : () -> ()
    %eq3A = arith.constant 0 : i32
    %eq3A_9 = arith.cmpi eq, %arg1, %eq3A : i32
    %convert_element_type3A = arith.extui %eq3A_9 : i1 to i32
    %cond3A = arith.constant 0 : i32
    %cond3A_10 = arith.cmpi ne, %convert_element_type3A, %cond3A : i32
    scf.if %cond3A_10 {
      "tpu.region"() ({
        %run_scoped3A = tpu.sem_alloc : memref<!tpu.dma_semaphore, #tpu.memory_space<semaphore_mem>>
        %dma_start3A_79 = arith.constant 9984 : i32
        %dma_start3A_80 = arith.constant 0 : i32
        %dma_start3A_81 = tpu.memref_slice %arg12[%dma_start3A_79, %dma_start3A_80] : memref<10000x8xf32, #tpu.memory_space<vmem_shared>> -> memref<16x8xf32, #tpu.memory_space<vmem_shared>>
        %dma_start3A_82 = arith.constant 9984 : i32
        %dma_start3A_83 = arith.constant 0 : i32
        %dma_start3A_84 = tpu.memref_slice %arg4[%dma_start3A_82, %dma_start3A_83] : memref<10000x8xf32, #tpu.memory_space<hbm>> -> memref<16x8xf32, #tpu.memory_space<hbm>>
        tpu.enqueue_dma source(%dma_start3A_84 : memref<16x8xf32, #tpu.memory_space<hbm>>) target(%dma_start3A_81 : memref<16x8xf32, #tpu.memory_space<vmem_shared>>) target_semaphore(%run_scoped3A : memref<!tpu.dma_semaphore, #tpu.memory_space<semaphore_mem>>)
        %dma_wait3A_85 = arith.constant 9984 : i32
        %dma_wait3A_86 = arith.constant 0 : i32
        %dma_wait3A_87 = tpu.memref_slice %arg12[%dma_wait3A_85, %dma_wait3A_86] : memref<10000x8xf32, #tpu.memory_space<vmem_shared>> -> memref<16x8xf32, #tpu.memory_space<vmem_shared>>
        %dma_wait3A_88 = arith.constant 9984 : i32
        %dma_wait3A_89 = arith.constant 0 : i32
        %dma_wait3A_90 = tpu.memref_slice %arg4[%dma_wait3A_88, %dma_wait3A_89] : memref<10000x8xf32, #tpu.memory_space<hbm>> -> memref<16x8xf32, #tpu.memory_space<hbm>>
        tpu.wait_dma2 semaphore(%run_scoped3A : memref<!tpu.dma_semaphore, #tpu.memory_space<semaphore_mem>>) src(%dma_wait3A_90 : memref<16x8xf32, #tpu.memory_space<hbm>>) dst(%dma_wait3A_87 : memref<16x8xf32, #tpu.memory_space<vmem_shared>>)
        tpu.yield
      }) : () -> ()
    } else {
    }
    %mul3A_11 = arith.constant 10 : i32
    %mul3A_12 = arith.muli %add3A, %mul3A_11 : i32
    "tpu.region"() ({
      %run_scoped3A = tpu.sem_alloc : memref<!tpu.dma_semaphore, #tpu.memory_space<semaphore_mem>>
      %dma_start3A_79 = arith.constant 0 : i32
      %dma_start3A_80 = tpu.memref_slice %arg2[%mul3A_12, %dma_start3A_79] : memref<320x1024xi32, #tpu.memory_space<hbm>> -> memref<10x1024xi32, #tpu.memory_space<hbm>>
      %dma_start3A_81 = arith.constant 0 : i32
      %dma_start3A_82 = tpu.memref_slice %arg2[%mul3A_12, %dma_start3A_81] : memref<320x1024xi32, #tpu.memory_space<hbm>> -> memref<10x1024xi32, #tpu.memory_space<hbm>>
      tpu.enqueue_dma source(%dma_start3A_82 : memref<10x1024xi32, #tpu.memory_space<hbm>>) target(%arg7 : memref<10x1024xi32, #tpu.memory_space<vmem>>) target_semaphore(%run_scoped3A : memref<!tpu.dma_semaphore, #tpu.memory_space<semaphore_mem>>)
      %dma_wait3A_83 = arith.constant 0 : i32
      %dma_wait3A_84 = tpu.memref_slice %arg2[%mul3A_12, %dma_wait3A_83] : memref<320x1024xi32, #tpu.memory_space<hbm>> -> memref<10x1024xi32, #tpu.memory_space<hbm>>
      %dma_wait3A_85 = arith.constant 0 : i32
      %dma_wait3A_86 = tpu.memref_slice %arg2[%mul3A_12, %dma_wait3A_85] : memref<320x1024xi32, #tpu.memory_space<hbm>> -> memref<10x1024xi32, #tpu.memory_space<hbm>>
      tpu.wait_dma2 semaphore(%run_scoped3A : memref<!tpu.dma_semaphore, #tpu.memory_space<semaphore_mem>>) src(%dma_wait3A_86 : memref<10x1024xi32, #tpu.memory_space<hbm>>) dst(%arg7 : memref<10x1024xi32, #tpu.memory_space<vmem>>)
      tpu.yield
    }) : () -> ()
    %mul3A_13 = arith.constant 10 : i32
    %mul3A_14 = arith.muli %add3A, %mul3A_13 : i32
    "tpu.region"() ({
      %run_scoped3A = tpu.sem_alloc : memref<!tpu.dma_semaphore, #tpu.memory_space<semaphore_mem>>
      %dma_start3A_79 = arith.constant 0 : i32
      %dma_start3A_80 = tpu.memref_slice %arg3[%mul3A_14, %dma_start3A_79] : memref<320x1024xi32, #tpu.memory_space<hbm>> -> memref<10x1024xi32, #tpu.memory_space<hbm>>
      %dma_start3A_81 = arith.constant 0 : i32
      %dma_start3A_82 = tpu.memref_slice %arg3[%mul3A_14, %dma_start3A_81] : memref<320x1024xi32, #tpu.memory_space<hbm>> -> memref<10x1024xi32, #tpu.memory_space<hbm>>
      tpu.enqueue_dma source(%dma_start3A_82 : memref<10x1024xi32, #tpu.memory_space<hbm>>) target(%arg8 : memref<10x1024xi32, #tpu.memory_space<vmem>>) target_semaphore(%run_scoped3A : memref<!tpu.dma_semaphore, #tpu.memory_space<semaphore_mem>>)
      %dma_wait3A_83 = arith.constant 0 : i32
      %dma_wait3A_84 = tpu.memref_slice %arg3[%mul3A_14, %dma_wait3A_83] : memref<320x1024xi32, #tpu.memory_space<hbm>> -> memref<10x1024xi32, #tpu.memory_space<hbm>>
      %dma_wait3A_85 = arith.constant 0 : i32
      %dma_wait3A_86 = tpu.memref_slice %arg3[%mul3A_14, %dma_wait3A_85] : memref<320x1024xi32, #tpu.memory_space<hbm>> -> memref<10x1024xi32, #tpu.memory_space<hbm>>
      tpu.wait_dma2 semaphore(%run_scoped3A : memref<!tpu.dma_semaphore, #tpu.memory_space<semaphore_mem>>) src(%dma_wait3A_86 : memref<10x1024xi32, #tpu.memory_space<hbm>>) dst(%arg8 : memref<10x1024xi32, #tpu.memory_space<vmem>>)
      tpu.yield
    }) : () -> ()
    %barrier3A = arith.constant 0 : index
    tpu.barrier barrier_id(%barrier3A)
    %dma_start3A = arith.constant 0 : i32
    %dma_start3A_15 = arith.constant 0 : i32
    %dma_start3A_16 = tpu.memref_slice %arg7[%dma_start3A, %dma_start3A_15] : memref<10x1024xi32, #tpu.memory_space<vmem>> -> memref<1x1024xi32, #tpu.memory_space<vmem>>
    %dma_start3A_17 = tpu.memref_squeeze %dma_start3A_16 : memref<1x1024xi32, #tpu.memory_space<vmem>> -> memref<1024xi32, #tpu.memory_space<vmem>>
    %dma_start3A_18 = arith.constant 0 : i32
    %dma_start3A_19 = arith.constant 0 : i32
    %dma_start3A_20 = tpu.memref_slice %arg12[%dma_start3A_18, %dma_start3A_19] : memref<10000x8xf32, #tpu.memory_space<vmem_shared>> -> memref<10000x8xf32, #tpu.memory_space<vmem_shared>>
    tpu.enqueue_indirect_dma source(%dma_start3A_20 : memref<10000x8xf32, #tpu.memory_space<vmem_shared>>) target(%arg9 : memref<1024x8xf32, #tpu.memory_space<vmem>>) offsets(%dma_start3A_17 : memref<1024xi32, #tpu.memory_space<vmem>>) semaphore(%arg13 : memref<!tpu.dma_semaphore, #tpu.memory_space<semaphore_mem>>)
    %dma_wait3A = arith.constant 0 : i32
    %dma_wait3A_21 = arith.constant 0 : i32
    %dma_wait3A_22 = tpu.memref_slice %arg7[%dma_wait3A, %dma_wait3A_21] : memref<10x1024xi32, #tpu.memory_space<vmem>> -> memref<1x1024xi32, #tpu.memory_space<vmem>>
    %dma_wait3A_23 = tpu.memref_squeeze %dma_wait3A_22 : memref<1x1024xi32, #tpu.memory_space<vmem>> -> memref<1024xi32, #tpu.memory_space<vmem>>
    %dma_wait3A_24 = arith.constant 0 : i32
    %dma_wait3A_25 = arith.constant 0 : i32
    %dma_wait3A_26 = tpu.memref_slice %arg12[%dma_wait3A_24, %dma_wait3A_25] : memref<10000x8xf32, #tpu.memory_space<vmem_shared>> -> memref<10000x8xf32, #tpu.memory_space<vmem_shared>>
    tpu.wait_indirect_dma semaphore(%arg13 : memref<!tpu.dma_semaphore, #tpu.memory_space<semaphore_mem>>) src(%dma_wait3A_26 : memref<10000x8xf32, #tpu.memory_space<vmem_shared>>) dst(%arg9 : memref<1024x8xf32, #tpu.memory_space<vmem>>)
    %dma_start3A_27 = arith.constant 0 : i32
    %dma_start3A_28 = arith.constant 0 : i32
    %dma_start3A_29 = tpu.memref_slice %arg8[%dma_start3A_27, %dma_start3A_28] : memref<10x1024xi32, #tpu.memory_space<vmem>> -> memref<1x1024xi32, #tpu.memory_space<vmem>>
    %dma_start3A_30 = tpu.memref_squeeze %dma_start3A_29 : memref<1x1024xi32, #tpu.memory_space<vmem>> -> memref<1024xi32, #tpu.memory_space<vmem>>
    %dma_start3A_31 = arith.constant 0 : i32
    %dma_start3A_32 = arith.constant 0 : i32
    %dma_start3A_33 = tpu.memref_slice %arg11[%dma_start3A_31, %dma_start3A_32] : memref<10240x8xf32, #tpu.memory_space<vmem_shared>> -> memref<10240x8xf32, #tpu.memory_space<vmem_shared>>
    tpu.enqueue_indirect_dma source(%arg9 : memref<1024x8xf32, #tpu.memory_space<vmem>>) target(%dma_start3A_33 : memref<10240x8xf32, #tpu.memory_space<vmem_shared>>) offsets(%dma_start3A_30 : memref<1024xi32, #tpu.memory_space<vmem>>) semaphore(%arg15 : memref<!tpu.dma_semaphore, #tpu.memory_space<semaphore_mem>>) {add = true}
    %dma_start3A_34 = arith.constant 1 : i32
    %dma_start3A_35 = arith.constant 0 : i32
    %dma_start3A_36 = tpu.memref_slice %arg7[%dma_start3A_34, %dma_start3A_35] : memref<10x1024xi32, #tpu.memory_space<vmem>> -> memref<1x1024xi32, #tpu.memory_space<vmem>>
    %dma_start3A_37 = tpu.memref_squeeze %dma_start3A_36 : memref<1x1024xi32, #tpu.memory_space<vmem>> -> memref<1024xi32, #tpu.memory_space<vmem>>
    %dma_start3A_38 = arith.constant 0 : i32
    %dma_start3A_39 = arith.constant 0 : i32
    %dma_start3A_40 = tpu.memref_slice %arg12[%dma_start3A_38, %dma_start3A_39] : memref<10000x8xf32, #tpu.memory_space<vmem_shared>> -> memref<10000x8xf32, #tpu.memory_space<vmem_shared>>
    tpu.enqueue_indirect_dma source(%dma_start3A_40 : memref<10000x8xf32, #tpu.memory_space<vmem_shared>>) target(%arg10 : memref<1024x8xf32, #tpu.memory_space<vmem>>) offsets(%dma_start3A_37 : memref<1024xi32, #tpu.memory_space<vmem>>) semaphore(%arg14 : memref<!tpu.dma_semaphore, #tpu.memory_space<semaphore_mem>>)
    %scan3A = arith.constant 0 : i32
    %scan3A_41 = arith.constant 0 : i32
    %scan3A_42 = arith.constant 4 : i32
    %scan3A_43 = arith.addi %scan3A_41, %scan3A_42 : i32
    %scan3A_44 = arith.constant 1 : i32
    scf.for %scan3A_79 = %scan3A_41 to %scan3A_43 step %scan3A_44  : i32 {
      %mul3A_80 = arith.constant 2 : i32
      %mul3A_81 = arith.muli %mul3A_80, %scan3A_79 : i32
      %add3A_82 = arith.constant 1 : i32
      %add3A_83 = arith.addi %mul3A_81, %add3A_82 : i32
      %dma_wait3A_84 = arith.constant 0 : i32
      %dma_wait3A_85 = arith.constant 0 : i32
      %dma_wait3A_86 = tpu.memref_slice %arg7[%dma_wait3A_84, %dma_wait3A_85] : memref<10x1024xi32, #tpu.memory_space<vmem>> -> memref<1x1024xi32, #tpu.memory_space<vmem>>
      %dma_wait3A_87 = tpu.memref_squeeze %dma_wait3A_86 : memref<1x1024xi32, #tpu.memory_space<vmem>> -> memref<1024xi32, #tpu.memory_space<vmem>>
      %dma_wait3A_88 = arith.constant 0 : i32
      %dma_wait3A_89 = arith.constant 0 : i32
      %dma_wait3A_90 = tpu.memref_slice %arg12[%dma_wait3A_88, %dma_wait3A_89] : memref<10000x8xf32, #tpu.memory_space<vmem_shared>> -> memref<10000x8xf32, #tpu.memory_space<vmem_shared>>
      tpu.wait_indirect_dma semaphore(%arg14 : memref<!tpu.dma_semaphore, #tpu.memory_space<semaphore_mem>>) src(%dma_wait3A_90 : memref<10000x8xf32, #tpu.memory_space<vmem_shared>>) dst(%arg10 : memref<1024x8xf32, #tpu.memory_space<vmem>>)
      %dma_start3A_91 = arith.constant 0 : i32
      %dma_start3A_92 = tpu.memref_slice %arg8[%add3A_83, %dma_start3A_91] : memref<10x1024xi32, #tpu.memory_space<vmem>> -> memref<1x1024xi32, #tpu.memory_space<vmem>>
      %dma_start3A_93 = tpu.memref_squeeze %dma_start3A_92 : memref<1x1024xi32, #tpu.memory_space<vmem>> -> memref<1024xi32, #tpu.memory_space<vmem>>
      %dma_start3A_94 = arith.constant 0 : i32
      %dma_start3A_95 = arith.constant 0 : i32
      %dma_start3A_96 = tpu.memref_slice %arg11[%dma_start3A_94, %dma_start3A_95] : memref<10240x8xf32, #tpu.memory_space<vmem_shared>> -> memref<10240x8xf32, #tpu.memory_space<vmem_shared>>
      tpu.enqueue_indirect_dma source(%arg10 : memref<1024x8xf32, #tpu.memory_space<vmem>>) target(%dma_start3A_96 : memref<10240x8xf32, #tpu.memory_space<vmem_shared>>) offsets(%dma_start3A_93 : memref<1024xi32, #tpu.memory_space<vmem>>) semaphore(%arg16 : memref<!tpu.dma_semaphore, #tpu.memory_space<semaphore_mem>>) {add = true}
      %dma_wait3A_97 = arith.constant 0 : i32
      %dma_wait3A_98 = arith.constant 0 : i32
      %dma_wait3A_99 = tpu.memref_slice %arg8[%dma_wait3A_97, %dma_wait3A_98] : memref<10x1024xi32, #tpu.memory_space<vmem>> -> memref<1x1024xi32, #tpu.memory_space<vmem>>
      %dma_wait3A_100 = tpu.memref_squeeze %dma_wait3A_99 : memref<1x1024xi32, #tpu.memory_space<vmem>> -> memref<1024xi32, #tpu.memory_space<vmem>>
      %dma_wait3A_101 = arith.constant 0 : i32
      %dma_wait3A_102 = arith.constant 0 : i32
      %dma_wait3A_103 = tpu.memref_slice %arg11[%dma_wait3A_101, %dma_wait3A_102] : memref<10240x8xf32, #tpu.memory_space<vmem_shared>> -> memref<10240x8xf32, #tpu.memory_space<vmem_shared>>
      tpu.wait_indirect_dma semaphore(%arg15 : memref<!tpu.dma_semaphore, #tpu.memory_space<semaphore_mem>>) src(%arg9 : memref<1024x8xf32, #tpu.memory_space<vmem>>) dst(%dma_wait3A_103 : memref<10240x8xf32, #tpu.memory_space<vmem_shared>>)
      %add3A_104 = arith.constant 1 : i32
      %add3A_105 = arith.addi %add3A_83, %add3A_104 : i32
      %dma_start3A_106 = arith.constant 0 : i32
      %dma_start3A_107 = tpu.memref_slice %arg7[%add3A_105, %dma_start3A_106] : memref<10x1024xi32, #tpu.memory_space<vmem>> -> memref<1x1024xi32, #tpu.memory_space<vmem>>
      %dma_start3A_108 = tpu.memref_squeeze %dma_start3A_107 : memref<1x1024xi32, #tpu.memory_space<vmem>> -> memref<1024xi32, #tpu.memory_space<vmem>>
      %dma_start3A_109 = arith.constant 0 : i32
      %dma_start3A_110 = arith.constant 0 : i32
      %dma_start3A_111 = tpu.memref_slice %arg12[%dma_start3A_109, %dma_start3A_110] : memref<10000x8xf32, #tpu.memory_space<vmem_shared>> -> memref<10000x8xf32, #tpu.memory_space<vmem_shared>>
      tpu.enqueue_indirect_dma source(%dma_start3A_111 : memref<10000x8xf32, #tpu.memory_space<vmem_shared>>) target(%arg9 : memref<1024x8xf32, #tpu.memory_space<vmem>>) offsets(%dma_start3A_108 : memref<1024xi32, #tpu.memory_space<vmem>>) semaphore(%arg13 : memref<!tpu.dma_semaphore, #tpu.memory_space<semaphore_mem>>)
      %dma_wait3A_112 = arith.constant 0 : i32
      %dma_wait3A_113 = arith.constant 0 : i32
      %dma_wait3A_114 = tpu.memref_slice %arg7[%dma_wait3A_112, %dma_wait3A_113] : memref<10x1024xi32, #tpu.memory_space<vmem>> -> memref<1x1024xi32, #tpu.memory_space<vmem>>
      %dma_wait3A_115 = tpu.memref_squeeze %dma_wait3A_114 : memref<1x1024xi32, #tpu.memory_space<vmem>> -> memref<1024xi32, #tpu.memory_space<vmem>>
      %dma_wait3A_116 = arith.constant 0 : i32
      %dma_wait3A_117 = arith.constant 0 : i32
      %dma_wait3A_118 = tpu.memref_slice %arg12[%dma_wait3A_116, %dma_wait3A_117] : memref<10000x8xf32, #tpu.memory_space<vmem_shared>> -> memref<10000x8xf32, #tpu.memory_space<vmem_shared>>
      tpu.wait_indirect_dma semaphore(%arg13 : memref<!tpu.dma_semaphore, #tpu.memory_space<semaphore_mem>>) src(%dma_wait3A_118 : memref<10000x8xf32, #tpu.memory_space<vmem_shared>>) dst(%arg9 : memref<1024x8xf32, #tpu.memory_space<vmem>>)
      %add3A_119 = arith.constant 1 : i32
      %add3A_120 = arith.addi %add3A_83, %add3A_119 : i32
      %dma_start3A_121 = arith.constant 0 : i32
      %dma_start3A_122 = tpu.memref_slice %arg8[%add3A_120, %dma_start3A_121] : memref<10x1024xi32, #tpu.memory_space<vmem>> -> memref<1x1024xi32, #tpu.memory_space<vmem>>
      %dma_start3A_123 = tpu.memref_squeeze %dma_start3A_122 : memref<1x1024xi32, #tpu.memory_space<vmem>> -> memref<1024xi32, #tpu.memory_space<vmem>>
      %dma_start3A_124 = arith.constant 0 : i32
      %dma_start3A_125 = arith.constant 0 : i32
      %dma_start3A_126 = tpu.memref_slice %arg11[%dma_start3A_124, %dma_start3A_125] : memref<10240x8xf32, #tpu.memory_space<vmem_shared>> -> memref<10240x8xf32, #tpu.memory_space<vmem_shared>>
      tpu.enqueue_indirect_dma source(%arg9 : memref<1024x8xf32, #tpu.memory_space<vmem>>) target(%dma_start3A_126 : memref<10240x8xf32, #tpu.memory_space<vmem_shared>>) offsets(%dma_start3A_123 : memref<1024xi32, #tpu.memory_space<vmem>>) semaphore(%arg15 : memref<!tpu.dma_semaphore, #tpu.memory_space<semaphore_mem>>) {add = true}
      %dma_wait3A_127 = arith.constant 0 : i32
      %dma_wait3A_128 = arith.constant 0 : i32
      %dma_wait3A_129 = tpu.memref_slice %arg8[%dma_wait3A_127, %dma_wait3A_128] : memref<10x1024xi32, #tpu.memory_space<vmem>> -> memref<1x1024xi32, #tpu.memory_space<vmem>>
      %dma_wait3A_130 = tpu.memref_squeeze %dma_wait3A_129 : memref<1x1024xi32, #tpu.memory_space<vmem>> -> memref<1024xi32, #tpu.memory_space<vmem>>
      %dma_wait3A_131 = arith.constant 0 : i32
      %dma_wait3A_132 = arith.constant 0 : i32
      %dma_wait3A_133 = tpu.memref_slice %arg11[%dma_wait3A_131, %dma_wait3A_132] : memref<10240x8xf32, #tpu.memory_space<vmem_shared>> -> memref<10240x8xf32, #tpu.memory_space<vmem_shared>>
      tpu.wait_indirect_dma semaphore(%arg16 : memref<!tpu.dma_semaphore, #tpu.memory_space<semaphore_mem>>) src(%arg10 : memref<1024x8xf32, #tpu.memory_space<vmem>>) dst(%dma_wait3A_133 : memref<10240x8xf32, #tpu.memory_space<vmem_shared>>)
      %add3A_134 = arith.constant 2 : i32
      %add3A_135 = arith.addi %add3A_83, %add3A_134 : i32
      %dma_start3A_136 = arith.constant 0 : i32
      %dma_start3A_137 = tpu.memref_slice %arg7[%add3A_135, %dma_start3A_136] : memref<10x1024xi32, #tpu.memory_space<vmem>> -> memref<1x1024xi32, #tpu.memory_space<vmem>>
      %dma_start3A_138 = tpu.memref_squeeze %dma_start3A_137 : memref<1x1024xi32, #tpu.memory_space<vmem>> -> memref<1024xi32, #tpu.memory_space<vmem>>
      %dma_start3A_139 = arith.constant 0 : i32
      %dma_start3A_140 = arith.constant 0 : i32
      %dma_start3A_141 = tpu.memref_slice %arg12[%dma_start3A_139, %dma_start3A_140] : memref<10000x8xf32, #tpu.memory_space<vmem_shared>> -> memref<10000x8xf32, #tpu.memory_space<vmem_shared>>
      tpu.enqueue_indirect_dma source(%dma_start3A_141 : memref<10000x8xf32, #tpu.memory_space<vmem_shared>>) target(%arg10 : memref<1024x8xf32, #tpu.memory_space<vmem>>) offsets(%dma_start3A_138 : memref<1024xi32, #tpu.memory_space<vmem>>) semaphore(%arg14 : memref<!tpu.dma_semaphore, #tpu.memory_space<semaphore_mem>>)
    }
    %scan3A_45 = arith.constant 4 : i32
    %dma_wait3A_46 = arith.constant 0 : i32
    %dma_wait3A_47 = arith.constant 0 : i32
    %dma_wait3A_48 = tpu.memref_slice %arg7[%dma_wait3A_46, %dma_wait3A_47] : memref<10x1024xi32, #tpu.memory_space<vmem>> -> memref<1x1024xi32, #tpu.memory_space<vmem>>
    %dma_wait3A_49 = tpu.memref_squeeze %dma_wait3A_48 : memref<1x1024xi32, #tpu.memory_space<vmem>> -> memref<1024xi32, #tpu.memory_space<vmem>>
    %dma_wait3A_50 = arith.constant 0 : i32
    %dma_wait3A_51 = arith.constant 0 : i32
    %dma_wait3A_52 = tpu.memref_slice %arg12[%dma_wait3A_50, %dma_wait3A_51] : memref<10000x8xf32, #tpu.memory_space<vmem_shared>> -> memref<10000x8xf32, #tpu.memory_space<vmem_shared>>
    tpu.wait_indirect_dma semaphore(%arg14 : memref<!tpu.dma_semaphore, #tpu.memory_space<semaphore_mem>>) src(%dma_wait3A_52 : memref<10000x8xf32, #tpu.memory_space<vmem_shared>>) dst(%arg10 : memref<1024x8xf32, #tpu.memory_space<vmem>>)
    %dma_start3A_53 = arith.constant 9 : i32
    %dma_start3A_54 = arith.constant 0 : i32
    %dma_start3A_55 = tpu.memref_slice %arg8[%dma_start3A_53, %dma_start3A_54] : memref<10x1024xi32, #tpu.memory_space<vmem>> -> memref<1x1024xi32, #tpu.memory_space<vmem>>
    %dma_start3A_56 = tpu.memref_squeeze %dma_start3A_55 : memref<1x1024xi32, #tpu.memory_space<vmem>> -> memref<1024xi32, #tpu.memory_space<vmem>>
    %dma_start3A_57 = arith.constant 0 : i32
    %dma_start3A_58 = arith.constant 0 : i32
    %dma_start3A_59 = tpu.memref_slice %arg11[%dma_start3A_57, %dma_start3A_58] : memref<10240x8xf32, #tpu.memory_space<vmem_shared>> -> memref<10240x8xf32, #tpu.memory_space<vmem_shared>>
    tpu.enqueue_indirect_dma source(%arg10 : memref<1024x8xf32, #tpu.memory_space<vmem>>) target(%dma_start3A_59 : memref<10240x8xf32, #tpu.memory_space<vmem_shared>>) offsets(%dma_start3A_56 : memref<1024xi32, #tpu.memory_space<vmem>>) semaphore(%arg16 : memref<!tpu.dma_semaphore, #tpu.memory_space<semaphore_mem>>) {add = true}
    %dma_wait3A_60 = arith.constant 0 : i32
    %dma_wait3A_61 = arith.constant 0 : i32
    %dma_wait3A_62 = tpu.memref_slice %arg8[%dma_wait3A_60, %dma_wait3A_61] : memref<10x1024xi32, #tpu.memory_space<vmem>> -> memref<1x1024xi32, #tpu.memory_space<vmem>>
    %dma_wait3A_63 = tpu.memref_squeeze %dma_wait3A_62 : memref<1x1024xi32, #tpu.memory_space<vmem>> -> memref<1024xi32, #tpu.memory_space<vmem>>
    %dma_wait3A_64 = arith.constant 0 : i32
    %dma_wait3A_65 = arith.constant 0 : i32
    %dma_wait3A_66 = tpu.memref_slice %arg11[%dma_wait3A_64, %dma_wait3A_65] : memref<10240x8xf32, #tpu.memory_space<vmem_shared>> -> memref<10240x8xf32, #tpu.memory_space<vmem_shared>>
    tpu.wait_indirect_dma semaphore(%arg15 : memref<!tpu.dma_semaphore, #tpu.memory_space<semaphore_mem>>) src(%arg9 : memref<1024x8xf32, #tpu.memory_space<vmem>>) dst(%dma_wait3A_66 : memref<10240x8xf32, #tpu.memory_space<vmem_shared>>)
    %dma_wait3A_67 = arith.constant 0 : i32
    %dma_wait3A_68 = arith.constant 0 : i32
    %dma_wait3A_69 = tpu.memref_slice %arg8[%dma_wait3A_67, %dma_wait3A_68] : memref<10x1024xi32, #tpu.memory_space<vmem>> -> memref<1x1024xi32, #tpu.memory_space<vmem>>
    %dma_wait3A_70 = tpu.memref_squeeze %dma_wait3A_69 : memref<1x1024xi32, #tpu.memory_space<vmem>> -> memref<1024xi32, #tpu.memory_space<vmem>>
    %dma_wait3A_71 = arith.constant 0 : i32
    %dma_wait3A_72 = arith.constant 0 : i32
    %dma_wait3A_73 = tpu.memref_slice %arg11[%dma_wait3A_71, %dma_wait3A_72] : memref<10240x8xf32, #tpu.memory_space<vmem_shared>> -> memref<10240x8xf32, #tpu.memory_space<vmem_shared>>
    tpu.wait_indirect_dma semaphore(%arg16 : memref<!tpu.dma_semaphore, #tpu.memory_space<semaphore_mem>>) src(%arg10 : memref<1024x8xf32, #tpu.memory_space<vmem>>) dst(%dma_wait3A_73 : memref<10240x8xf32, #tpu.memory_space<vmem_shared>>)
    %barrier3A_74 = arith.constant 0 : index
    tpu.barrier barrier_id(%barrier3A_74)
    %mul3A_75 = arith.constant 640 : i32
    %mul3A_76 = arith.muli %arg1, %mul3A_75 : i32
    %mul3A_77 = arith.constant 640 : i32
    %mul3A_78 = arith.muli %arg1, %mul3A_77 : i32
    "tpu.region"() ({
      %run_scoped3A = tpu.sem_alloc : memref<!tpu.dma_semaphore, #tpu.memory_space<semaphore_mem>>
      %dma_start3A_79 = arith.constant 0 : i32
      %dma_start3A_80 = tpu.memref_slice %arg6[%arg0, %mul3A_78, %dma_start3A_79] : memref<2x10240x8xf32, #tpu.memory_space<hbm>> -> memref<1x640x8xf32, #tpu.memory_space<hbm>>
      %dma_start3A_81 = tpu.memref_squeeze %dma_start3A_80 : memref<1x640x8xf32, #tpu.memory_space<hbm>> -> memref<640x8xf32, #tpu.memory_space<hbm>>
      %dma_start3A_82 = arith.constant 0 : i32
      %dma_start3A_83 = tpu.memref_slice %arg11[%mul3A_76, %dma_start3A_82] : memref<10240x8xf32, #tpu.memory_space<vmem_shared>> -> memref<640x8xf32, #tpu.memory_space<vmem_shared>>
      tpu.enqueue_dma source(%dma_start3A_83 : memref<640x8xf32, #tpu.memory_space<vmem_shared>>) target(%dma_start3A_81 : memref<640x8xf32, #tpu.memory_space<hbm>>) target_semaphore(%run_scoped3A : memref<!tpu.dma_semaphore, #tpu.memory_space<semaphore_mem>>)
      %dma_wait3A_84 = arith.constant 0 : i32
      %dma_wait3A_85 = tpu.memref_slice %arg6[%arg0, %mul3A_78, %dma_wait3A_84] : memref<2x10240x8xf32, #tpu.memory_space<hbm>> -> memref<1x640x8xf32, #tpu.memory_space<hbm>>
      %dma_wait3A_86 = tpu.memref_squeeze %dma_wait3A_85 : memref<1x640x8xf32, #tpu.memory_space<hbm>> -> memref<640x8xf32, #tpu.memory_space<hbm>>
      %dma_wait3A_87 = arith.constant 0 : i32
      %dma_wait3A_88 = tpu.memref_slice %arg11[%mul3A_76, %dma_wait3A_87] : memref<10240x8xf32, #tpu.memory_space<vmem_shared>> -> memref<640x8xf32, #tpu.memory_space<vmem_shared>>
      tpu.wait_dma2 semaphore(%run_scoped3A : memref<!tpu.dma_semaphore, #tpu.memory_space<semaphore_mem>>) src(%dma_wait3A_88 : memref<640x8xf32, #tpu.memory_space<vmem_shared>>) dst(%dma_wait3A_86 : memref<640x8xf32, #tpu.memory_space<hbm>>)
      tpu.yield
    }) : () -> ()
    return
  }
}

module attributes {stable_mosaic.version = 14 : i64} {
  func.func @body(%arg0: memref<2x10240xf32, #tpu.memory_space<vmem>>, %arg1: memref<10000x128xf32, #tpu.memory_space<vmem>>, %arg2: memref<128x16xf32, #tpu.memory_space<vmem>>, %arg3: memref<10000x16xf32, #tpu.memory_space<vmem>>, %arg4: memref<10000x1xf32, #tpu.memory_space<vmem>>) attributes {dimension_semantics = [], scalar_prefetch = 0 : i64, scratch_operands = 0 : i64, tpu.core_type = #tpu.core_type<tc>} {
    %get3A = arith.constant 0 : index
    %get3A_0 = arith.constant 0 : index
    %get3A_1 = vector.load %arg0[%get3A, %get3A_0] : memref<2x10240xf32, #tpu.memory_space<vmem>>, vector<1x10000xf32>
    %get3A_2 = vector.shape_cast %get3A_1 : vector<1x10000xf32> to vector<10000xf32>
    %get3A_3 = arith.constant 1 : index
    %get3A_4 = arith.constant 0 : index
    %get3A_5 = vector.load %arg0[%get3A_3, %get3A_4] : memref<2x10240xf32, #tpu.memory_space<vmem>>, vector<1x10000xf32>
    %get3A_6 = vector.shape_cast %get3A_5 : vector<1x10000xf32> to vector<10000xf32>
    %add3A = arith.addf %get3A_2, %get3A_6 : vector<10000xf32>
    %add3A_7 = arith.constant 1.000000e+00 : f32
    %add3A_8 = vector.broadcast %add3A_7 : f32 to vector<10000xf32>
    %add3A_9 = arith.addf %add3A, %add3A_8 : vector<10000xf32>
    %rsqrt3A = math.rsqrt %add3A_9 : vector<10000xf32>
    %broadcast_in_dim3A = vector.shape_cast %rsqrt3A : vector<10000xf32> to vector<10000x1xf32>
    %get3A_10 = arith.constant 0 : index
    %get3A_11 = arith.constant 0 : index
    %get3A_12 = vector.load %arg1[%get3A_10, %get3A_11] : memref<10000x128xf32, #tpu.memory_space<vmem>>, vector<10000x128xf32>
    %get3A_13 = arith.constant 0 : index
    %get3A_14 = arith.constant 0 : index
    %get3A_15 = vector.load %arg2[%get3A_13, %get3A_14] : memref<128x16xf32, #tpu.memory_space<vmem>>, vector<128x16xf32>
    %dot_general3A = arith.constant dense<0.000000e+00> : vector<10000x16xf32>
    %dot_general3A_16 = tpu.matmul %get3A_12, %get3A_15, %dot_general3A {dimension_numbers = #tpu.dot_dimension_numbers<[1], [0], [0], [1], [0, 0, 1, 1], [], []>, transpose_lhs_hint = false} : vector<10000x128xf32>, vector<128x16xf32>, vector<10000x16xf32> -> vector<10000x16xf32>
    %mul3A = vector.broadcast %broadcast_in_dim3A : vector<10000x1xf32> to vector<10000x16xf32>
    %mul3A_17 = arith.mulf %dot_general3A_16, %mul3A : vector<10000x16xf32>
    %swap3A = arith.constant 0 : index
    %swap3A_18 = arith.constant 0 : index
    %swap3A_19 = vector.load %arg3[%swap3A, %swap3A_18] : memref<10000x16xf32, #tpu.memory_space<vmem>>, vector<10000x16xf32>
    tpu.vector_store %arg3[%swap3A, %swap3A_18], %mul3A_17 {strides = array<i32>} : memref<10000x16xf32, #tpu.memory_space<vmem>>, vector<10000x16xf32>,
    %swap3A_20 = arith.constant 0 : index
    %swap3A_21 = arith.constant 0 : index
    %swap3A_22 = vector.load %arg4[%swap3A_20, %swap3A_21] : memref<10000x1xf32, #tpu.memory_space<vmem>>, vector<10000x1xf32>
    tpu.vector_store %arg4[%swap3A_20, %swap3A_21], %broadcast_in_dim3A {strides = array<i32>} : memref<10000x1xf32, #tpu.memory_space<vmem>>, vector<10000x1xf32>,
    return
  }
}

module attributes {stable_mosaic.version = 14 : i64} {
  func.func @body(%arg0: memref<10000x1xf32, #tpu.memory_space<vmem>>, %arg1: memref<2x10240x16xf32, #tpu.memory_space<vmem>>, %arg2: memref<10000x16xf32, #tpu.memory_space<vmem>>, %arg3: memref<16x40xf32, #tpu.memory_space<vmem>>, %arg4: memref<16xf32, #tpu.memory_space<vmem>>, %arg5: memref<10000x16xf32, #tpu.memory_space<vmem>>, %arg6: memref<10000x16xf32, #tpu.memory_space<vmem>>, %arg7: memref<10000x8xf32, #tpu.memory_space<vmem>>) attributes {dimension_semantics = [], scalar_prefetch = 0 : i64, scratch_operands = 0 : i64, tpu.core_type = #tpu.core_type<tc>} {
    %get3A = arith.constant 0 : index
    %get3A_0 = arith.constant 0 : index
    %get3A_1 = vector.load %arg0[%get3A, %get3A_0] : memref<10000x1xf32, #tpu.memory_space<vmem>>, vector<10000x1xf32>
    %get3A_2 = arith.constant 0 : index
    %get3A_3 = arith.constant 0 : index
    %get3A_4 = arith.constant 0 : index
    %get3A_5 = vector.load %arg1[%get3A_2, %get3A_3, %get3A_4] : memref<2x10240x16xf32, #tpu.memory_space<vmem>>, vector<1x10000x16xf32>
    %get3A_6 = vector.shape_cast %get3A_5 : vector<1x10000x16xf32> to vector<10000x16xf32>
    %get3A_7 = arith.constant 1 : index
    %get3A_8 = arith.constant 0 : index
    %get3A_9 = arith.constant 0 : index
    %get3A_10 = vector.load %arg1[%get3A_7, %get3A_8, %get3A_9] : memref<2x10240x16xf32, #tpu.memory_space<vmem>>, vector<1x10000x16xf32>
    %get3A_11 = vector.shape_cast %get3A_10 : vector<1x10000x16xf32> to vector<10000x16xf32>
    %add3A = arith.addf %get3A_6, %get3A_11 : vector<10000x16xf32>
    %get3A_12 = arith.constant 0 : index
    %get3A_13 = arith.constant 0 : index
    %get3A_14 = vector.load %arg2[%get3A_12, %get3A_13] : memref<10000x16xf32, #tpu.memory_space<vmem>>, vector<10000x16xf32>
    %add3A_15 = arith.addf %add3A, %get3A_14 : vector<10000x16xf32>
    %mul3A = vector.broadcast %get3A_1 : vector<10000x1xf32> to vector<10000x16xf32>
    %mul3A_16 = arith.mulf %add3A_15, %mul3A : vector<10000x16xf32>
    %get3A_17 = arith.constant 0 : index
    %get3A_18 = vector.load %arg4[%get3A_17] : memref<16xf32, #tpu.memory_space<vmem>>, vector<16xf32>
    %broadcast_in_dim3A = vector.shape_cast %get3A_18 : vector<16xf32> to vector<1x16xf32>
    %add3A_19 = vector.broadcast %broadcast_in_dim3A : vector<1x16xf32> to vector<10000x16xf32>
    %add3A_20 = arith.addf %mul3A_16, %add3A_19 : vector<10000x16xf32>
    %max3A = arith.constant 0.000000e+00 : f32
    %max3A_21 = vector.broadcast %max3A : f32 to vector<10000x16xf32>
    %max3A_22 = arith.maximumf %add3A_20, %max3A_21 : vector<10000x16xf32>
    %get3A_23 = arith.constant 0 : index
    %get3A_24 = arith.constant 0 : index
    %get3A_25 = vector.load %arg3[%get3A_23, %get3A_24] : memref<16x40xf32, #tpu.memory_space<vmem>>, vector<16x40xf32>
    %dot_general3A = arith.constant dense<0.000000e+00> : vector<10000x40xf32>
    %dot_general3A_26 = tpu.matmul %max3A_22, %get3A_25, %dot_general3A {dimension_numbers = #tpu.dot_dimension_numbers<[1], [0], [0], [1], [0, 0, 1, 1], [], []>, transpose_lhs_hint = false} : vector<10000x16xf32>, vector<16x40xf32>, vector<10000x40xf32> -> vector<10000x40xf32>
    %mul3A_27 = vector.broadcast %get3A_1 : vector<10000x1xf32> to vector<10000x40xf32>
    %mul3A_28 = arith.mulf %dot_general3A_26, %mul3A_27 : vector<10000x40xf32>
    %slice3A = vector.extract_strided_slice %mul3A_28 {offsets = [0, 0], sizes = [10000, 16], strides = [1, 1]} : vector<10000x40xf32> to vector<10000x16xf32>
    %swap3A = arith.constant 0 : index
    %swap3A_29 = arith.constant 0 : index
    %swap3A_30 = vector.load %arg5[%swap3A, %swap3A_29] : memref<10000x16xf32, #tpu.memory_space<vmem>>, vector<10000x16xf32>
    tpu.vector_store %arg5[%swap3A, %swap3A_29], %slice3A {strides = array<i32>} : memref<10000x16xf32, #tpu.memory_space<vmem>>, vector<10000x16xf32>,
    %slice3A_31 = vector.extract_strided_slice %mul3A_28 {offsets = [0, 16], sizes = [10000, 16], strides = [1, 1]} : vector<10000x40xf32> to vector<10000x16xf32>
    %swap3A_32 = arith.constant 0 : index
    %swap3A_33 = arith.constant 0 : index
    %swap3A_34 = vector.load %arg6[%swap3A_32, %swap3A_33] : memref<10000x16xf32, #tpu.memory_space<vmem>>, vector<10000x16xf32>
    tpu.vector_store %arg6[%swap3A_32, %swap3A_33], %slice3A_31 {strides = array<i32>} : memref<10000x16xf32, #tpu.memory_space<vmem>>, vector<10000x16xf32>,
    %slice3A_35 = vector.extract_strided_slice %mul3A_28 {offsets = [0, 32], sizes = [10000, 8], strides = [1, 1]} : vector<10000x40xf32> to vector<10000x8xf32>
    %swap3A_36 = arith.constant 0 : index
    %swap3A_37 = arith.constant 0 : index
    %swap3A_38 = vector.load %arg7[%swap3A_36, %swap3A_37] : memref<10000x8xf32, #tpu.memory_space<vmem>>, vector<10000x8xf32>
    tpu.vector_store %arg7[%swap3A_36, %swap3A_37], %slice3A_35 {strides = array<i32>} : memref<10000x8xf32, #tpu.memory_space<vmem>>, vector<10000x8xf32>,
    return
  }
}

module attributes {stable_mosaic.version = 14 : i64} {
  func.func @body(%arg0: i32, %arg1: memref<2000x1xf32, #tpu.memory_space<vmem>>, %arg2: memref<2x2000x16xf32, #tpu.memory_space<vmem>>, %arg3: memref<2x2000x16xf32, #tpu.memory_space<vmem>>, %arg4: memref<2x2000x8xf32, #tpu.memory_space<vmem>>, %arg5: memref<2000x16xf32, #tpu.memory_space<vmem>>, %arg6: memref<2000x16xf32, #tpu.memory_space<vmem>>, %arg7: memref<2000x8xf32, #tpu.memory_space<vmem>>, %arg8: memref<40xf32, #tpu.memory_space<vmem>>, %arg9: memref<2000x40xf32, #tpu.memory_space<vmem>>) attributes {dimension_semantics = [#tpu.dimension_semantics<arbitrary>], iteration_bounds = array<i64: 5>, scalar_prefetch = 0 : i64, scratch_operands = 0 : i64, tpu.core_type = #tpu.core_type<tc>, window_params = [{transform_indices = @transform_0, window_bounds = array<i64: 2000, 1>}, {transform_indices = @transform_1, window_bounds = array<i64: 2, 2000, 16>}, {transform_indices = @transform_2, window_bounds = array<i64: 2, 2000, 16>}, {transform_indices = @transform_3, window_bounds = array<i64: 2, 2000, 8>}, {transform_indices = @transform_4, window_bounds = array<i64: 2000, 16>}, {transform_indices = @transform_5, window_bounds = array<i64: 2000, 16>}, {transform_indices = @transform_6, window_bounds = array<i64: 2000, 8>}, {pipeline_mode = #tpu.pipeline_mode<synchronous>, transform_indices = @transform_7, window_bounds = array<i64: 40>}, {transform_indices = @transform_8, window_bounds = array<i64: 2000, 40>}]} {
    %get3A = arith.constant 0 : index
    %get3A_0 = arith.constant 0 : index
    %get3A_1 = vector.load %arg1[%get3A, %get3A_0] : memref<2000x1xf32, #tpu.memory_space<vmem>>, vector<2000x1xf32>
    %get3A_2 = arith.constant 0 : index
    %get3A_3 = arith.constant 0 : index
    %get3A_4 = arith.constant 0 : index
    %get3A_5 = vector.load %arg2[%get3A_2, %get3A_3, %get3A_4] : memref<2x2000x16xf32, #tpu.memory_space<vmem>>, vector<1x2000x16xf32>
    %get3A_6 = vector.shape_cast %get3A_5 : vector<1x2000x16xf32> to vector<2000x16xf32>
    %get3A_7 = arith.constant 1 : index
    %get3A_8 = arith.constant 0 : index
    %get3A_9 = arith.constant 0 : index
    %get3A_10 = vector.load %arg2[%get3A_7, %get3A_8, %get3A_9] : memref<2x2000x16xf32, #tpu.memory_space<vmem>>, vector<1x2000x16xf32>
    %get3A_11 = vector.shape_cast %get3A_10 : vector<1x2000x16xf32> to vector<2000x16xf32>
    %add3A = arith.addf %get3A_6, %get3A_11 : vector<2000x16xf32>
    %get3A_12 = arith.constant 0 : index
    %get3A_13 = arith.constant 0 : index
    %get3A_14 = vector.load %arg5[%get3A_12, %get3A_13] : memref<2000x16xf32, #tpu.memory_space<vmem>>, vector<2000x16xf32>
    %add3A_15 = arith.addf %add3A, %get3A_14 : vector<2000x16xf32>
    %get3A_16 = arith.constant 0 : index
    %get3A_17 = arith.constant 0 : index
    %get3A_18 = arith.constant 0 : index
    %get3A_19 = vector.load %arg3[%get3A_16, %get3A_17, %get3A_18] : memref<2x2000x16xf32, #tpu.memory_space<vmem>>, vector<1x2000x16xf32>
    %get3A_20 = vector.shape_cast %get3A_19 : vector<1x2000x16xf32> to vector<2000x16xf32>
    %get3A_21 = arith.constant 1 : index
    %get3A_22 = arith.constant 0 : index
    %get3A_23 = arith.constant 0 : index
    %get3A_24 = vector.load %arg3[%get3A_21, %get3A_22, %get3A_23] : memref<2x2000x16xf32, #tpu.memory_space<vmem>>, vector<1x2000x16xf32>
    %get3A_25 = vector.shape_cast %get3A_24 : vector<1x2000x16xf32> to vector<2000x16xf32>
    %add3A_26 = arith.addf %get3A_20, %get3A_25 : vector<2000x16xf32>
    %get3A_27 = arith.constant 0 : index
    %get3A_28 = arith.constant 0 : index
    %get3A_29 = vector.load %arg6[%get3A_27, %get3A_28] : memref<2000x16xf32, #tpu.memory_space<vmem>>, vector<2000x16xf32>
    %add3A_30 = arith.addf %add3A_26, %get3A_29 : vector<2000x16xf32>
    %get3A_31 = arith.constant 0 : index
    %get3A_32 = arith.constant 0 : index
    %get3A_33 = arith.constant 0 : index
    %get3A_34 = vector.load %arg4[%get3A_31, %get3A_32, %get3A_33] : memref<2x2000x8xf32, #tpu.memory_space<vmem>>, vector<1x2000x8xf32>
    %get3A_35 = vector.shape_cast %get3A_34 : vector<1x2000x8xf32> to vector<2000x8xf32>
    %get3A_36 = arith.constant 1 : index
    %get3A_37 = arith.constant 0 : index
    %get3A_38 = arith.constant 0 : index
    %get3A_39 = vector.load %arg4[%get3A_36, %get3A_37, %get3A_38] : memref<2x2000x8xf32, #tpu.memory_space<vmem>>, vector<1x2000x8xf32>
    %get3A_40 = vector.shape_cast %get3A_39 : vector<1x2000x8xf32> to vector<2000x8xf32>
    %add3A_41 = arith.addf %get3A_35, %get3A_40 : vector<2000x8xf32>
    %get3A_42 = arith.constant 0 : index
    %get3A_43 = arith.constant 0 : index
    %get3A_44 = vector.load %arg7[%get3A_42, %get3A_43] : memref<2000x8xf32, #tpu.memory_space<vmem>>, vector<2000x8xf32>
    %add3A_45 = arith.addf %add3A_41, %get3A_44 : vector<2000x8xf32>
    %concatenate3A = tpu.concatenate %add3A_15, %add3A_30, %add3A_45 in 1 : vector<2000x16xf32>, vector<2000x16xf32>, vector<2000x8xf32> -> vector<2000x40xf32>
    %mul3A = vector.broadcast %get3A_1 : vector<2000x1xf32> to vector<2000x40xf32>
    %mul3A_46 = arith.mulf %concatenate3A, %mul3A : vector<2000x40xf32>
    %get3A_47 = arith.constant 0 : index
    %get3A_48 = vector.load %arg8[%get3A_47] : memref<40xf32, #tpu.memory_space<vmem>>, vector<40xf32>
    %broadcast_in_dim3A = vector.shape_cast %get3A_48 : vector<40xf32> to vector<1x40xf32>
    %add3A_49 = vector.broadcast %broadcast_in_dim3A : vector<1x40xf32> to vector<2000x40xf32>
    %add3A_50 = arith.addf %mul3A_46, %add3A_49 : vector<2000x40xf32>
    %reduce_max3A = arith.constant dense<0xFF800000> : vector<2000xf32>
    %reduce_max3A_51 = vector.multi_reduction <maximumf>, %add3A_50, %reduce_max3A [1] : vector<2000x40xf32> to vector<2000xf32>
    %broadcast_in_dim3A_52 = vector.shape_cast %reduce_max3A_51 : vector<2000xf32> to vector<2000x1xf32>
    %sub3A = vector.broadcast %broadcast_in_dim3A_52 : vector<2000x1xf32> to vector<2000x40xf32>
    %sub3A_53 = arith.subf %add3A_50, %sub3A : vector<2000x40xf32>
    %exp3A = math.exp %sub3A_53 : vector<2000x40xf32>
    %reduce_sum3A = arith.constant dense<0.000000e+00> : vector<2000xf32>
    %reduce_sum3A_54 = vector.multi_reduction <add>, %exp3A, %reduce_sum3A [1] : vector<2000x40xf32> to vector<2000xf32>
    %broadcast_in_dim3A_55 = vector.shape_cast %reduce_sum3A_54 : vector<2000xf32> to vector<2000x1xf32>
    %log3A = math.log %broadcast_in_dim3A_55 : vector<2000x1xf32>
    %sub3A_56 = vector.broadcast %log3A : vector<2000x1xf32> to vector<2000x40xf32>
    %sub3A_57 = arith.subf %sub3A_53, %sub3A_56 : vector<2000x40xf32>
    %swap3A = arith.constant 0 : index
    %swap3A_58 = arith.constant 0 : index
    %swap3A_59 = vector.load %arg9[%swap3A, %swap3A_58] : memref<2000x40xf32, #tpu.memory_space<vmem>>, vector<2000x40xf32>
    tpu.vector_store %arg9[%swap3A, %swap3A_58], %sub3A_57 {strides = array<i32>} : memref<2000x40xf32, #tpu.memory_space<vmem>>, vector<2000x40xf32>,
    return
  }
  func.func @transform_0(%arg0: i32) -> (i32, i32) {
    %c0_i32 = arith.constant 0 : i32
    %c0_i32_0 = arith.constant 0 : i32
    return %arg0, %c0_i32 : i32, i32
  }
  func.func @transform_1(%arg0: i32) -> (i32, i32, i32) {
    %c0_i32 = arith.constant 0 : i32
    %c0_i32_0 = arith.constant 0 : i32
    %c0_i32_1 = arith.constant 0 : i32
    return %c0_i32, %arg0, %c0_i32_0 : i32, i32, i32
  }
  func.func @transform_2(%arg0: i32) -> (i32, i32, i32) {
    %c0_i32 = arith.constant 0 : i32
    %c0_i32_0 = arith.constant 0 : i32
    %c0_i32_1 = arith.constant 0 : i32
    return %c0_i32, %arg0, %c0_i32_0 : i32, i32, i32
  }
  func.func @transform_3(%arg0: i32) -> (i32, i32, i32) {
    %c0_i32 = arith.constant 0 : i32
    %c0_i32_0 = arith.constant 0 : i32
    %c0_i32_1 = arith.constant 0 : i32
    return %c0_i32, %arg0, %c0_i32_0 : i32, i32, i32
  }
  func.func @transform_4(%arg0: i32) -> (i32, i32) {
    %c0_i32 = arith.constant 0 : i32
    %c0_i32_0 = arith.constant 0 : i32
    return %arg0, %c0_i32 : i32, i32
  }
  func.func @transform_5(%arg0: i32) -> (i32, i32) {
    %c0_i32 = arith.constant 0 : i32
    %c0_i32_0 = arith.constant 0 : i32
    return %arg0, %c0_i32 : i32, i32
  }
  func.func @transform_6(%arg0: i32) -> (i32, i32) {
    %c0_i32 = arith.constant 0 : i32
    %c0_i32_0 = arith.constant 0 : i32
    return %arg0, %c0_i32 : i32, i32
  }
  func.func @transform_7(%arg0: i32) -> i32 {
    %c0_i32 = arith.constant 0 : i32
    %c0_i32_0 = arith.constant 0 : i32
    return %c0_i32 : i32
  }
  func.func @transform_8(%arg0: i32) -> (i32, i32) {
    %c0_i32 = arith.constant 0 : i32
    %c0_i32_0 = arith.constant 0 : i32
    return %arg0, %c0_i32 : i32, i32
  }
}

</mosaic_0001>

<sc_bundles>
// kernel: kernel.10.cloned.1.call-start
scs
__scs_entry_jumppad:
0x0: {  	(pc) =	sbr.rel $0x88, $3  }
0x1: {  	(tag) =	ssettag $0x0;
	lr =	simm.s32 $0x1  }
0x2: {  	[smem:$0x3F9B] =	sst lr;
	_ =	strace $0xD0000000  }
0x3: {  	_ = 	snop  }
0x4: {  	_ = 	snop  }
0x5: {  	_ = 	snop  }
0x6: {  	_ = 	snop  }
0x7: {  	_ = 	snop  }
__scs_overlays_trampoline_lowered:
0x8: {  	[smem:$0x3FAA] =	sst s0  }
0x9: {  	[smem:$0x3FAB] =	sst s1  }
0xa: {  	[smem:$0x3FAC] =	sst s2  }
0xb: {  	[smem:$0x3FAD] =	sst s3  }
0xc: {  	[smem:$0x3FAE] =	sst s4  }
0xd: {  	[smem:$0x3FAF] =	sst s5  }
0xe: {  	[smem:$0x3FB0] =	sst s6  }
0xf: {  	[smem:$0x3FB1] =	sst s7  }
0x10: {  	[smem:$0x3FB2] =	sst s8  }
0x11: {  	[smem:$0x3FB3] =	sst s9;
	s0 =	simm.s32 @!p0 $0x0  }
0x12: {  	s1 =	sld [smem:$0x3F99];
	s0 =	simm.s32 @p0 $0x1  }
0x13: {  	[smem:$0x3FB4] =	sst s0;
	s0 =	simm.s32 @!p1 $0x0  }
0x14: {  	s2 =	sld [smem:$0x3F98];
	s0 =	simm.s32 @p1 $0x1  }
0x15: {  	[smem:$0x3FB5] =	sst s0;
	s0 =	simm.s32 @!p2 $0x0  }
0x16: {  	s3 =	sld [smem:$0x3FDB];
	s0 =	simm.s32 @p2 $0x1  }
0x17: {  	s4 =	simm.s32 $0x1BF5;
	[smem:$0x3FB7] =	sst s0  }
0x18: {  	s0 =	sld [smem:$0x3F9A];
	_ =	swait.ge [sflag:s4], $0x0  }
0x19: {  	s7 =	sld [smem:$0x3F9B]  }
0x1a: {  	s8 =	sadd.s32 $0xFFFFE003, lr  }
0x1b: {  	s9 =	sadd.s32 $0xFFFFFEF7, lr;
	s5 =	simm.s32 $0xFFFFFFFF;
	p2 =	slt.u32 s8, $0xFFFFF086  }
0x1c: {  	p1 =	slt.u32 s9, $0xF7A;
	s5 =	simm.s32 @!p2 $0x0  }
0x1d: {  	s5 =	simm.s32 @p1 $0x1;
	p0 =	seq.s32 s7, s2  }
0x1e: {  	s7 =	smul.u32 @!p0 $0xF7A, s2;
	p2 =	seq.s32 @!p0 s5, $0x0  }
0x1f: {  	s9 =	smul.u32 $0xF7A, s1;
	s8 =	simm.s32 @!p0 $0x1BF5;
	p2 =	por !p2, p0  }
0x20: {  	[sflag:s8] =	ssyncset.s32 @!p0 $0xFFFFF086;
	s6 =	sadd.s32 @!p0 s3, s7;
	s7 =	simm.s32 @!p0 $0x108  }
0x21: {  	s3 =	sadd.s32 s3, s9;
	s6 =	sadd.s32 @!p0 $0x88, s6;
	s7 =	simm.s32 @p2 $0x1082  }
0x22: {  	[simem:s7], [sflag:s8] =	dma.local @!p0 [hbm:s6], $0xF7A  }
0x23: {  	s9 =	sor.u32 $0xD0000000, s2;
	s6 =	simm.s32 $0x108;
	_ =	swait.ge @!p0 [sflag:s8], $0x0  }
0x24: {  	s3 =	sadd.s32 $0x88, s3;
	s6 =	simm.s32 @!p1 $0x1082;
	[sflag:s4] =	ssyncset.s32 $0xFFFFF086  }
0x25: {  	[simem:s6], [sflag:s4] =	dma.local [hbm:s3], $0xF7A  }
0x26: {  	[smem:$0x3F9B] =	sst s1;
	(tag) =	ssettag s2;
	_ =	strace s9  }
0x27: {  	s1 =	sld [smem:$0x3FAB]  }
0x28: {  	s2 =	sld [smem:$0x3FAC]  }
0x29: {  	s4 =	sld [smem:$0x3FAE]  }
0x2a: {  	p0 =	seq.s32 s5, $0x0;
	s5 =	sld [smem:$0x3FAF]  }
0x2b: {  	s6 =	sld [smem:$0x3FB0]  }
0x2c: {  	s7 =	sld [smem:$0x3FB1]  }
0x2d: {  	s3 =	simm.s32 $0x108;
	s8 =	sld [smem:$0x3FB2]  }
0x2e: {  	s3 =	simm.s32 @!p0 $0x1082;
	s9 =	sld [smem:$0x3FB3]  }
0x2f: {  	lr =	sadd.s32 s0, s3;
	s0 =	sld [smem:$0x3FAA]  }
0x30: {  	s3 =	sld [smem:$0x3FAD]  }
0x31: {  	[smem:$0x3FB6] =	sst s10  }
0x32: {  	s10 =	sld [smem:$0x3FB4];
	_ =	sdelay $0x3  }
0x33: {  	p0 =	seq.s32 s10, $0x1;
	s10 =	sld [smem:$0x3FB6];
	_ =	sdelay $0x3  }
0x34: {  	[smem:$0x3FB6] =	sst s10  }
0x35: {  	s10 =	sld [smem:$0x3FB5];
	_ =	sdelay $0x3  }
0x36: {  	p1 =	seq.s32 s10, $0x1;
	s10 =	sld [smem:$0x3FB6];
	_ =	sdelay $0x3  }
0x37: {  	[smem:$0x3FB6] =	sst s10  }
0x38: {  	s10 =	sld [smem:$0x3FB7]  }
0x39: {  	_ = 	snop;
	(pc) =	sbr.ind lr, $3  }
0x3a: {  	_ = 	snop  }
0x3b: {  	_ = 	snop  }
0x3c: {  	p2 =	seq.s32 s10, $0x1;
	s10 =	sld [smem:$0x3FB6]  }
0x3d: {  	_ =	shalt  }
0x3e: {  	_ =	shalt  }
0x3f: {  	_ =	shalt  }
0x40: {  	_ =	shalt  }
0x41: {  	_ =	shalt  }
0x42: {  	_ =	shalt  }
0x43: {  	_ =	shalt  }
0x44: {  	_ =	shalt  }
0x45: {  	_ =	shalt  }
0x46: {  	_ =	shalt  }
0x47: {  	_ =	shalt  }
0x48: {  	_ =	shalt  }
0x49: {  	_ =	shalt  }
0x4a: {  	_ =	shalt  }
0x4b: {  	_ =	shalt  }
0x4c: {  	_ =	shalt  }
0x4d: {  	_ =	shalt  }
0x4e: {  	_ =	shalt  }
0x4f: {  	_ =	shalt  }
0x50: {  	_ =	shalt  }
0x51: {  	_ =	shalt  }
0x52: {  	_ =	shalt  }
0x53: {  	_ =	shalt  }
0x54: {  	_ =	shalt  }
0x55: {  	_ =	shalt  }
0x56: {  	_ =	shalt  }
0x57: {  	_ =	shalt  }
0x58: {  	_ =	shalt  }
0x59: {  	_ =	shalt  }
0x5a: {  	_ =	shalt  }
0x5b: {  	_ =	shalt  }
0x5c: {  	_ =	shalt  }
0x5d: {  	_ =	shalt  }
0x5e: {  	_ =	shalt  }
0x5f: {  	_ =	shalt  }
0x60: {  	_ =	shalt  }
0x61: {  	_ =	shalt  }
0x62: {  	_ =	shalt  }
0x63: {  	_ =	shalt  }
0x64: {  	_ =	shalt  }
0x65: {  	_ =	shalt  }
0x66: {  	_ =	shalt  }
0x67: {  	_ =	shalt  }
0x68: {  	_ =	shalt  }
0x69: {  	_ =	shalt  }
0x6a: {  	_ =	shalt  }
0x6b: {  	_ =	shalt  }
0x6c: {  	_ =	shalt  }
0x6d: {  	_ =	shalt  }
0x6e: {  	_ =	shalt  }
0x6f: {  	_ =	shalt  }
0x70: {  	_ =	shalt  }
0x71: {  	_ =	shalt  }
0x72: {  	_ =	shalt  }
0x73: {  	_ =	shalt  }
0x74: {  	_ =	shalt  }
0x75: {  	_ =	shalt  }
0x76: {  	_ =	shalt  }
0x77: {  	_ =	shalt  }
0x78: {  	_ =	shalt  }
0x79: {  	_ =	shalt  }
0x7a: {  	_ =	shalt  }
0x7b: {  	_ =	shalt  }
0x7c: {  	_ =	shalt  }
0x7d: {  	_ =	shalt  }
0x7e: {  	_ =	shalt  }
0x7f: {  	_ =	shalt  }
0x80: {  	_ =	shalt  }
0x81: {  	_ =	shalt  }
0x82: {  	_ =	shalt  }
0x83: {  	_ =	shalt  }
0x84: {  	_ =	shalt  }
0x85: {  	_ =	shalt  }
0x86: {  	_ =	shalt  }
0x87: {  	_ =	shalt  }
.Lfunc_end0:
.L_simem_size_0:
called_computation_lowered:
.L_overlay_start_0:
0x88: {  	s2 =	sld [smem:$0x3FD9]  }
0x89: {  	s3 =	sld [smem:$0x3FFE];
	_ =	sdelay $0x1  }
0x8a: {  	s1 =	srdreg.scid  }
0x8b: {  	s0 =	sand.u32 $0x1, s1  }
0x8c: {  	s16 =	sshll.u32 s0, $0xA;
	s2 =	sadd.s32 s3, s2  }
0x8d: {  	s2 =	sadd.s32 s2, s16  }
0x8e: {  	[smem:$0x3FC2] =	sst s2  }
0x8f: {  	_ = 	snop  }
0x90: {  	(tm) =	ssettm $0x1  }
0x91: {  	s17 =	sld [smem:$0x3FFB];
	_ =	sdelay $0x3  }
0x92: {  	_ =	strace s17  }
0x93: {  	s2 =	sld [smem:$0x3FFC];
	_ =	sdelay $0x3  }
0x94: {  	_ =	strace s2  }
0x95: {  	s2 =	sld [smem:$0x3FFD];
	_ =	sdelay $0x3  }
0x96: {  	_ =	strace s2  }
0x97: {  	_ =	strace $0x8FFFFFFF  }
0x98: {  	s18 =	sld [smem:$0x3FDB];
	_ =	sdelay $0x1  }
0x99: {  	s19 =	simm.s32 $_scs_section_size  }
0x9a: {  	s4 =	simm.s32 $_size__tile_overlayer_lowered;
	s5 =	simm.s32 $_tile_overlayer_lowered  }
0x9b: {  	s22 =	simm.s32 $0x1BFF;
	s21 =	sshll.u32 s5, $0x1;
	s2 =	sadd.s32 s19, s18  }
0x9c: {  	s6 =	simm.s32 $0x0;
	s20 =	sshll.u32 s4, $0x1;
	s4 =	sadd.s32 s21, s2  }
0x9d: {  	[timem:s6], [sflag:s22] =	dma.local [hbm:s4], s20  }
0x9e: {  	_ =	swait.ge [sflag:s22], s20  }
0x9f: {  	s3 =	ssub.s32 $0x0, s20;
	[sflag:s22] =	ssyncset.done $0x0  }
0xa0: {  	[sflag:s22] =	ssyncadd.s32 s3;
	_ =	sdelay $0x1  }
0xa1: {  	s23 =	simm.s32 $0x1B8B  }
0xa2: {  	_ =	swait.ge [sflag:s23], $0x1  }
0xa3: {  	[sflag:s23] =	ssyncset.done $0x0  }
0xa4: {  	s25 =	simm.s32 $0x1B8E;
	s24 =	sld [smem:$0x3FFE];
	[sflag:s23] =	ssyncadd.s32 $0xFFFFFFFF  }
0xa5: {  	s26 =	simm.s32 $execute0_lowered;
	[smem:$0x3FD2] =	sst s25  }
0xa6: {  	s4 =	sshll.u32 s26, $0x1;
	_ =	strace $0x80000046;
	[dreg:$0x1] =	wrdreg $0xFFFFFFFF  }
0xa7: {  	s28 =	simm.s32 $_size_execute0_lowered;
	s2 =	sadd.s32 s2, s4;
	[dreg:$0x0] =	wrdreg $0x0  }
0xa8: {  	s4 =	sshll.u32 s28, $0x1;
	[dreg:$0x2] =	wrdreg s2  }
0xa9: {  	[dreg:$0x3] =	wrdreg s4  }
0xaa: {  	[dreg:$0x4] =	wrdreg $0xC0  }
0xab: {  	_ =	task [dreg:s6], $0x5FFFF  }
0xac: {  	[dreg:$0x1] =	wrdreg $0xFFFFFFFF  }
0xad: {  	[dreg:$0x0] =	wrdreg $0x60  }
0xae: {  	[dreg:$0x2] =	wrdreg s24  }
0xaf: {  	[dreg:$0x3] =	wrdreg $0x28800  }
0xb0: {  	[dreg:$0x4] =	wrdreg $0x9  }
0xb1: {  	_ =	task.clear_ibuf [dreg:s6], $0x5FFFF;
	_ =	strace $0x90000046  }
0xb2: {  	s29 =	simm.s32 $0x9;
	_ =	strace $0x80000048  }
0xb3: {  	_ =	swait.ge [sflag:s29], $0x1  }
0xb4: {  	[sflag:s29] =	ssyncadd.s32 $0xFFFFFFFF  }
0xb5: {  	_ =	strace $0x90000048  }
0xb6: {  	_ =	sfence  }
0xb7: {  	s30 =	sld [smem:$0x0];
	_ =	sdelay $0x2  }
0xb8: {  	s31 =	sshll.u32 s1, $0xD;
	s1 =	sshrl.u32 s1, $0x2  }
0xb9: {  	s3 =	sand.u32 $0x4000, s31;
	s1 =	sadd.s32 s1, s30  }
0xba: {  	s0 =	sor.u32 s3, s0;
	s1 =	sshll.u32 s1, $0x11  }
0xbb: {  	s0 =	sor.u32 s1, s0  }
0xbc: {  	s0 =	sadd.s32 $0x8F2B, s0  }
0xbd: {  	[sflag:s0] =	ssyncadd.remote.s32 $0x1  }
0xbe: {  	_ =	sfence.sel $0xFFFF  }
0xbf: {  	[dreg:$0x0] =	wrdreg $0xFFFFFFFF;
	(pc) =	sbr.abs _section_cstart, $3  }
0xc0: {  	[dreg:$0x1] =	wrdreg $0xFFFFFFFF  }
0xc1: {  	_ =	task.clear_ibuf [dreg:s6], $0x2FFFF;
	_ =	strace $0x9FFFFFFF  }
0xc2: {  	(tm) =	ssettm $0x7FFFFFFF  }
0xc3: {  	_ =	shalt  }
tec
execute0_lowered:
.L_overlay_start_1:
0x0: {  	(tag) =	ssettag $0x1  }
0x1: {  	s1 =	srdreg.scid;
	s5 =	rddreg [dreg:$0x0]  }
0x2: {  	s0 =	stileid.u32;
	s2 =	rddreg [dreg:$0x1];
	s3 =	simm.s32 $0x0  }
0x3: {  	s12 =	simm.s32 $0x2800;
	s13 =	simm.s32 $0x20;
	s14 =	simm.s32 $0x10  }
0x4: {  	s15 =	simm.s32 $0x0;
	s4 =	sand.u32 $0x1, s1;
	s7 =	smul.u32 $0x500, s0  }
0x5: {  	s28 =	sshll.u32 s0, $0x1;
	[smem:$0x7FF] =	sst s3;
	s8 =	smul.u32 $0x280, s0  }
0x6: {  	s31 =	sshll.u32 s0, $0x6;
	s1 =	sor.u32 s4, s28;
	s9 =	sshll.u32 s4, $0x7  }
0x7: {  	s4 =	ssub.s32 $0x2, s4;
	s6 =	smul.u32 $0x500, s1;
	s1 =	rddreg [dreg:$0x2]  }
0x8: {  	_ =	strace $0x80000047;
	s7 =	sor.u32 s9, s7;
	s29 =	sshrl.u32 s8, $0x3  }
0x9: {  	s30 =	sshrl.u32 s4, $0x1;
	s11 =	sadd.s32 s8, s2;
	s7 =	sshrl.u32 s7, $0x3  }
0xa: {  	s9 =	sadd.s32 s29, s5;
	s10 =	ssub.s32 s4, s30;
	s6 =	sadd.s32 s6, s5  }
0xb: {  	s7 =	sadd.s32 s7, s5;
	s4 =	sadd.s32 $0xC800, s9;
	s5 =	sor.u32 $0x1C01, s31  }
0xc: {  	s8 =	smax.u32 s10, $0x1;
	s9 =	sshrl.u32 s11, $0x3;
	s10 =	simm.s32 $0x1  }
0xd: {  	v0 =	vimm.f32 $1.000000000e+00;
	s11 =	simm.s32 $0x80;
	s6 =	sadd.s32 $0x2800, s6;
	s7 =	sadd.s32 $0xCE00, s7  }
.LBB2_1:
0xe: {  	[spmem:s9], [sflag:s5] =	dma.local [hbm:s4], $0x50  }
0xf: {  	_ =	swait.ge [sflag:s10], $0x50  }
0x10: {  	[sflag:s10] =	ssyncset.done $0x0  }
0x11: {  	[sflag:s10] =	ssyncadd.s32 $0xFFFFFFB0  }
0x12: {  	[tilespmem:$0x2800] =	vst v0  }
0x13: {  	[tilespmem:$0x2810] =	vst v0  }
0x14: {  	[tilespmem:$0x2820] =	vst v0  }
0x15: {  	[tilespmem:$0x2830] =	vst v0  }
0x16: {  	[tilespmem:$0x2840] =	vst v0  }
0x17: {  	[tilespmem:$0x2850] =	vst v0  }
0x18: {  	[tilespmem:$0x2860] =	vst v0  }
0x19: {  	[tilespmem:$0x2870] =	vst v0  }
0x1a: {  	[tilespmem:s3], [sflag:$0x1] =	stream.linear.gather [hbm4b:s6+s3], $0x2800, $0x38;
	[tilespmem:$0x2B00] =	vst v63  }
0x1b: {  	_ =	swait.ge [sflag:s10], $0x2800  }
0x1c: {  	[sflag:s10] =	ssyncset.done $0x0  }
0x1d: {  	[sflag:s10] =	ssyncadd.s32 $0xFFFFD800  }
0x1e: {  	s16 =	simm.s32 $0x0;
	[bflag:$0x0] =	sbarrier.arrive $0xFFFF  }
0x1f: {  	[spmem:s2] =	stream.indirect.scatter.add.f32 [tilespmem:s12], [sflag:$0x1], $0x1, s16, s11, $0xb8;
	[tilespmem:$0x2B00] =	vst v63  }
0x20: {  	_ =	swait.ge [sflag:s10], $0x80  }
0x21: {  	s16 =	simm.s32 $0x200;
	[sflag:s10] =	ssyncset.done $0x0  }
.LBB2_2:
0x22: {  	s17 =	sshra.s32 s16, $0x2;
	[sflag:s10] =	ssyncadd.s32 $0xFFFFFF80;
	p0 =	sne.s32 s16, $0x9E00  }
0x23: {  	[spmem:s2] =	stream.indirect.scatter.add.f32 [tilespmem:s12], [sflag:$0x1], $0x1, s17, s11, $0xb8;
	[tilespmem:$0x2B00] =	vst v63  }
.Ltmp0:
0x24: {  	_ = 	snop;
	(pc) =	sbr.rel @p0 .LBB2_2-.Ltmp0, $4  }
0x25: {  	_ = 	snop  }
0x26: {  	s16 =	sadd.s32 $0x200, s16  }
0x27: {  	_ =	swait.ge [sflag:s10], $0x80  }
0x28: {  	[sflag:s10] =	ssyncset.done $0x0  }
0x29: {  	s15 =	sadd.s32 $0x1, s15  }
0x2a: {  	[sflag:s10] =	ssyncadd.s32 $0xFFFFFF80;
	p0 =	sne.s32 s15, s8  }
.Ltmp1:
0x2b: {  	[bflag:$0x0] =	sbarrier.arrive $0xFFFF;
	(pc) =	sbr.rel @p0 .LBB2_1-.Ltmp1, $4  }
0x2c: {  	[hbm:s7@s13], [sflag:s5] =	dma.strided [spmem:s9@s14], $0x50, s10, $0x10   }
0x2d: {  	_ =	swait.ge [sflag:s10], $0x50  }
0x2e: {  	[sflag:s10] =	ssyncset.done $0x0  }
0x2f: {  	[sflag:s10] =	ssyncadd.s32 $0xFFFFFFB0  }
0x30: {  	_ =	sfence.sel $0x180000  }
0x31: {  	[bflag:$0x0] =	sbarrier.arrive $0xFFFF  }
0x32: {  	p0 =	sne.s32 s0, $0x0;
	_ =	strace $0x90000047  }
0x33: {  	s0 =	sadd.s32 @!p0 $0x100000, s1;
	[bflag:$0x2] =	sbarrier.arrive $0xFFFF  }
0x34: {  	[sflag:s0] =	ssyncadd.tile.s32 @!p0 $0x1;
	_ =	shalt  }
.Lfunc_end2:
_tile_overlayer_lowered:
.L_overlay_start_2:
0x35: {  	(tag) =	ssettag $0x2  }
0x36: {  	s0 =	rddreg [dreg:$0x0];
	s2 =	stileid.u32  }
0x37: {  	s1 =	rddreg [dreg:$0x1];
	p0 =	sne.s32 s2, $0x0  }
0x38: {  	s3 =	rddreg [dreg:$0x2];
	[bflag:$0x3] =	sbarrier.arrive $0xFFFF;
	s2 =	simm.s32 @!p0 $0x1C01  }
0x39: {  	[timem:s3], [sflag:s2] =	dma.local @!p0 [hbm:s0], s1  }
0x3a: {  	s0 =	simm.s32 @!p0 $0x1  }
0x3b: {  	_ =	swait.ge @!p0 [sflag:s0], s1  }
0x3c: {  	s1 =	ssub.s32 @!p0 $0x0, s1;
	[sflag:s0] =	ssyncset.done @!p0 $0x0  }
0x3d: {  	[sflag:s0] =	ssyncadd.s32 @!p0 s1  }
0x3e: {  	[bflag:$0x3] =	sbarrier.arrive $0xFFFF  }
0x3f: {  	_ =	shalt  }

// kernel: kernel.13.cloned.1.call-start
scs
__scs_entry_jumppad:
0x0: {  	(pc) =	sbr.rel $0x88, $3  }
0x1: {  	(tag) =	ssettag $0x0;
	lr =	simm.s32 $0x1  }
0x2: {  	[smem:$0x3F9B] =	sst lr;
	_ =	strace $0xD0000000  }
0x3: {  	_ = 	snop  }
0x4: {  	_ = 	snop  }
0x5: {  	_ = 	snop  }
0x6: {  	_ = 	snop  }
0x7: {  	_ = 	snop  }
__scs_overlays_trampoline_lowered:
0x8: {  	[smem:$0x3FAA] =	sst s0  }
0x9: {  	[smem:$0x3FAB] =	sst s1  }
0xa: {  	[smem:$0x3FAC] =	sst s2  }
0xb: {  	[smem:$0x3FAD] =	sst s3  }
0xc: {  	[smem:$0x3FAE] =	sst s4  }
0xd: {  	[smem:$0x3FAF] =	sst s5  }
0xe: {  	[smem:$0x3FB0] =	sst s6  }
0xf: {  	[smem:$0x3FB1] =	sst s7  }
0x10: {  	[smem:$0x3FB2] =	sst s8  }
0x11: {  	[smem:$0x3FB3] =	sst s9;
	s0 =	simm.s32 @!p0 $0x0  }
0x12: {  	s1 =	sld [smem:$0x3F99];
	s0 =	simm.s32 @p0 $0x1  }
0x13: {  	[smem:$0x3FB4] =	sst s0;
	s0 =	simm.s32 @!p1 $0x0  }
0x14: {  	s2 =	sld [smem:$0x3F98];
	s0 =	simm.s32 @p1 $0x1  }
0x15: {  	[smem:$0x3FB5] =	sst s0;
	s0 =	simm.s32 @!p2 $0x0  }
0x16: {  	s3 =	sld [smem:$0x3FDB];
	s0 =	simm.s32 @p2 $0x1  }
0x17: {  	s4 =	simm.s32 $0x1BF5;
	[smem:$0x3FB7] =	sst s0  }
0x18: {  	s0 =	sld [smem:$0x3F9A];
	_ =	swait.ge [sflag:s4], $0x0  }
0x19: {  	s7 =	sld [smem:$0x3F9B]  }
0x1a: {  	s8 =	sadd.s32 $0xFFFFE003, lr  }
0x1b: {  	s9 =	sadd.s32 $0xFFFFFEF7, lr;
	s5 =	simm.s32 $0xFFFFFFFF;
	p2 =	slt.u32 s8, $0xFFFFF086  }
0x1c: {  	p1 =	slt.u32 s9, $0xF7A;
	s5 =	simm.s32 @!p2 $0x0  }
0x1d: {  	s5 =	simm.s32 @p1 $0x1;
	p0 =	seq.s32 s7, s2  }
0x1e: {  	s7 =	smul.u32 @!p0 $0xF7A, s2;
	p2 =	seq.s32 @!p0 s5, $0x0  }
0x1f: {  	s9 =	smul.u32 $0xF7A, s1;
	s8 =	simm.s32 @!p0 $0x1BF5;
	p2 =	por !p2, p0  }
0x20: {  	[sflag:s8] =	ssyncset.s32 @!p0 $0xFFFFF086;
	s6 =	sadd.s32 @!p0 s3, s7;
	s7 =	simm.s32 @!p0 $0x108  }
0x21: {  	s3 =	sadd.s32 s3, s9;
	s6 =	sadd.s32 @!p0 $0x88, s6;
	s7 =	simm.s32 @p2 $0x1082  }
0x22: {  	[simem:s7], [sflag:s8] =	dma.local @!p0 [hbm:s6], $0xF7A  }
0x23: {  	s9 =	sor.u32 $0xD0000000, s2;
	s6 =	simm.s32 $0x108;
	_ =	swait.ge @!p0 [sflag:s8], $0x0  }
0x24: {  	s3 =	sadd.s32 $0x88, s3;
	s6 =	simm.s32 @!p1 $0x1082;
	[sflag:s4] =	ssyncset.s32 $0xFFFFF086  }
0x25: {  	[simem:s6], [sflag:s4] =	dma.local [hbm:s3], $0xF7A  }
0x26: {  	[smem:$0x3F9B] =	sst s1;
	(tag) =	ssettag s2;
	_ =	strace s9  }
0x27: {  	s1 =	sld [smem:$0x3FAB]  }
0x28: {  	s2 =	sld [smem:$0x3FAC]  }
0x29: {  	s4 =	sld [smem:$0x3FAE]  }
0x2a: {  	p0 =	seq.s32 s5, $0x0;
	s5 =	sld [smem:$0x3FAF]  }
0x2b: {  	s6 =	sld [smem:$0x3FB0]  }
0x2c: {  	s7 =	sld [smem:$0x3FB1]  }
0x2d: {  	s3 =	simm.s32 $0x108;
	s8 =	sld [smem:$0x3FB2]  }
0x2e: {  	s3 =	simm.s32 @!p0 $0x1082;
	s9 =	sld [smem:$0x3FB3]  }
0x2f: {  	lr =	sadd.s32 s0, s3;
	s0 =	sld [smem:$0x3FAA]  }
0x30: {  	s3 =	sld [smem:$0x3FAD]  }
0x31: {  	[smem:$0x3FB6] =	sst s10  }
0x32: {  	s10 =	sld [smem:$0x3FB4];
	_ =	sdelay $0x3  }
0x33: {  	p0 =	seq.s32 s10, $0x1;
	s10 =	sld [smem:$0x3FB6];
	_ =	sdelay $0x3  }
0x34: {  	[smem:$0x3FB6] =	sst s10  }
0x35: {  	s10 =	sld [smem:$0x3FB5];
	_ =	sdelay $0x3  }
0x36: {  	p1 =	seq.s32 s10, $0x1;
	s10 =	sld [smem:$0x3FB6];
	_ =	sdelay $0x3  }
0x37: {  	[smem:$0x3FB6] =	sst s10  }
0x38: {  	s10 =	sld [smem:$0x3FB7]  }
0x39: {  	_ = 	snop;
	(pc) =	sbr.ind lr, $3  }
0x3a: {  	_ = 	snop  }
0x3b: {  	_ = 	snop  }
0x3c: {  	p2 =	seq.s32 s10, $0x1;
	s10 =	sld [smem:$0x3FB6]  }
0x3d: {  	_ =	shalt  }
0x3e: {  	_ =	shalt  }
0x3f: {  	_ =	shalt  }
0x40: {  	_ =	shalt  }
0x41: {  	_ =	shalt  }
0x42: {  	_ =	shalt  }
0x43: {  	_ =	shalt  }
0x44: {  	_ =	shalt  }
0x45: {  	_ =	shalt  }
0x46: {  	_ =	shalt  }
0x47: {  	_ =	shalt  }
0x48: {  	_ =	shalt  }
0x49: {  	_ =	shalt  }
0x4a: {  	_ =	shalt  }
0x4b: {  	_ =	shalt  }
0x4c: {  	_ =	shalt  }
0x4d: {  	_ =	shalt  }
0x4e: {  	_ =	shalt  }
0x4f: {  	_ =	shalt  }
0x50: {  	_ =	shalt  }
0x51: {  	_ =	shalt  }
0x52: {  	_ =	shalt  }
0x53: {  	_ =	shalt  }
0x54: {  	_ =	shalt  }
0x55: {  	_ =	shalt  }
0x56: {  	_ =	shalt  }
0x57: {  	_ =	shalt  }
0x58: {  	_ =	shalt  }
0x59: {  	_ =	shalt  }
0x5a: {  	_ =	shalt  }
0x5b: {  	_ =	shalt  }
0x5c: {  	_ =	shalt  }
0x5d: {  	_ =	shalt  }
0x5e: {  	_ =	shalt  }
0x5f: {  	_ =	shalt  }
0x60: {  	_ =	shalt  }
0x61: {  	_ =	shalt  }
0x62: {  	_ =	shalt  }
0x63: {  	_ =	shalt  }
0x64: {  	_ =	shalt  }
0x65: {  	_ =	shalt  }
0x66: {  	_ =	shalt  }
0x67: {  	_ =	shalt  }
0x68: {  	_ =	shalt  }
0x69: {  	_ =	shalt  }
0x6a: {  	_ =	shalt  }
0x6b: {  	_ =	shalt  }
0x6c: {  	_ =	shalt  }
0x6d: {  	_ =	shalt  }
0x6e: {  	_ =	shalt  }
0x6f: {  	_ =	shalt  }
0x70: {  	_ =	shalt  }
0x71: {  	_ =	shalt  }
0x72: {  	_ =	shalt  }
0x73: {  	_ =	shalt  }
0x74: {  	_ =	shalt  }
0x75: {  	_ =	shalt  }
0x76: {  	_ =	shalt  }
0x77: {  	_ =	shalt  }
0x78: {  	_ =	shalt  }
0x79: {  	_ =	shalt  }
0x7a: {  	_ =	shalt  }
0x7b: {  	_ =	shalt  }
0x7c: {  	_ =	shalt  }
0x7d: {  	_ =	shalt  }
0x7e: {  	_ =	shalt  }
0x7f: {  	_ =	shalt  }
0x80: {  	_ =	shalt  }
0x81: {  	_ =	shalt  }
0x82: {  	_ =	shalt  }
0x83: {  	_ =	shalt  }
0x84: {  	_ =	shalt  }
0x85: {  	_ =	shalt  }
0x86: {  	_ =	shalt  }
0x87: {  	_ =	shalt  }
.Lfunc_end0:
.L_simem_size_0:
called_computation.1_lowered:
.L_overlay_start_0:
0x88: {  	s2 =	sld [smem:$0x3FD9]  }
0x89: {  	s3 =	sld [smem:$0x3FFE];
	_ =	sdelay $0x1  }
0x8a: {  	s1 =	srdreg.scid  }
0x8b: {  	s0 =	sand.u32 $0x1, s1  }
0x8c: {  	s17 =	sshll.u32 s0, $0xA;
	s2 =	sadd.s32 s3, s2  }
0x8d: {  	s2 =	sadd.s32 s2, s17  }
0x8e: {  	[smem:$0x3FC2] =	sst s2  }
0x8f: {  	_ = 	snop  }
0x90: {  	s2 =	sld [smem:$0x3FD0];
	(tm) =	ssettm $0x1  }
0x91: {  	s18 =	sld [smem:$0x3FFB];
	_ =	sdelay $0x3  }
0x92: {  	_ =	strace s18  }
0x93: {  	s3 =	sld [smem:$0x3FFC];
	_ =	sdelay $0x3  }
0x94: {  	_ =	strace s3  }
0x95: {  	s3 =	sld [smem:$0x3FFD];
	_ =	sdelay $0x3  }
0x96: {  	_ =	strace s3  }
0x97: {  	_ =	strace $0x8FFFFFFF  }
0x98: {  	s19 =	sld [smem:$0x3FDB];
	_ =	sdelay $0x1  }
0x99: {  	s4 =	simm.s32 $_scs_section_size  }
0x9a: {  	s5 =	simm.s32 $_size__tile_overlayer_lowered;
	s6 =	simm.s32 $_tile_overlayer_lowered  }
0x9b: {  	s22 =	simm.s32 $0x1BFF;
	s21 =	sshll.u32 s6, $0x1;
	s3 =	sadd.s32 s4, s19  }
0x9c: {  	s7 =	simm.s32 $0x0;
	s20 =	sshll.u32 s5, $0x1;
	s5 =	sadd.s32 s21, s3  }
0x9d: {  	[timem:s7], [sflag:s22] =	dma.local [hbm:s5], s20  }
0x9e: {  	_ =	swait.ge [sflag:s22], s20  }
0x9f: {  	s4 =	ssub.s32 $0x0, s20;
	[sflag:s22] =	ssyncset.done $0x0  }
0xa0: {  	[sflag:s22] =	ssyncadd.s32 s4;
	_ =	sdelay $0x1  }
0xa1: {  	s23 =	simm.s32 $0x1B8B  }
0xa2: {  	_ =	swait.ge [sflag:s23], $0x1  }
0xa3: {  	[sflag:s23] =	ssyncset.done $0x0  }
0xa4: {  	s25 =	simm.s32 $0x1B8E;
	s24 =	sld [smem:$0x3FFE];
	[sflag:s23] =	ssyncadd.s32 $0xFFFFFFFF  }
0xa5: {  	s26 =	simm.s32 $execute0_lowered;
	[smem:$0x3FD2] =	sst s25  }
0xa6: {  	s5 =	sshll.u32 s26, $0x1;
	_ =	strace $0x80000049;
	[dreg:$0x1] =	wrdreg $0xFFFFFFFF  }
0xa7: {  	s28 =	simm.s32 $_size_execute0_lowered;
	s3 =	sadd.s32 s3, s5;
	[dreg:$0x0] =	wrdreg $0x0  }
0xa8: {  	s5 =	sshll.u32 s28, $0x1;
	[dreg:$0x2] =	wrdreg s3  }
0xa9: {  	[dreg:$0x3] =	wrdreg s5  }
0xaa: {  	[dreg:$0x4] =	wrdreg $0xC0  }
0xab: {  	_ =	task [dreg:s7], $0x5FFFF  }
0xac: {  	[dreg:$0x1] =	wrdreg $0xFFFFFFFF  }
0xad: {  	[dreg:$0x0] =	wrdreg $0x60  }
0xae: {  	[dreg:$0x2] =	wrdreg s24  }
0xaf: {  	[dreg:$0x3] =	wrdreg s2  }
0xb0: {  	[dreg:$0x4] =	wrdreg $0xD0000  }
0xb1: {  	[dreg:$0x5] =	wrdreg $0xF8000  }
0xb2: {  	[dreg:$0x6] =	wrdreg $0x9  }
0xb3: {  	_ =	task.clear_ibuf [dreg:s7], $0x7FFFF;
	_ =	strace $0x90000049  }
0xb4: {  	s29 =	simm.s32 $0x9;
	_ =	strace $0x8000004B  }
0xb5: {  	_ =	swait.ge [sflag:s29], $0x1  }
0xb6: {  	[sflag:s29] =	ssyncadd.s32 $0xFFFFFFFF  }
0xb7: {  	_ =	strace $0x9000004B  }
0xb8: {  	_ =	sfence  }
0xb9: {  	s30 =	sld [smem:$0x0];
	_ =	sdelay $0x2  }
0xba: {  	s31 =	sshll.u32 s1, $0xD;
	s1 =	sshrl.u32 s1, $0x2  }
0xbb: {  	s3 =	sand.u32 $0x4000, s31;
	s1 =	sadd.s32 s1, s30  }
0xbc: {  	s0 =	sor.u32 s3, s0;
	s1 =	sshll.u32 s1, $0x11  }
0xbd: {  	s0 =	sor.u32 s1, s0  }
0xbe: {  	s0 =	sadd.s32 $0x8F2B, s0  }
0xbf: {  	[sflag:s0] =	ssyncadd.remote.s32 $0x1  }
0xc0: {  	_ =	sfence.sel $0xFFFF  }
0xc1: {  	[dreg:$0x0] =	wrdreg $0xFFFFFFFF;
	(pc) =	sbr.abs _section_cstart, $3  }
0xc2: {  	[dreg:$0x1] =	wrdreg $0xFFFFFFFF  }
0xc3: {  	_ =	task.clear_ibuf [dreg:s7], $0x2FFFF;
	_ =	strace $0x9FFFFFFF  }
0xc4: {  	(tm) =	ssettm $0x7FFFFFFF  }
0xc5: {  	_ =	shalt  }
tec
execute0_lowered:
.L_overlay_start_1:
0x0: {  	(tag) =	ssettag $0x1  }
0x1: {  	s4 =	rddreg [dreg:$0x0]  }
0x2: {  	s5 =	rddreg [dreg:$0x1]  }
0x3: {  	s1 =	rddreg [dreg:$0x2]  }
0x4: {  	s2 =	rddreg [dreg:$0x3]  }
0x5: {  	s3 =	simm.s32 $0x0;
	s6 =	srdreg.scid;
	s7 =	stileid.u32  }
0x6: {  	s16 =	simm.s32 $0x2C00;
	s19 =	simm.s32 $0x800;
	s21 =	simm.s32 $0x3000  }
0x7: {  	s31 =	sand.u32 $0x1, s6;
	s25 =	sshll.u32 s7, $0x1;
	[smem:$0x7FF] =	sst s3  }
0x8: {  	s8 =	smul.u32 $0x2800, s7;
	_ =	strace $0x8000004A;
	[dreg:$0xd] =	wrdreg s16  }
0x9: {  	s9 =	smul.u32 $0x2700, s7;
	p0 =	sne.s32 s7, $0x0;
	[dreg:$0xe] =	wrdreg s19  }
0xa: {  	s6 =	sor.u32 s31, s25;
	s12 =	smul.u32 $0x28000, s31;
	[dreg:$0xf] =	wrdreg s21  }
0xb: {  	s10 =	sshrl.u32 s8, $0x3;
	s11 =	sshrl.u32 s9, $0x3;
	s9 =	sadd.s32 s9, s2  }
0xc: {  	s6 =	smul.u32 $0x500, s6;
	s10 =	sadd.s32 s10, s4;
	s15 =	sshrl.u32 s9, $0x3  }
0xd: {  	s11 =	sadd.s32 s11, s4;
	s10 =	sadd.s32 $0x7800, s10;
	[dreg:$0xb] =	wrdreg s15  }
0xe: {  	s12 =	sadd.s32 s8, s12;
	s26 =	sadd.s32 $0x2800, s11;
	[dreg:$0x5] =	wrdreg s10  }
0xf: {  	s0 =	sshrl.u32 s12, $0x3;
	s12 =	sadd.s32 $0x7600, s4;
	[dreg:$0x6] =	wrdreg s26  }
0x10: {  	s13 =	sadd.s32 s6, s4;
	s5 =	sadd.s32 s5, s6;
	[dreg:$0x7] =	wrdreg s12  }
0x11: {  	s18 =	sshll.u32 s7, $0x6;
	s14 =	sadd.s32 $0xD800, s13;
	[dreg:$0x9] =	wrdreg s5  }
0x12: {  	s17 =	sadd.s32 s8, s1;
	s4 =	sadd.s32 s0, s4;
	[dreg:$0x8] =	wrdreg s14  }
0x13: {  	s6 =	sadd.s32 $0x27000, s2;
	s4 =	sadd.s32 $0x3EA00, s4;
	s20 =	rddreg [dreg:$0x5]  }
0x14: {  	s5 =	simm.s32 $0x5;
	[dreg:$0xa] =	wrdreg s4;
	s4 =	sshrl.u32 @!p0 s6, $0x3  }
0x15: {  	s6 =	sshrl.u32 s17, $0x3;
	[dreg:$0xc] =	wrdreg s4;
	s4 =	sor.u32 $0x1C05, s18  }
0x16: {  	[spmem:s6], [sflag:s4] =	dma.local [hbm:s20], $0x500  }
0x17: {  	_ =	swait.ge [sflag:s5], $0x500  }
0x18: {  	s22 =	rddreg [dreg:$0x6];
	[sflag:s5] =	ssyncset.done $0x0  }
0x19: {  	s23 =	rddreg [dreg:$0xb];
	[sflag:s5] =	ssyncadd.s32 $0xFFFFFB00  }
0x1a: {  	[spmem:s23], [sflag:s4] =	dma.local [hbm:s22], $0x4E0  }
0x1b: {  	_ =	swait.ge [sflag:s5], $0x4E0  }
0x1c: {  	s8 =	rddreg [dreg:$0x7];
	[sflag:s5] =	ssyncset.done $0x0  }
0x1d: {  	s7 =	simm.s32 @!p0 $0x5;
	s9 =	rddreg [dreg:$0xc];
	[sflag:s5] =	ssyncadd.s32 $0xFFFFFB20  }
0x1e: {  	[spmem:s9], [sflag:s4] =	dma.local @!p0 [hbm:s8], $0x20  }
0x1f: {  	_ =	swait.ge @!p0 [sflag:s7], $0x20  }
0x20: {  	[sflag:s7] =	ssyncset.done @!p0 $0x0  }
0x21: {  	s24 =	rddreg [dreg:$0x8];
	[sflag:s7] =	ssyncadd.s32 @!p0 $0xFFFFFFE0  }
0x22: {  	[tilespmem:s3], [sflag:$0x5] =	stream.linear.gather [hbm4b:s24+s3], $0x2800, $0x38;
	[tilespmem:$0x11F10] =	vst v63  }
0x23: {  	_ =	swait.ge [sflag:s5], $0x2800  }
0x24: {  	[sflag:s5] =	ssyncset.done $0x0  }
0x25: {  	s8 =	simm.s32 $0x2800;
	s25 =	rddreg [dreg:$0x9];
	[sflag:s5] =	ssyncadd.s32 $0xFFFFD800  }
0x26: {  	[tilespmem:s8], [sflag:$0x5] =	stream.linear.gather [hbm4b:s25+s3], $0x2800, $0x38;
	[tilespmem:$0x11F10] =	vst v63  }
0x27: {  	_ =	swait.ge [sflag:s5], $0x2800  }
0x28: {  	[sflag:s5] =	ssyncset.done $0x0  }
0x29: {  	s11 =	simm.s32 $0x1;
	[sflag:s5] =	ssyncadd.s32 $0xFFFFD800  }
0x2a: {  	s10 =	simm.s32 $0x5000;
	s9 =	simm.s32 $0x400;
	[bflag:$0x0] =	sbarrier.arrive $0xFFFF  }
0x2b: {  	[tilespmem:s10], [sflag:$0x1] =	stream.indirect.gather [spmem:s2], $0x10, s3, s9, $0xb8;
	[tilespmem:$0x11F10] =	vst v63  }
0x2c: {  	_ =	swait.ge [sflag:s11], $0x4000  }
0x2d: {  	[sflag:s11] =	ssyncset.done $0x0  }
0x2e: {  	[sflag:s11] =	ssyncadd.s32 $0xFFFFC000  }
0x2f: {  	[spmem:s1] =	stream.indirect.scatter.add.f32 [tilespmem:s10], [sflag:$0x3], $0x10, s8, s9, $0xb8;
	[tilespmem:$0x11F10] =	vst v63  }
0x30: {  	s12 =	simm.s32 $0x9000;
	s13 =	simm.s32 $0x2  }
0x31: {  	[tilespmem:s12], [sflag:$0x2] =	stream.indirect.gather [spmem:s2], $0x10, s9, s9, $0xb8;
	[tilespmem:$0x11F10] =	vst v63  }
0x32: {  	_ =	swait.ge [sflag:s13], $0x4000  }
0x33: {  	[sflag:s13] =	ssyncset.done $0x0  }
0x34: {  	s14 =	simm.s32 $0x3;
	s15 =	rddreg [dreg:$0xd];
	[sflag:s13] =	ssyncadd.s32 $0xFFFFC000  }
0x35: {  	[spmem:s1] =	stream.indirect.scatter.add.f32 [tilespmem:s12], [sflag:$0x4], $0x10, s15, s9, $0xb8;
	[tilespmem:$0x11F10] =	vst v63  }
0x36: {  	_ =	swait.ge [sflag:s14], $0x4000  }
0x37: {  	[sflag:s14] =	ssyncset.done $0x0  }
0x38: {  	s26 =	rddreg [dreg:$0xe];
	[sflag:s14] =	ssyncadd.s32 $0xFFFFC000  }
0x39: {  	[tilespmem:s10], [sflag:$0x1] =	stream.indirect.gather [spmem:s2], $0x10, s26, s9, $0xb8;
	[tilespmem:$0x11F10] =	vst v63  }
0x3a: {  	_ =	swait.ge [sflag:s11], $0x4000  }
0x3b: {  	[sflag:s11] =	ssyncset.done $0x0  }
0x3c: {  	s15 =	simm.s32 $0x4;
	s16 =	rddreg [dreg:$0xf];
	[sflag:s11] =	ssyncadd.s32 $0xFFFFC000  }
0x3d: {  	[spmem:s1] =	stream.indirect.scatter.add.f32 [tilespmem:s10], [sflag:$0x3], $0x10, s16, s9, $0xb8;
	[tilespmem:$0x11F10] =	vst v63  }
0x3e: {  	_ =	swait.ge [sflag:s15], $0x4000  }
0x3f: {  	[sflag:s15] =	ssyncset.done $0x0  }
0x40: {  	s0 =	simm.s32 $0xC00;
	[sflag:s15] =	ssyncadd.s32 $0xFFFFC000  }
0x41: {  	[tilespmem:s12], [sflag:$0x2] =	stream.indirect.gather [spmem:s2], $0x10, s0, s9, $0xb8;
	[tilespmem:$0x11F10] =	vst v63  }
0x42: {  	_ =	swait.ge [sflag:s13], $0x4000  }
0x43: {  	[sflag:s13] =	ssyncset.done $0x0  }
0x44: {  	s17 =	simm.s32 $0x3400;
	[sflag:s13] =	ssyncadd.s32 $0xFFFFC000  }
0x45: {  	[spmem:s1] =	stream.indirect.scatter.add.f32 [tilespmem:s12], [sflag:$0x4], $0x10, s17, s9, $0xb8;
	[tilespmem:$0x11F10] =	vst v63  }
0x46: {  	_ =	swait.ge [sflag:s14], $0x4000  }
0x47: {  	[sflag:s14] =	ssyncset.done $0x0  }
0x48: {  	s18 =	simm.s32 $0x1000;
	[sflag:s14] =	ssyncadd.s32 $0xFFFFC000  }
0x49: {  	[tilespmem:s10], [sflag:$0x1] =	stream.indirect.gather [spmem:s2], $0x10, s18, s9, $0xb8;
	[tilespmem:$0x11F10] =	vst v63  }
0x4a: {  	_ =	swait.ge [sflag:s11], $0x4000  }
0x4b: {  	[sflag:s11] =	ssyncset.done $0x0  }
0x4c: {  	s19 =	simm.s32 $0x3800;
	[sflag:s11] =	ssyncadd.s32 $0xFFFFC000  }
0x4d: {  	[spmem:s1] =	stream.indirect.scatter.add.f32 [tilespmem:s10], [sflag:$0x3], $0x10, s19, s9, $0xb8;
	[tilespmem:$0x11F10] =	vst v63  }
0x4e: {  	_ =	swait.ge [sflag:s15], $0x4000  }
0x4f: {  	[sflag:s15] =	ssyncset.done $0x0  }
0x50: {  	s20 =	simm.s32 $0x1400;
	[sflag:s15] =	ssyncadd.s32 $0xFFFFC000  }
0x51: {  	[tilespmem:s12], [sflag:$0x2] =	stream.indirect.gather [spmem:s2], $0x10, s20, s9, $0xb8;
	[tilespmem:$0x11F10] =	vst v63  }
0x52: {  	_ =	swait.ge [sflag:s13], $0x4000  }
0x53: {  	[sflag:s13] =	ssyncset.done $0x0  }
0x54: {  	s21 =	simm.s32 $0x3C00;
	[sflag:s13] =	ssyncadd.s32 $0xFFFFC000  }
0x55: {  	[spmem:s1] =	stream.indirect.scatter.add.f32 [tilespmem:s12], [sflag:$0x4], $0x10, s21, s9, $0xb8;
	[tilespmem:$0x11F10] =	vst v63  }
0x56: {  	_ =	swait.ge [sflag:s14], $0x4000  }
0x57: {  	[sflag:s14] =	ssyncset.done $0x0  }
0x58: {  	s22 =	simm.s32 $0x1800;
	[sflag:s14] =	ssyncadd.s32 $0xFFFFC000  }
0x59: {  	[tilespmem:s10], [sflag:$0x1] =	stream.indirect.gather [spmem:s2], $0x10, s22, s9, $0xb8;
	[tilespmem:$0x11F10] =	vst v63  }
0x5a: {  	_ =	swait.ge [sflag:s11], $0x4000  }
0x5b: {  	[sflag:s11] =	ssyncset.done $0x0  }
0x5c: {  	s23 =	simm.s32 $0x4000;
	[sflag:s11] =	ssyncadd.s32 $0xFFFFC000  }
0x5d: {  	[spmem:s1] =	stream.indirect.scatter.add.f32 [tilespmem:s10], [sflag:$0x3], $0x10, s23, s9, $0xb8;
	[tilespmem:$0x11F10] =	vst v63  }
0x5e: {  	_ =	swait.ge [sflag:s15], $0x4000  }
0x5f: {  	[sflag:s15] =	ssyncset.done $0x0  }
0x60: {  	s24 =	simm.s32 $0x1C00;
	[sflag:s15] =	ssyncadd.s32 $0xFFFFC000  }
0x61: {  	[tilespmem:s12], [sflag:$0x2] =	stream.indirect.gather [spmem:s2], $0x10, s24, s9, $0xb8;
	[tilespmem:$0x11F10] =	vst v63  }
0x62: {  	_ =	swait.ge [sflag:s13], $0x4000  }
0x63: {  	[sflag:s13] =	ssyncset.done $0x0  }
0x64: {  	s25 =	simm.s32 $0x4400;
	[sflag:s13] =	ssyncadd.s32 $0xFFFFC000  }
0x65: {  	[spmem:s1] =	stream.indirect.scatter.add.f32 [tilespmem:s12], [sflag:$0x4], $0x10, s25, s9, $0xb8;
	[tilespmem:$0x11F10] =	vst v63  }
0x66: {  	_ =	swait.ge [sflag:s14], $0x4000  }
0x67: {  	[sflag:s14] =	ssyncset.done $0x0  }
0x68: {  	s26 =	simm.s32 $0x2000;
	[sflag:s14] =	ssyncadd.s32 $0xFFFFC000  }
0x69: {  	[tilespmem:s10], [sflag:$0x1] =	stream.indirect.gather [spmem:s2], $0x10, s26, s9, $0xb8;
	[tilespmem:$0x11F10] =	vst v63  }
0x6a: {  	_ =	swait.ge [sflag:s11], $0x4000  }
0x6b: {  	[sflag:s11] =	ssyncset.done $0x0  }
0x6c: {  	s28 =	simm.s32 $0x4800;
	[sflag:s11] =	ssyncadd.s32 $0xFFFFC000  }
0x6d: {  	[spmem:s1] =	stream.indirect.scatter.add.f32 [tilespmem:s10], [sflag:$0x3], $0x10, s28, s9, $0xb8;
	[tilespmem:$0x11F10] =	vst v63  }
0x6e: {  	_ =	swait.ge [sflag:s15], $0x4000  }
0x6f: {  	[sflag:s15] =	ssyncset.done $0x0  }
0x70: {  	s29 =	simm.s32 $0x2400;
	[sflag:s15] =	ssyncadd.s32 $0xFFFFC000  }
0x71: {  	[tilespmem:s12], [sflag:$0x2] =	stream.indirect.gather [spmem:s2], $0x10, s29, s9, $0xb8;
	[tilespmem:$0x11F10] =	vst v63  }
0x72: {  	_ =	swait.ge [sflag:s13], $0x4000  }
0x73: {  	s31 =	ssub.s32 $0x2, s31;
	[sflag:s13] =	ssyncset.done $0x0  }
0x74: {  	s30 =	simm.s32 $0x4C00;
	s0 =	sshrl.u32 s31, $0x1;
	[sflag:s13] =	ssyncadd.s32 $0xFFFFC000  }
0x75: {  	[spmem:s1] =	stream.indirect.scatter.add.f32 [tilespmem:s12], [sflag:$0x4], $0x10, s30, s9, $0xb8;
	[tilespmem:$0x11F10] =	vst v63  }
0x76: {  	s0 =	ssub.s32 s31, s0;
	_ =	swait.ge [sflag:s14], $0x4000  }
0x77: {  	s0 =	smax.u32 s0, $0x1;
	[sflag:s14] =	ssyncset.done $0x0  }
0x78: {  	s31 =	sadd.s32 $0xFFFFFFFF, s0;
	[sflag:s14] =	ssyncadd.s32 $0xFFFFC000  }
0x79: {  	p1 =	sne.s32 s31, $0x0;
	_ =	swait.ge [sflag:s15], $0x4000  }
.Ltmp0:
0x7a: {  	[sflag:s15] =	ssyncset.done $0x0;
	(pc) =	sbr.rel @!p1 .LBB2_2-.Ltmp0, $4  }
0x7b: {  	[sflag:s15] =	ssyncadd.s32 $0xFFFFC000  }
0x7c: {  	[bflag:$0x0] =	sbarrier.arrive $0xFFFF  }
0x7d: {  	s16 =	rddreg [dreg:$0xa]  }
0x7e: {  	[hbm:s16], [sflag:s4] =	dma.local [spmem:s6], $0x500  }
.LBB2_1:
0x7f: {  	_ =	swait.ge [sflag:s5], $0x500  }
0x80: {  	[sflag:s5] =	ssyncset.done $0x0  }
0x81: {  	s0 =	rddreg [dreg:$0x5];
	[sflag:s5] =	ssyncadd.s32 $0xFFFFFB00  }
0x82: {  	[spmem:s6], [sflag:s4] =	dma.local [hbm:s0], $0x500  }
0x83: {  	_ =	swait.ge [sflag:s5], $0x500  }
0x84: {  	[sflag:s5] =	ssyncset.done $0x0;
	s0 =	rddreg [dreg:$0x6]  }
0x85: {  	s16 =	rddreg [dreg:$0xb];
	[sflag:s5] =	ssyncadd.s32 $0xFFFFFB00  }
0x86: {  	[spmem:s16], [sflag:s4] =	dma.local [hbm:s0], $0x4E0  }
0x87: {  	_ =	swait.ge [sflag:s5], $0x4E0  }
0x88: {  	[sflag:s5] =	ssyncset.done $0x0;
	s0 =	rddreg [dreg:$0x7]  }
0x89: {  	s16 =	rddreg [dreg:$0xc];
	[sflag:s5] =	ssyncadd.s32 $0xFFFFFB20  }
0x8a: {  	[spmem:s16], [sflag:s4] =	dma.local @!p0 [hbm:s0], $0x20  }
0x8b: {  	_ =	swait.ge @!p0 [sflag:s7], $0x20  }
0x8c: {  	[sflag:s7] =	ssyncset.done @!p0 $0x0  }
0x8d: {  	s16 =	rddreg [dreg:$0x8];
	[sflag:s7] =	ssyncadd.s32 @!p0 $0xFFFFFFE0  }
0x8e: {  	[tilespmem:s3], [sflag:$0x5] =	stream.linear.gather [hbm4b:s16+s3], $0x2800, $0x38;
	[tilespmem:$0x11F10] =	vst v63  }
0x8f: {  	_ =	swait.ge [sflag:s5], $0x2800  }
0x90: {  	[sflag:s5] =	ssyncset.done $0x0  }
0x91: {  	s16 =	rddreg [dreg:$0x9];
	[sflag:s5] =	ssyncadd.s32 $0xFFFFD800  }
0x92: {  	[tilespmem:s8], [sflag:$0x5] =	stream.linear.gather [hbm4b:s16+s3], $0x2800, $0x38;
	[tilespmem:$0x11F10] =	vst v63  }
0x93: {  	_ =	swait.ge [sflag:s5], $0x2800  }
0x94: {  	[sflag:s5] =	ssyncset.done $0x0  }
0x95: {  	[sflag:s5] =	ssyncadd.s32 $0xFFFFD800  }
0x96: {  	[bflag:$0x0] =	sbarrier.arrive $0xFFFF  }
0x97: {  	[tilespmem:s10], [sflag:$0x1] =	stream.indirect.gather [spmem:s2], $0x10, s3, s9, $0xb8;
	[tilespmem:$0x11F10] =	vst v63  }
0x98: {  	_ =	swait.ge [sflag:s11], $0x4000  }
0x99: {  	[sflag:s11] =	ssyncset.done $0x0  }
0x9a: {  	[sflag:s11] =	ssyncadd.s32 $0xFFFFC000  }
0x9b: {  	[spmem:s1] =	stream.indirect.scatter.add.f32 [tilespmem:s10], [sflag:$0x3], $0x10, s8, s9, $0xb8;
	[tilespmem:$0x11F10] =	vst v63  }
0x9c: {  	_ = 	snop  }
0x9d: {  	[tilespmem:s12], [sflag:$0x2] =	stream.indirect.gather [spmem:s2], $0x10, s9, s9, $0xb8;
	[tilespmem:$0x11F10] =	vst v63  }
0x9e: {  	_ =	swait.ge [sflag:s13], $0x4000  }
0x9f: {  	[sflag:s13] =	ssyncset.done $0x0  }
0xa0: {  	s16 =	rddreg [dreg:$0xd];
	[sflag:s13] =	ssyncadd.s32 $0xFFFFC000  }
0xa1: {  	[spmem:s1] =	stream.indirect.scatter.add.f32 [tilespmem:s12], [sflag:$0x4], $0x10, s16, s9, $0xb8;
	[tilespmem:$0x11F10] =	vst v63  }
0xa2: {  	_ =	swait.ge [sflag:s14], $0x4000  }
0xa3: {  	[sflag:s14] =	ssyncset.done $0x0  }
0xa4: {  	s16 =	rddreg [dreg:$0xe];
	[sflag:s14] =	ssyncadd.s32 $0xFFFFC000  }
0xa5: {  	[tilespmem:s10], [sflag:$0x1] =	stream.indirect.gather [spmem:s2], $0x10, s16, s9, $0xb8;
	[tilespmem:$0x11F10] =	vst v63  }
0xa6: {  	_ =	swait.ge [sflag:s11], $0x4000  }
0xa7: {  	[sflag:s11] =	ssyncset.done $0x0  }
0xa8: {  	s16 =	rddreg [dreg:$0xf];
	[sflag:s11] =	ssyncadd.s32 $0xFFFFC000  }
0xa9: {  	[spmem:s1] =	stream.indirect.scatter.add.f32 [tilespmem:s10], [sflag:$0x3], $0x10, s16, s9, $0xb8;
	[tilespmem:$0x11F10] =	vst v63  }
0xaa: {  	_ =	swait.ge [sflag:s15], $0x4000  }
0xab: {  	[sflag:s15] =	ssyncset.done $0x0  }
0xac: {  	s16 =	simm.s32 $0xC00;
	[sflag:s15] =	ssyncadd.s32 $0xFFFFC000  }
0xad: {  	[tilespmem:s12], [sflag:$0x2] =	stream.indirect.gather [spmem:s2], $0x10, s16, s9, $0xb8;
	[tilespmem:$0x11F10] =	vst v63  }
0xae: {  	_ =	swait.ge [sflag:s13], $0x4000  }
0xaf: {  	[sflag:s13] =	ssyncset.done $0x0  }
0xb0: {  	[sflag:s13] =	ssyncadd.s32 $0xFFFFC000  }
0xb1: {  	[spmem:s1] =	stream.indirect.scatter.add.f32 [tilespmem:s12], [sflag:$0x4], $0x10, s17, s9, $0xb8;
	[tilespmem:$0x11F10] =	vst v63  }
0xb2: {  	_ =	swait.ge [sflag:s14], $0x4000  }
0xb3: {  	[sflag:s14] =	ssyncset.done $0x0  }
0xb4: {  	[sflag:s14] =	ssyncadd.s32 $0xFFFFC000  }
0xb5: {  	[tilespmem:s10], [sflag:$0x1] =	stream.indirect.gather [spmem:s2], $0x10, s18, s9, $0xb8;
	[tilespmem:$0x11F10] =	vst v63  }
0xb6: {  	_ =	swait.ge [sflag:s11], $0x4000  }
0xb7: {  	[sflag:s11] =	ssyncset.done $0x0  }
0xb8: {  	[sflag:s11] =	ssyncadd.s32 $0xFFFFC000  }
0xb9: {  	[spmem:s1] =	stream.indirect.scatter.add.f32 [tilespmem:s10], [sflag:$0x3], $0x10, s19, s9, $0xb8;
	[tilespmem:$0x11F10] =	vst v63  }
0xba: {  	_ =	swait.ge [sflag:s15], $0x4000  }
0xbb: {  	[sflag:s15] =	ssyncset.done $0x0  }
0xbc: {  	[sflag:s15] =	ssyncadd.s32 $0xFFFFC000  }
0xbd: {  	[tilespmem:s12], [sflag:$0x2] =	stream.indirect.gather [spmem:s2], $0x10, s20, s9, $0xb8;
	[tilespmem:$0x11F10] =	vst v63  }
0xbe: {  	_ =	swait.ge [sflag:s13], $0x4000  }
0xbf: {  	[sflag:s13] =	ssyncset.done $0x0  }
0xc0: {  	[sflag:s13] =	ssyncadd.s32 $0xFFFFC000  }
0xc1: {  	[spmem:s1] =	stream.indirect.scatter.add.f32 [tilespmem:s12], [sflag:$0x4], $0x10, s21, s9, $0xb8;
	[tilespmem:$0x11F10] =	vst v63  }
0xc2: {  	_ =	swait.ge [sflag:s14], $0x4000  }
0xc3: {  	[sflag:s14] =	ssyncset.done $0x0  }
0xc4: {  	[sflag:s14] =	ssyncadd.s32 $0xFFFFC000  }
0xc5: {  	[tilespmem:s10], [sflag:$0x1] =	stream.indirect.gather [spmem:s2], $0x10, s22, s9, $0xb8;
	[tilespmem:$0x11F10] =	vst v63  }
0xc6: {  	_ =	swait.ge [sflag:s11], $0x4000  }
0xc7: {  	[sflag:s11] =	ssyncset.done $0x0  }
0xc8: {  	[sflag:s11] =	ssyncadd.s32 $0xFFFFC000  }
0xc9: {  	[spmem:s1] =	stream.indirect.scatter.add.f32 [tilespmem:s10], [sflag:$0x3], $0x10, s23, s9, $0xb8;
	[tilespmem:$0x11F10] =	vst v63  }
0xca: {  	_ =	swait.ge [sflag:s15], $0x4000  }
0xcb: {  	[sflag:s15] =	ssyncset.done $0x0  }
0xcc: {  	[sflag:s15] =	ssyncadd.s32 $0xFFFFC000  }
0xcd: {  	[tilespmem:s12], [sflag:$0x2] =	stream.indirect.gather [spmem:s2], $0x10, s24, s9, $0xb8;
	[tilespmem:$0x11F10] =	vst v63  }
0xce: {  	_ =	swait.ge [sflag:s13], $0x4000  }
0xcf: {  	[sflag:s13] =	ssyncset.done $0x0  }
0xd0: {  	[sflag:s13] =	ssyncadd.s32 $0xFFFFC000  }
0xd1: {  	[spmem:s1] =	stream.indirect.scatter.add.f32 [tilespmem:s12], [sflag:$0x4], $0x10, s25, s9, $0xb8;
	[tilespmem:$0x11F10] =	vst v63  }
0xd2: {  	_ =	swait.ge [sflag:s14], $0x4000  }
0xd3: {  	[sflag:s14] =	ssyncset.done $0x0  }
0xd4: {  	[sflag:s14] =	ssyncadd.s32 $0xFFFFC000  }
0xd5: {  	[tilespmem:s10], [sflag:$0x1] =	stream.indirect.gather [spmem:s2], $0x10, s26, s9, $0xb8;
	[tilespmem:$0x11F10] =	vst v63  }
0xd6: {  	_ =	swait.ge [sflag:s11], $0x4000  }
0xd7: {  	[sflag:s11] =	ssyncset.done $0x0  }
0xd8: {  	[sflag:s11] =	ssyncadd.s32 $0xFFFFC000  }
0xd9: {  	[spmem:s1] =	stream.indirect.scatter.add.f32 [tilespmem:s10], [sflag:$0x3], $0x10, s28, s9, $0xb8;
	[tilespmem:$0x11F10] =	vst v63  }
0xda: {  	_ =	swait.ge [sflag:s15], $0x4000  }
0xdb: {  	[sflag:s15] =	ssyncset.done $0x0  }
0xdc: {  	[sflag:s15] =	ssyncadd.s32 $0xFFFFC000  }
0xdd: {  	[tilespmem:s12], [sflag:$0x2] =	stream.indirect.gather [spmem:s2], $0x10, s29, s9, $0xb8;
	[tilespmem:$0x11F10] =	vst v63  }
0xde: {  	_ =	swait.ge [sflag:s13], $0x4000  }
0xdf: {  	[sflag:s13] =	ssyncset.done $0x0  }
0xe0: {  	[sflag:s13] =	ssyncadd.s32 $0xFFFFC000  }
0xe1: {  	[spmem:s1] =	stream.indirect.scatter.add.f32 [tilespmem:s12], [sflag:$0x4], $0x10, s30, s9, $0xb8;
	[tilespmem:$0x11F10] =	vst v63  }
0xe2: {  	_ =	swait.ge [sflag:s14], $0x4000  }
0xe3: {  	[sflag:s14] =	ssyncset.done $0x0  }
0xe4: {  	s31 =	sadd.s32 $0xFFFFFFFF, s31;
	[sflag:s14] =	ssyncadd.s32 $0xFFFFC000  }
0xe5: {  	p1 =	sne.s32 s31, $0x0;
	_ =	swait.ge [sflag:s15], $0x4000  }
.Ltmp1:
0xe6: {  	[sflag:s15] =	ssyncset.done $0x0;
	(pc) =	sbr.rel @p1 .LBB2_1-.Ltmp1, $4  }
0xe7: {  	[sflag:s15] =	ssyncadd.s32 $0xFFFFC000  }
0xe8: {  	[bflag:$0x0] =	sbarrier.arrive $0xFFFF  }
0xe9: {  	s16 =	rddreg [dreg:$0xa]  }
0xea: {  	[hbm:s16], [sflag:s4] =	dma.local [spmem:s6], $0x500  }
.LBB2_2:
0xeb: {  	_ =	swait.ge [sflag:s5], $0x500  }
0xec: {  	[sflag:s5] =	ssyncset.done $0x0  }
0xed: {  	[sflag:s5] =	ssyncadd.s32 $0xFFFFFB00  }
0xee: {  	_ =	sfence.sel $0x180000  }
0xef: {  	[bflag:$0x0] =	sbarrier.arrive $0xFFFF  }
0xf0: {  	_ =	strace $0x9000004A  }
0xf1: {  	[bflag:$0x2] =	sbarrier.arrive $0xFFFF  }
0xf2: {  	s0 =	rddreg [dreg:$0x4]  }
0xf3: {  	s0 =	sadd.s32 @!p0 $0x100000, s0  }
0xf4: {  	[sflag:s0] =	ssyncadd.tile.s32 @!p0 $0x1;
	_ =	shalt  }
.Lfunc_end2:
_tile_overlayer_lowered:
.L_overlay_start_2:
0xf5: {  	(tag) =	ssettag $0x2  }
0xf6: {  	s0 =	rddreg [dreg:$0x0];
	s2 =	stileid.u32  }
0xf7: {  	s1 =	rddreg [dreg:$0x1];
	p0 =	sne.s32 s2, $0x0  }
0xf8: {  	s3 =	rddreg [dreg:$0x2];
	[bflag:$0x3] =	sbarrier.arrive $0xFFFF;
	s2 =	simm.s32 @!p0 $0x1C05  }
0xf9: {  	[timem:s3], [sflag:s2] =	dma.local @!p0 [hbm:s0], s1  }
0xfa: {  	s0 =	simm.s32 @!p0 $0x5  }
0xfb: {  	_ =	swait.ge @!p0 [sflag:s0], s1  }
0xfc: {  	s1 =	ssub.s32 @!p0 $0x0, s1;
	[sflag:s0] =	ssyncset.done @!p0 $0x0  }
0xfd: {  	[sflag:s0] =	ssyncadd.s32 @!p0 s1  }
0xfe: {  	[bflag:$0x3] =	sbarrier.arrive $0xFFFF  }
0xff: {  	_ =	shalt  }

// kernel: kernel.16.cloned.1.call-start
scs
__scs_entry_jumppad:
0x0: {  	(pc) =	sbr.rel $0x88, $3  }
0x1: {  	(tag) =	ssettag $0x0;
	lr =	simm.s32 $0x1  }
0x2: {  	[smem:$0x3F9B] =	sst lr;
	_ =	strace $0xD0000000  }
0x3: {  	_ = 	snop  }
0x4: {  	_ = 	snop  }
0x5: {  	_ = 	snop  }
0x6: {  	_ = 	snop  }
0x7: {  	_ = 	snop  }
__scs_overlays_trampoline_lowered:
0x8: {  	[smem:$0x3FAA] =	sst s0  }
0x9: {  	[smem:$0x3FAB] =	sst s1  }
0xa: {  	[smem:$0x3FAC] =	sst s2  }
0xb: {  	[smem:$0x3FAD] =	sst s3  }
0xc: {  	[smem:$0x3FAE] =	sst s4  }
0xd: {  	[smem:$0x3FAF] =	sst s5  }
0xe: {  	[smem:$0x3FB0] =	sst s6  }
0xf: {  	[smem:$0x3FB1] =	sst s7  }
0x10: {  	[smem:$0x3FB2] =	sst s8  }
0x11: {  	[smem:$0x3FB3] =	sst s9;
	s0 =	simm.s32 @!p0 $0x0  }
0x12: {  	s1 =	sld [smem:$0x3F99];
	s0 =	simm.s32 @p0 $0x1  }
0x13: {  	[smem:$0x3FB4] =	sst s0;
	s0 =	simm.s32 @!p1 $0x0  }
0x14: {  	s2 =	sld [smem:$0x3F98];
	s0 =	simm.s32 @p1 $0x1  }
0x15: {  	[smem:$0x3FB5] =	sst s0;
	s0 =	simm.s32 @!p2 $0x0  }
0x16: {  	s3 =	sld [smem:$0x3FDB];
	s0 =	simm.s32 @p2 $0x1  }
0x17: {  	s4 =	simm.s32 $0x1BF5;
	[smem:$0x3FB7] =	sst s0  }
0x18: {  	s0 =	sld [smem:$0x3F9A];
	_ =	swait.ge [sflag:s4], $0x0  }
0x19: {  	s7 =	sld [smem:$0x3F9B]  }
0x1a: {  	s8 =	sadd.s32 $0xFFFFE003, lr  }
0x1b: {  	s9 =	sadd.s32 $0xFFFFFEF7, lr;
	s5 =	simm.s32 $0xFFFFFFFF;
	p2 =	slt.u32 s8, $0xFFFFF086  }
0x1c: {  	p1 =	slt.u32 s9, $0xF7A;
	s5 =	simm.s32 @!p2 $0x0  }
0x1d: {  	s5 =	simm.s32 @p1 $0x1;
	p0 =	seq.s32 s7, s2  }
0x1e: {  	s7 =	smul.u32 @!p0 $0xF7A, s2;
	p2 =	seq.s32 @!p0 s5, $0x0  }
0x1f: {  	s9 =	smul.u32 $0xF7A, s1;
	s8 =	simm.s32 @!p0 $0x1BF5;
	p2 =	por !p2, p0  }
0x20: {  	[sflag:s8] =	ssyncset.s32 @!p0 $0xFFFFF086;
	s6 =	sadd.s32 @!p0 s3, s7;
	s7 =	simm.s32 @!p0 $0x108  }
0x21: {  	s3 =	sadd.s32 s3, s9;
	s6 =	sadd.s32 @!p0 $0x88, s6;
	s7 =	simm.s32 @p2 $0x1082  }
0x22: {  	[simem:s7], [sflag:s8] =	dma.local @!p0 [hbm:s6], $0xF7A  }
0x23: {  	s9 =	sor.u32 $0xD0000000, s2;
	s6 =	simm.s32 $0x108;
	_ =	swait.ge @!p0 [sflag:s8], $0x0  }
0x24: {  	s3 =	sadd.s32 $0x88, s3;
	s6 =	simm.s32 @!p1 $0x1082;
	[sflag:s4] =	ssyncset.s32 $0xFFFFF086  }
0x25: {  	[simem:s6], [sflag:s4] =	dma.local [hbm:s3], $0xF7A  }
0x26: {  	[smem:$0x3F9B] =	sst s1;
	(tag) =	ssettag s2;
	_ =	strace s9  }
0x27: {  	s1 =	sld [smem:$0x3FAB]  }
0x28: {  	s2 =	sld [smem:$0x3FAC]  }
0x29: {  	s4 =	sld [smem:$0x3FAE]  }
0x2a: {  	p0 =	seq.s32 s5, $0x0;
	s5 =	sld [smem:$0x3FAF]  }
0x2b: {  	s6 =	sld [smem:$0x3FB0]  }
0x2c: {  	s7 =	sld [smem:$0x3FB1]  }
0x2d: {  	s3 =	simm.s32 $0x108;
	s8 =	sld [smem:$0x3FB2]  }
0x2e: {  	s3 =	simm.s32 @!p0 $0x1082;
	s9 =	sld [smem:$0x3FB3]  }
0x2f: {  	lr =	sadd.s32 s0, s3;
	s0 =	sld [smem:$0x3FAA]  }
0x30: {  	s3 =	sld [smem:$0x3FAD]  }
0x31: {  	[smem:$0x3FB6] =	sst s10  }
0x32: {  	s10 =	sld [smem:$0x3FB4];
	_ =	sdelay $0x3  }
0x33: {  	p0 =	seq.s32 s10, $0x1;
	s10 =	sld [smem:$0x3FB6];
	_ =	sdelay $0x3  }
0x34: {  	[smem:$0x3FB6] =	sst s10  }
0x35: {  	s10 =	sld [smem:$0x3FB5];
	_ =	sdelay $0x3  }
0x36: {  	p1 =	seq.s32 s10, $0x1;
	s10 =	sld [smem:$0x3FB6];
	_ =	sdelay $0x3  }
0x37: {  	[smem:$0x3FB6] =	sst s10  }
0x38: {  	s10 =	sld [smem:$0x3FB7]  }
0x39: {  	_ = 	snop;
	(pc) =	sbr.ind lr, $3  }
0x3a: {  	_ = 	snop  }
0x3b: {  	_ = 	snop  }
0x3c: {  	p2 =	seq.s32 s10, $0x1;
	s10 =	sld [smem:$0x3FB6]  }
0x3d: {  	_ =	shalt  }
0x3e: {  	_ =	shalt  }
0x3f: {  	_ =	shalt  }
0x40: {  	_ =	shalt  }
0x41: {  	_ =	shalt  }
0x42: {  	_ =	shalt  }
0x43: {  	_ =	shalt  }
0x44: {  	_ =	shalt  }
0x45: {  	_ =	shalt  }
0x46: {  	_ =	shalt  }
0x47: {  	_ =	shalt  }
0x48: {  	_ =	shalt  }
0x49: {  	_ =	shalt  }
0x4a: {  	_ =	shalt  }
0x4b: {  	_ =	shalt  }
0x4c: {  	_ =	shalt  }
0x4d: {  	_ =	shalt  }
0x4e: {  	_ =	shalt  }
0x4f: {  	_ =	shalt  }
0x50: {  	_ =	shalt  }
0x51: {  	_ =	shalt  }
0x52: {  	_ =	shalt  }
0x53: {  	_ =	shalt  }
0x54: {  	_ =	shalt  }
0x55: {  	_ =	shalt  }
0x56: {  	_ =	shalt  }
0x57: {  	_ =	shalt  }
0x58: {  	_ =	shalt  }
0x59: {  	_ =	shalt  }
0x5a: {  	_ =	shalt  }
0x5b: {  	_ =	shalt  }
0x5c: {  	_ =	shalt  }
0x5d: {  	_ =	shalt  }
0x5e: {  	_ =	shalt  }
0x5f: {  	_ =	shalt  }
0x60: {  	_ =	shalt  }
0x61: {  	_ =	shalt  }
0x62: {  	_ =	shalt  }
0x63: {  	_ =	shalt  }
0x64: {  	_ =	shalt  }
0x65: {  	_ =	shalt  }
0x66: {  	_ =	shalt  }
0x67: {  	_ =	shalt  }
0x68: {  	_ =	shalt  }
0x69: {  	_ =	shalt  }
0x6a: {  	_ =	shalt  }
0x6b: {  	_ =	shalt  }
0x6c: {  	_ =	shalt  }
0x6d: {  	_ =	shalt  }
0x6e: {  	_ =	shalt  }
0x6f: {  	_ =	shalt  }
0x70: {  	_ =	shalt  }
0x71: {  	_ =	shalt  }
0x72: {  	_ =	shalt  }
0x73: {  	_ =	shalt  }
0x74: {  	_ =	shalt  }
0x75: {  	_ =	shalt  }
0x76: {  	_ =	shalt  }
0x77: {  	_ =	shalt  }
0x78: {  	_ =	shalt  }
0x79: {  	_ =	shalt  }
0x7a: {  	_ =	shalt  }
0x7b: {  	_ =	shalt  }
0x7c: {  	_ =	shalt  }
0x7d: {  	_ =	shalt  }
0x7e: {  	_ =	shalt  }
0x7f: {  	_ =	shalt  }
0x80: {  	_ =	shalt  }
0x81: {  	_ =	shalt  }
0x82: {  	_ =	shalt  }
0x83: {  	_ =	shalt  }
0x84: {  	_ =	shalt  }
0x85: {  	_ =	shalt  }
0x86: {  	_ =	shalt  }
0x87: {  	_ =	shalt  }
.Lfunc_end0:
.L_simem_size_0:
called_computation.2_lowered:
.L_overlay_start_0:
0x88: {  	s2 =	sld [smem:$0x3FD9]  }
0x89: {  	s3 =	sld [smem:$0x3FFE];
	_ =	sdelay $0x1  }
0x8a: {  	s1 =	srdreg.scid  }
0x8b: {  	s0 =	sand.u32 $0x1, s1  }
0x8c: {  	s17 =	sshll.u32 s0, $0xA;
	s2 =	sadd.s32 s3, s2  }
0x8d: {  	s2 =	sadd.s32 s2, s17  }
0x8e: {  	[smem:$0x3FC2] =	sst s2  }
0x8f: {  	_ = 	snop  }
0x90: {  	s2 =	sld [smem:$0x3FD0];
	(tm) =	ssettm $0x1  }
0x91: {  	s18 =	sld [smem:$0x3FFB];
	_ =	sdelay $0x3  }
0x92: {  	_ =	strace s18  }
0x93: {  	s3 =	sld [smem:$0x3FFC];
	_ =	sdelay $0x3  }
0x94: {  	_ =	strace s3  }
0x95: {  	s3 =	sld [smem:$0x3FFD];
	_ =	sdelay $0x3  }
0x96: {  	_ =	strace s3  }
0x97: {  	_ =	strace $0x8FFFFFFF  }
0x98: {  	s19 =	sld [smem:$0x3FDB];
	_ =	sdelay $0x1  }
0x99: {  	s4 =	simm.s32 $_scs_section_size  }
0x9a: {  	s5 =	simm.s32 $_size__tile_overlayer_lowered;
	s6 =	simm.s32 $_tile_overlayer_lowered  }
0x9b: {  	s22 =	simm.s32 $0x1BFF;
	s21 =	sshll.u32 s6, $0x1;
	s3 =	sadd.s32 s4, s19  }
0x9c: {  	s7 =	simm.s32 $0x0;
	s20 =	sshll.u32 s5, $0x1;
	s5 =	sadd.s32 s21, s3  }
0x9d: {  	[timem:s7], [sflag:s22] =	dma.local [hbm:s5], s20  }
0x9e: {  	_ =	swait.ge [sflag:s22], s20  }
0x9f: {  	s4 =	ssub.s32 $0x0, s20;
	[sflag:s22] =	ssyncset.done $0x0  }
0xa0: {  	[sflag:s22] =	ssyncadd.s32 s4;
	_ =	sdelay $0x1  }
0xa1: {  	s23 =	simm.s32 $0x1B8B  }
0xa2: {  	_ =	swait.ge [sflag:s23], $0x1  }
0xa3: {  	[sflag:s23] =	ssyncset.done $0x0  }
0xa4: {  	s25 =	simm.s32 $0x1B8E;
	s24 =	sld [smem:$0x3FFE];
	[sflag:s23] =	ssyncadd.s32 $0xFFFFFFFF  }
0xa5: {  	s26 =	simm.s32 $execute0_lowered;
	[smem:$0x3FD2] =	sst s25  }
0xa6: {  	s5 =	sshll.u32 s26, $0x1;
	_ =	strace $0x8000004C;
	[dreg:$0x1] =	wrdreg $0xFFFFFFFF  }
0xa7: {  	s28 =	simm.s32 $_size_execute0_lowered;
	s3 =	sadd.s32 s3, s5;
	[dreg:$0x0] =	wrdreg $0x0  }
0xa8: {  	s5 =	sshll.u32 s28, $0x1;
	[dreg:$0x2] =	wrdreg s3  }
0xa9: {  	[dreg:$0x3] =	wrdreg s5  }
0xaa: {  	[dreg:$0x4] =	wrdreg $0xC0  }
0xab: {  	_ =	task [dreg:s7], $0x5FFFF  }
0xac: {  	[dreg:$0x1] =	wrdreg $0xFFFFFFFF  }
0xad: {  	[dreg:$0x0] =	wrdreg $0x60  }
0xae: {  	[dreg:$0x2] =	wrdreg s24  }
0xaf: {  	[dreg:$0x3] =	wrdreg s2  }
0xb0: {  	[dreg:$0x4] =	wrdreg $0xD0000  }
0xb1: {  	[dreg:$0x5] =	wrdreg $0xF8000  }
0xb2: {  	[dreg:$0x6] =	wrdreg $0x9  }
0xb3: {  	_ =	task.clear_ibuf [dreg:s7], $0x7FFFF;
	_ =	strace $0x9000004C  }
0xb4: {  	s29 =	simm.s32 $0x9;
	_ =	strace $0x8000004E  }
0xb5: {  	_ =	swait.ge [sflag:s29], $0x1  }
0xb6: {  	[sflag:s29] =	ssyncadd.s32 $0xFFFFFFFF  }
0xb7: {  	_ =	strace $0x9000004E  }
0xb8: {  	_ =	sfence  }
0xb9: {  	s30 =	sld [smem:$0x0];
	_ =	sdelay $0x2  }
0xba: {  	s31 =	sshll.u32 s1, $0xD;
	s1 =	sshrl.u32 s1, $0x2  }
0xbb: {  	s3 =	sand.u32 $0x4000, s31;
	s1 =	sadd.s32 s1, s30  }
0xbc: {  	s0 =	sor.u32 s3, s0;
	s1 =	sshll.u32 s1, $0x11  }
0xbd: {  	s0 =	sor.u32 s1, s0  }
0xbe: {  	s0 =	sadd.s32 $0x8F2B, s0  }
0xbf: {  	[sflag:s0] =	ssyncadd.remote.s32 $0x1  }
0xc0: {  	_ =	sfence.sel $0xFFFF  }
0xc1: {  	[dreg:$0x0] =	wrdreg $0xFFFFFFFF;
	(pc) =	sbr.abs _section_cstart, $3  }
0xc2: {  	[dreg:$0x1] =	wrdreg $0xFFFFFFFF  }
0xc3: {  	_ =	task.clear_ibuf [dreg:s7], $0x2FFFF;
	_ =	strace $0x9FFFFFFF  }
0xc4: {  	(tm) =	ssettm $0x7FFFFFFF  }
0xc5: {  	_ =	shalt  }
tec
execute0_lowered:
.L_overlay_start_1:
0x0: {  	(tag) =	ssettag $0x1  }
0x1: {  	s4 =	rddreg [dreg:$0x0]  }
0x2: {  	s5 =	rddreg [dreg:$0x1]  }
0x3: {  	s1 =	rddreg [dreg:$0x2]  }
0x4: {  	s2 =	rddreg [dreg:$0x3]  }
0x5: {  	s3 =	simm.s32 $0x0;
	s6 =	srdreg.scid;
	s7 =	stileid.u32  }
0x6: {  	s16 =	simm.s32 $0x2C00;
	s19 =	simm.s32 $0x800;
	s21 =	simm.s32 $0x3000  }
0x7: {  	s31 =	sand.u32 $0x1, s6;
	s25 =	sshll.u32 s7, $0x1;
	[smem:$0x7FF] =	sst s3  }
0x8: {  	s8 =	smul.u32 $0x2800, s7;
	_ =	strace $0x8000004D;
	[dreg:$0xd] =	wrdreg s16  }
0x9: {  	s9 =	smul.u32 $0x2700, s7;
	p0 =	sne.s32 s7, $0x0;
	[dreg:$0xe] =	wrdreg s19  }
0xa: {  	s6 =	sor.u32 s31, s25;
	s12 =	smul.u32 $0x28000, s31;
	[dreg:$0xf] =	wrdreg s21  }
0xb: {  	s10 =	sshrl.u32 s8, $0x3;
	s11 =	sshrl.u32 s9, $0x3;
	s9 =	sadd.s32 s9, s2  }
0xc: {  	s6 =	smul.u32 $0x500, s6;
	s10 =	sadd.s32 s10, s4;
	s15 =	sshrl.u32 s9, $0x3  }
0xd: {  	s11 =	sadd.s32 s11, s4;
	s10 =	sadd.s32 $0x7800, s10;
	[dreg:$0xb] =	wrdreg s15  }
0xe: {  	s12 =	sadd.s32 s8, s12;
	s26 =	sadd.s32 $0x2800, s11;
	[dreg:$0x5] =	wrdreg s10  }
0xf: {  	s0 =	sshrl.u32 s12, $0x3;
	s12 =	sadd.s32 $0x7600, s4;
	[dreg:$0x6] =	wrdreg s26  }
0x10: {  	s13 =	sadd.s32 s6, s4;
	s5 =	sadd.s32 s5, s6;
	[dreg:$0x7] =	wrdreg s12  }
0x11: {  	s18 =	sshll.u32 s7, $0x6;
	s14 =	sadd.s32 $0xD800, s13;
	[dreg:$0x9] =	wrdreg s5  }
0x12: {  	s17 =	sadd.s32 s8, s1;
	s4 =	sadd.s32 s0, s4;
	[dreg:$0x8] =	wrdreg s14  }
0x13: {  	s6 =	sadd.s32 $0x27000, s2;
	s4 =	sadd.s32 $0x3EA00, s4;
	s20 =	rddreg [dreg:$0x5]  }
0x14: {  	s5 =	simm.s32 $0x5;
	[dreg:$0xa] =	wrdreg s4;
	s4 =	sshrl.u32 @!p0 s6, $0x3  }
0x15: {  	s6 =	sshrl.u32 s17, $0x3;
	[dreg:$0xc] =	wrdreg s4;
	s4 =	sor.u32 $0x1C05, s18  }
0x16: {  	[spmem:s6], [sflag:s4] =	dma.local [hbm:s20], $0x500  }
0x17: {  	_ =	swait.ge [sflag:s5], $0x500  }
0x18: {  	s22 =	rddreg [dreg:$0x6];
	[sflag:s5] =	ssyncset.done $0x0  }
0x19: {  	s23 =	rddreg [dreg:$0xb];
	[sflag:s5] =	ssyncadd.s32 $0xFFFFFB00  }
0x1a: {  	[spmem:s23], [sflag:s4] =	dma.local [hbm:s22], $0x4E0  }
0x1b: {  	_ =	swait.ge [sflag:s5], $0x4E0  }
0x1c: {  	s8 =	rddreg [dreg:$0x7];
	[sflag:s5] =	ssyncset.done $0x0  }
0x1d: {  	s7 =	simm.s32 @!p0 $0x5;
	s9 =	rddreg [dreg:$0xc];
	[sflag:s5] =	ssyncadd.s32 $0xFFFFFB20  }
0x1e: {  	[spmem:s9], [sflag:s4] =	dma.local @!p0 [hbm:s8], $0x20  }
0x1f: {  	_ =	swait.ge @!p0 [sflag:s7], $0x20  }
0x20: {  	[sflag:s7] =	ssyncset.done @!p0 $0x0  }
0x21: {  	s24 =	rddreg [dreg:$0x8];
	[sflag:s7] =	ssyncadd.s32 @!p0 $0xFFFFFFE0  }
0x22: {  	[tilespmem:s3], [sflag:$0x5] =	stream.linear.gather [hbm4b:s24+s3], $0x2800, $0x38;
	[tilespmem:$0x11F10] =	vst v63  }
0x23: {  	_ =	swait.ge [sflag:s5], $0x2800  }
0x24: {  	[sflag:s5] =	ssyncset.done $0x0  }
0x25: {  	s8 =	simm.s32 $0x2800;
	s25 =	rddreg [dreg:$0x9];
	[sflag:s5] =	ssyncadd.s32 $0xFFFFD800  }
0x26: {  	[tilespmem:s8], [sflag:$0x5] =	stream.linear.gather [hbm4b:s25+s3], $0x2800, $0x38;
	[tilespmem:$0x11F10] =	vst v63  }
0x27: {  	_ =	swait.ge [sflag:s5], $0x2800  }
0x28: {  	[sflag:s5] =	ssyncset.done $0x0  }
0x29: {  	s11 =	simm.s32 $0x1;
	[sflag:s5] =	ssyncadd.s32 $0xFFFFD800  }
0x2a: {  	s10 =	simm.s32 $0x5000;
	s9 =	simm.s32 $0x400;
	[bflag:$0x0] =	sbarrier.arrive $0xFFFF  }
0x2b: {  	[tilespmem:s10], [sflag:$0x1] =	stream.indirect.gather [spmem:s2], $0x10, s3, s9, $0xb8;
	[tilespmem:$0x11F10] =	vst v63  }
0x2c: {  	_ =	swait.ge [sflag:s11], $0x4000  }
0x2d: {  	[sflag:s11] =	ssyncset.done $0x0  }
0x2e: {  	[sflag:s11] =	ssyncadd.s32 $0xFFFFC000  }
0x2f: {  	[spmem:s1] =	stream.indirect.scatter.add.f32 [tilespmem:s10], [sflag:$0x3], $0x10, s8, s9, $0xb8;
	[tilespmem:$0x11F10] =	vst v63  }
0x30: {  	s12 =	simm.s32 $0x9000;
	s13 =	simm.s32 $0x2  }
0x31: {  	[tilespmem:s12], [sflag:$0x2] =	stream.indirect.gather [spmem:s2], $0x10, s9, s9, $0xb8;
	[tilespmem:$0x11F10] =	vst v63  }
0x32: {  	_ =	swait.ge [sflag:s13], $0x4000  }
0x33: {  	[sflag:s13] =	ssyncset.done $0x0  }
0x34: {  	s14 =	simm.s32 $0x3;
	s15 =	rddreg [dreg:$0xd];
	[sflag:s13] =	ssyncadd.s32 $0xFFFFC000  }
0x35: {  	[spmem:s1] =	stream.indirect.scatter.add.f32 [tilespmem:s12], [sflag:$0x4], $0x10, s15, s9, $0xb8;
	[tilespmem:$0x11F10] =	vst v63  }
0x36: {  	_ =	swait.ge [sflag:s14], $0x4000  }
0x37: {  	[sflag:s14] =	ssyncset.done $0x0  }
0x38: {  	s26 =	rddreg [dreg:$0xe];
	[sflag:s14] =	ssyncadd.s32 $0xFFFFC000  }
0x39: {  	[tilespmem:s10], [sflag:$0x1] =	stream.indirect.gather [spmem:s2], $0x10, s26, s9, $0xb8;
	[tilespmem:$0x11F10] =	vst v63  }
0x3a: {  	_ =	swait.ge [sflag:s11], $0x4000  }
0x3b: {  	[sflag:s11] =	ssyncset.done $0x0  }
0x3c: {  	s15 =	simm.s32 $0x4;
	s16 =	rddreg [dreg:$0xf];
	[sflag:s11] =	ssyncadd.s32 $0xFFFFC000  }
0x3d: {  	[spmem:s1] =	stream.indirect.scatter.add.f32 [tilespmem:s10], [sflag:$0x3], $0x10, s16, s9, $0xb8;
	[tilespmem:$0x11F10] =	vst v63  }
0x3e: {  	_ =	swait.ge [sflag:s15], $0x4000  }
0x3f: {  	[sflag:s15] =	ssyncset.done $0x0  }
0x40: {  	s0 =	simm.s32 $0xC00;
	[sflag:s15] =	ssyncadd.s32 $0xFFFFC000  }
0x41: {  	[tilespmem:s12], [sflag:$0x2] =	stream.indirect.gather [spmem:s2], $0x10, s0, s9, $0xb8;
	[tilespmem:$0x11F10] =	vst v63  }
0x42: {  	_ =	swait.ge [sflag:s13], $0x4000  }
0x43: {  	[sflag:s13] =	ssyncset.done $0x0  }
0x44: {  	s17 =	simm.s32 $0x3400;
	[sflag:s13] =	ssyncadd.s32 $0xFFFFC000  }
0x45: {  	[spmem:s1] =	stream.indirect.scatter.add.f32 [tilespmem:s12], [sflag:$0x4], $0x10, s17, s9, $0xb8;
	[tilespmem:$0x11F10] =	vst v63  }
0x46: {  	_ =	swait.ge [sflag:s14], $0x4000  }
0x47: {  	[sflag:s14] =	ssyncset.done $0x0  }
0x48: {  	s18 =	simm.s32 $0x1000;
	[sflag:s14] =	ssyncadd.s32 $0xFFFFC000  }
0x49: {  	[tilespmem:s10], [sflag:$0x1] =	stream.indirect.gather [spmem:s2], $0x10, s18, s9, $0xb8;
	[tilespmem:$0x11F10] =	vst v63  }
0x4a: {  	_ =	swait.ge [sflag:s11], $0x4000  }
0x4b: {  	[sflag:s11] =	ssyncset.done $0x0  }
0x4c: {  	s19 =	simm.s32 $0x3800;
	[sflag:s11] =	ssyncadd.s32 $0xFFFFC000  }
0x4d: {  	[spmem:s1] =	stream.indirect.scatter.add.f32 [tilespmem:s10], [sflag:$0x3], $0x10, s19, s9, $0xb8;
	[tilespmem:$0x11F10] =	vst v63  }
0x4e: {  	_ =	swait.ge [sflag:s15], $0x4000  }
0x4f: {  	[sflag:s15] =	ssyncset.done $0x0  }
0x50: {  	s20 =	simm.s32 $0x1400;
	[sflag:s15] =	ssyncadd.s32 $0xFFFFC000  }
0x51: {  	[tilespmem:s12], [sflag:$0x2] =	stream.indirect.gather [spmem:s2], $0x10, s20, s9, $0xb8;
	[tilespmem:$0x11F10] =	vst v63  }
0x52: {  	_ =	swait.ge [sflag:s13], $0x4000  }
0x53: {  	[sflag:s13] =	ssyncset.done $0x0  }
0x54: {  	s21 =	simm.s32 $0x3C00;
	[sflag:s13] =	ssyncadd.s32 $0xFFFFC000  }
0x55: {  	[spmem:s1] =	stream.indirect.scatter.add.f32 [tilespmem:s12], [sflag:$0x4], $0x10, s21, s9, $0xb8;
	[tilespmem:$0x11F10] =	vst v63  }
0x56: {  	_ =	swait.ge [sflag:s14], $0x4000  }
0x57: {  	[sflag:s14] =	ssyncset.done $0x0  }
0x58: {  	s22 =	simm.s32 $0x1800;
	[sflag:s14] =	ssyncadd.s32 $0xFFFFC000  }
0x59: {  	[tilespmem:s10], [sflag:$0x1] =	stream.indirect.gather [spmem:s2], $0x10, s22, s9, $0xb8;
	[tilespmem:$0x11F10] =	vst v63  }
0x5a: {  	_ =	swait.ge [sflag:s11], $0x4000  }
0x5b: {  	[sflag:s11] =	ssyncset.done $0x0  }
0x5c: {  	s23 =	simm.s32 $0x4000;
	[sflag:s11] =	ssyncadd.s32 $0xFFFFC000  }
0x5d: {  	[spmem:s1] =	stream.indirect.scatter.add.f32 [tilespmem:s10], [sflag:$0x3], $0x10, s23, s9, $0xb8;
	[tilespmem:$0x11F10] =	vst v63  }
0x5e: {  	_ =	swait.ge [sflag:s15], $0x4000  }
0x5f: {  	[sflag:s15] =	ssyncset.done $0x0  }
0x60: {  	s24 =	simm.s32 $0x1C00;
	[sflag:s15] =	ssyncadd.s32 $0xFFFFC000  }
0x61: {  	[tilespmem:s12], [sflag:$0x2] =	stream.indirect.gather [spmem:s2], $0x10, s24, s9, $0xb8;
	[tilespmem:$0x11F10] =	vst v63  }
0x62: {  	_ =	swait.ge [sflag:s13], $0x4000  }
0x63: {  	[sflag:s13] =	ssyncset.done $0x0  }
0x64: {  	s25 =	simm.s32 $0x4400;
	[sflag:s13] =	ssyncadd.s32 $0xFFFFC000  }
0x65: {  	[spmem:s1] =	stream.indirect.scatter.add.f32 [tilespmem:s12], [sflag:$0x4], $0x10, s25, s9, $0xb8;
	[tilespmem:$0x11F10] =	vst v63  }
0x66: {  	_ =	swait.ge [sflag:s14], $0x4000  }
0x67: {  	[sflag:s14] =	ssyncset.done $0x0  }
0x68: {  	s26 =	simm.s32 $0x2000;
	[sflag:s14] =	ssyncadd.s32 $0xFFFFC000  }
0x69: {  	[tilespmem:s10], [sflag:$0x1] =	stream.indirect.gather [spmem:s2], $0x10, s26, s9, $0xb8;
	[tilespmem:$0x11F10] =	vst v63  }
0x6a: {  	_ =	swait.ge [sflag:s11], $0x4000  }
0x6b: {  	[sflag:s11] =	ssyncset.done $0x0  }
0x6c: {  	s28 =	simm.s32 $0x4800;
	[sflag:s11] =	ssyncadd.s32 $0xFFFFC000  }
0x6d: {  	[spmem:s1] =	stream.indirect.scatter.add.f32 [tilespmem:s10], [sflag:$0x3], $0x10, s28, s9, $0xb8;
	[tilespmem:$0x11F10] =	vst v63  }
0x6e: {  	_ =	swait.ge [sflag:s15], $0x4000  }
0x6f: {  	[sflag:s15] =	ssyncset.done $0x0  }
0x70: {  	s29 =	simm.s32 $0x2400;
	[sflag:s15] =	ssyncadd.s32 $0xFFFFC000  }
0x71: {  	[tilespmem:s12], [sflag:$0x2] =	stream.indirect.gather [spmem:s2], $0x10, s29, s9, $0xb8;
	[tilespmem:$0x11F10] =	vst v63  }
0x72: {  	_ =	swait.ge [sflag:s13], $0x4000  }
0x73: {  	s31 =	ssub.s32 $0x2, s31;
	[sflag:s13] =	ssyncset.done $0x0  }
0x74: {  	s30 =	simm.s32 $0x4C00;
	s0 =	sshrl.u32 s31, $0x1;
	[sflag:s13] =	ssyncadd.s32 $0xFFFFC000  }
0x75: {  	[spmem:s1] =	stream.indirect.scatter.add.f32 [tilespmem:s12], [sflag:$0x4], $0x10, s30, s9, $0xb8;
	[tilespmem:$0x11F10] =	vst v63  }
0x76: {  	s0 =	ssub.s32 s31, s0;
	_ =	swait.ge [sflag:s14], $0x4000  }
0x77: {  	s0 =	smax.u32 s0, $0x1;
	[sflag:s14] =	ssyncset.done $0x0  }
0x78: {  	s31 =	sadd.s32 $0xFFFFFFFF, s0;
	[sflag:s14] =	ssyncadd.s32 $0xFFFFC000  }
0x79: {  	p1 =	sne.s32 s31, $0x0;
	_ =	swait.ge [sflag:s15], $0x4000  }
.Ltmp0:
0x7a: {  	[sflag:s15] =	ssyncset.done $0x0;
	(pc) =	sbr.rel @!p1 .LBB2_2-.Ltmp0, $4  }
0x7b: {  	[sflag:s15] =	ssyncadd.s32 $0xFFFFC000  }
0x7c: {  	[bflag:$0x0] =	sbarrier.arrive $0xFFFF  }
0x7d: {  	s16 =	rddreg [dreg:$0xa]  }
0x7e: {  	[hbm:s16], [sflag:s4] =	dma.local [spmem:s6], $0x500  }
.LBB2_1:
0x7f: {  	_ =	swait.ge [sflag:s5], $0x500  }
0x80: {  	[sflag:s5] =	ssyncset.done $0x0  }
0x81: {  	s0 =	rddreg [dreg:$0x5];
	[sflag:s5] =	ssyncadd.s32 $0xFFFFFB00  }
0x82: {  	[spmem:s6], [sflag:s4] =	dma.local [hbm:s0], $0x500  }
0x83: {  	_ =	swait.ge [sflag:s5], $0x500  }
0x84: {  	[sflag:s5] =	ssyncset.done $0x0;
	s0 =	rddreg [dreg:$0x6]  }
0x85: {  	s16 =	rddreg [dreg:$0xb];
	[sflag:s5] =	ssyncadd.s32 $0xFFFFFB00  }
0x86: {  	[spmem:s16], [sflag:s4] =	dma.local [hbm:s0], $0x4E0  }
0x87: {  	_ =	swait.ge [sflag:s5], $0x4E0  }
0x88: {  	[sflag:s5] =	ssyncset.done $0x0;
	s0 =	rddreg [dreg:$0x7]  }
0x89: {  	s16 =	rddreg [dreg:$0xc];
	[sflag:s5] =	ssyncadd.s32 $0xFFFFFB20  }
0x8a: {  	[spmem:s16], [sflag:s4] =	dma.local @!p0 [hbm:s0], $0x20  }
0x8b: {  	_ =	swait.ge @!p0 [sflag:s7], $0x20  }
0x8c: {  	[sflag:s7] =	ssyncset.done @!p0 $0x0  }
0x8d: {  	s16 =	rddreg [dreg:$0x8];
	[sflag:s7] =	ssyncadd.s32 @!p0 $0xFFFFFFE0  }
0x8e: {  	[tilespmem:s3], [sflag:$0x5] =	stream.linear.gather [hbm4b:s16+s3], $0x2800, $0x38;
	[tilespmem:$0x11F10] =	vst v63  }
0x8f: {  	_ =	swait.ge [sflag:s5], $0x2800  }
0x90: {  	[sflag:s5] =	ssyncset.done $0x0  }
0x91: {  	s16 =	rddreg [dreg:$0x9];
	[sflag:s5] =	ssyncadd.s32 $0xFFFFD800  }
0x92: {  	[tilespmem:s8], [sflag:$0x5] =	stream.linear.gather [hbm4b:s16+s3], $0x2800, $0x38;
	[tilespmem:$0x11F10] =	vst v63  }
0x93: {  	_ =	swait.ge [sflag:s5], $0x2800  }
0x94: {  	[sflag:s5] =	ssyncset.done $0x0  }
0x95: {  	[sflag:s5] =	ssyncadd.s32 $0xFFFFD800  }
0x96: {  	[bflag:$0x0] =	sbarrier.arrive $0xFFFF  }
0x97: {  	[tilespmem:s10], [sflag:$0x1] =	stream.indirect.gather [spmem:s2], $0x10, s3, s9, $0xb8;
	[tilespmem:$0x11F10] =	vst v63  }
0x98: {  	_ =	swait.ge [sflag:s11], $0x4000  }
0x99: {  	[sflag:s11] =	ssyncset.done $0x0  }
0x9a: {  	[sflag:s11] =	ssyncadd.s32 $0xFFFFC000  }
0x9b: {  	[spmem:s1] =	stream.indirect.scatter.add.f32 [tilespmem:s10], [sflag:$0x3], $0x10, s8, s9, $0xb8;
	[tilespmem:$0x11F10] =	vst v63  }
0x9c: {  	_ = 	snop  }
0x9d: {  	[tilespmem:s12], [sflag:$0x2] =	stream.indirect.gather [spmem:s2], $0x10, s9, s9, $0xb8;
	[tilespmem:$0x11F10] =	vst v63  }
0x9e: {  	_ =	swait.ge [sflag:s13], $0x4000  }
0x9f: {  	[sflag:s13] =	ssyncset.done $0x0  }
0xa0: {  	s16 =	rddreg [dreg:$0xd];
	[sflag:s13] =	ssyncadd.s32 $0xFFFFC000  }
0xa1: {  	[spmem:s1] =	stream.indirect.scatter.add.f32 [tilespmem:s12], [sflag:$0x4], $0x10, s16, s9, $0xb8;
	[tilespmem:$0x11F10] =	vst v63  }
0xa2: {  	_ =	swait.ge [sflag:s14], $0x4000  }
0xa3: {  	[sflag:s14] =	ssyncset.done $0x0  }
0xa4: {  	s16 =	rddreg [dreg:$0xe];
	[sflag:s14] =	ssyncadd.s32 $0xFFFFC000  }
0xa5: {  	[tilespmem:s10], [sflag:$0x1] =	stream.indirect.gather [spmem:s2], $0x10, s16, s9, $0xb8;
	[tilespmem:$0x11F10] =	vst v63  }
0xa6: {  	_ =	swait.ge [sflag:s11], $0x4000  }
0xa7: {  	[sflag:s11] =	ssyncset.done $0x0  }
0xa8: {  	s16 =	rddreg [dreg:$0xf];
	[sflag:s11] =	ssyncadd.s32 $0xFFFFC000  }
0xa9: {  	[spmem:s1] =	stream.indirect.scatter.add.f32 [tilespmem:s10], [sflag:$0x3], $0x10, s16, s9, $0xb8;
	[tilespmem:$0x11F10] =	vst v63  }
0xaa: {  	_ =	swait.ge [sflag:s15], $0x4000  }
0xab: {  	[sflag:s15] =	ssyncset.done $0x0  }
0xac: {  	s16 =	simm.s32 $0xC00;
	[sflag:s15] =	ssyncadd.s32 $0xFFFFC000  }
0xad: {  	[tilespmem:s12], [sflag:$0x2] =	stream.indirect.gather [spmem:s2], $0x10, s16, s9, $0xb8;
	[tilespmem:$0x11F10] =	vst v63  }
0xae: {  	_ =	swait.ge [sflag:s13], $0x4000  }
0xaf: {  	[sflag:s13] =	ssyncset.done $0x0  }
0xb0: {  	[sflag:s13] =	ssyncadd.s32 $0xFFFFC000  }
0xb1: {  	[spmem:s1] =	stream.indirect.scatter.add.f32 [tilespmem:s12], [sflag:$0x4], $0x10, s17, s9, $0xb8;
	[tilespmem:$0x11F10] =	vst v63  }
0xb2: {  	_ =	swait.ge [sflag:s14], $0x4000  }
0xb3: {  	[sflag:s14] =	ssyncset.done $0x0  }
0xb4: {  	[sflag:s14] =	ssyncadd.s32 $0xFFFFC000  }
0xb5: {  	[tilespmem:s10], [sflag:$0x1] =	stream.indirect.gather [spmem:s2], $0x10, s18, s9, $0xb8;
	[tilespmem:$0x11F10] =	vst v63  }
0xb6: {  	_ =	swait.ge [sflag:s11], $0x4000  }
0xb7: {  	[sflag:s11] =	ssyncset.done $0x0  }
0xb8: {  	[sflag:s11] =	ssyncadd.s32 $0xFFFFC000  }
0xb9: {  	[spmem:s1] =	stream.indirect.scatter.add.f32 [tilespmem:s10], [sflag:$0x3], $0x10, s19, s9, $0xb8;
	[tilespmem:$0x11F10] =	vst v63  }
0xba: {  	_ =	swait.ge [sflag:s15], $0x4000  }
0xbb: {  	[sflag:s15] =	ssyncset.done $0x0  }
0xbc: {  	[sflag:s15] =	ssyncadd.s32 $0xFFFFC000  }
0xbd: {  	[tilespmem:s12], [sflag:$0x2] =	stream.indirect.gather [spmem:s2], $0x10, s20, s9, $0xb8;
	[tilespmem:$0x11F10] =	vst v63  }
0xbe: {  	_ =	swait.ge [sflag:s13], $0x4000  }
0xbf: {  	[sflag:s13] =	ssyncset.done $0x0  }
0xc0: {  	[sflag:s13] =	ssyncadd.s32 $0xFFFFC000  }
0xc1: {  	[spmem:s1] =	stream.indirect.scatter.add.f32 [tilespmem:s12], [sflag:$0x4], $0x10, s21, s9, $0xb8;
	[tilespmem:$0x11F10] =	vst v63  }
0xc2: {  	_ =	swait.ge [sflag:s14], $0x4000  }
0xc3: {  	[sflag:s14] =	ssyncset.done $0x0  }
0xc4: {  	[sflag:s14] =	ssyncadd.s32 $0xFFFFC000  }
0xc5: {  	[tilespmem:s10], [sflag:$0x1] =	stream.indirect.gather [spmem:s2], $0x10, s22, s9, $0xb8;
	[tilespmem:$0x11F10] =	vst v63  }
0xc6: {  	_ =	swait.ge [sflag:s11], $0x4000  }
0xc7: {  	[sflag:s11] =	ssyncset.done $0x0  }
0xc8: {  	[sflag:s11] =	ssyncadd.s32 $0xFFFFC000  }
0xc9: {  	[spmem:s1] =	stream.indirect.scatter.add.f32 [tilespmem:s10], [sflag:$0x3], $0x10, s23, s9, $0xb8;
	[tilespmem:$0x11F10] =	vst v63  }
0xca: {  	_ =	swait.ge [sflag:s15], $0x4000  }
0xcb: {  	[sflag:s15] =	ssyncset.done $0x0  }
0xcc: {  	[sflag:s15] =	ssyncadd.s32 $0xFFFFC000  }
0xcd: {  	[tilespmem:s12], [sflag:$0x2] =	stream.indirect.gather [spmem:s2], $0x10, s24, s9, $0xb8;
	[tilespmem:$0x11F10] =	vst v63  }
0xce: {  	_ =	swait.ge [sflag:s13], $0x4000  }
0xcf: {  	[sflag:s13] =	ssyncset.done $0x0  }
0xd0: {  	[sflag:s13] =	ssyncadd.s32 $0xFFFFC000  }
0xd1: {  	[spmem:s1] =	stream.indirect.scatter.add.f32 [tilespmem:s12], [sflag:$0x4], $0x10, s25, s9, $0xb8;
	[tilespmem:$0x11F10] =	vst v63  }
0xd2: {  	_ =	swait.ge [sflag:s14], $0x4000  }
0xd3: {  	[sflag:s14] =	ssyncset.done $0x0  }
0xd4: {  	[sflag:s14] =	ssyncadd.s32 $0xFFFFC000  }
0xd5: {  	[tilespmem:s10], [sflag:$0x1] =	stream.indirect.gather [spmem:s2], $0x10, s26, s9, $0xb8;
	[tilespmem:$0x11F10] =	vst v63  }
0xd6: {  	_ =	swait.ge [sflag:s11], $0x4000  }
0xd7: {  	[sflag:s11] =	ssyncset.done $0x0  }
0xd8: {  	[sflag:s11] =	ssyncadd.s32 $0xFFFFC000  }
0xd9: {  	[spmem:s1] =	stream.indirect.scatter.add.f32 [tilespmem:s10], [sflag:$0x3], $0x10, s28, s9, $0xb8;
	[tilespmem:$0x11F10] =	vst v63  }
0xda: {  	_ =	swait.ge [sflag:s15], $0x4000  }
0xdb: {  	[sflag:s15] =	ssyncset.done $0x0  }
0xdc: {  	[sflag:s15] =	ssyncadd.s32 $0xFFFFC000  }
0xdd: {  	[tilespmem:s12], [sflag:$0x2] =	stream.indirect.gather [spmem:s2], $0x10, s29, s9, $0xb8;
	[tilespmem:$0x11F10] =	vst v63  }
0xde: {  	_ =	swait.ge [sflag:s13], $0x4000  }
0xdf: {  	[sflag:s13] =	ssyncset.done $0x0  }
0xe0: {  	[sflag:s13] =	ssyncadd.s32 $0xFFFFC000  }
0xe1: {  	[spmem:s1] =	stream.indirect.scatter.add.f32 [tilespmem:s12], [sflag:$0x4], $0x10, s30, s9, $0xb8;
	[tilespmem:$0x11F10] =	vst v63  }
0xe2: {  	_ =	swait.ge [sflag:s14], $0x4000  }
0xe3: {  	[sflag:s14] =	ssyncset.done $0x0  }
0xe4: {  	s31 =	sadd.s32 $0xFFFFFFFF, s31;
	[sflag:s14] =	ssyncadd.s32 $0xFFFFC000  }
0xe5: {  	p1 =	sne.s32 s31, $0x0;
	_ =	swait.ge [sflag:s15], $0x4000  }
.Ltmp1:
0xe6: {  	[sflag:s15] =	ssyncset.done $0x0;
	(pc) =	sbr.rel @p1 .LBB2_1-.Ltmp1, $4  }
0xe7: {  	[sflag:s15] =	ssyncadd.s32 $0xFFFFC000  }
0xe8: {  	[bflag:$0x0] =	sbarrier.arrive $0xFFFF  }
0xe9: {  	s16 =	rddreg [dreg:$0xa]  }
0xea: {  	[hbm:s16], [sflag:s4] =	dma.local [spmem:s6], $0x500  }
.LBB2_2:
0xeb: {  	_ =	swait.ge [sflag:s5], $0x500  }
0xec: {  	[sflag:s5] =	ssyncset.done $0x0  }
0xed: {  	[sflag:s5] =	ssyncadd.s32 $0xFFFFFB00  }
0xee: {  	_ =	sfence.sel $0x180000  }
0xef: {  	[bflag:$0x0] =	sbarrier.arrive $0xFFFF  }
0xf0: {  	_ =	strace $0x9000004D  }
0xf1: {  	[bflag:$0x2] =	sbarrier.arrive $0xFFFF  }
0xf2: {  	s0 =	rddreg [dreg:$0x4]  }
0xf3: {  	s0 =	sadd.s32 @!p0 $0x100000, s0  }
0xf4: {  	[sflag:s0] =	ssyncadd.tile.s32 @!p0 $0x1;
	_ =	shalt  }
.Lfunc_end2:
_tile_overlayer_lowered:
.L_overlay_start_2:
0xf5: {  	(tag) =	ssettag $0x2  }
0xf6: {  	s0 =	rddreg [dreg:$0x0];
	s2 =	stileid.u32  }
0xf7: {  	s1 =	rddreg [dreg:$0x1];
	p0 =	sne.s32 s2, $0x0  }
0xf8: {  	s3 =	rddreg [dreg:$0x2];
	[bflag:$0x3] =	sbarrier.arrive $0xFFFF;
	s2 =	simm.s32 @!p0 $0x1C05  }
0xf9: {  	[timem:s3], [sflag:s2] =	dma.local @!p0 [hbm:s0], s1  }
0xfa: {  	s0 =	simm.s32 @!p0 $0x5  }
0xfb: {  	_ =	swait.ge @!p0 [sflag:s0], s1  }
0xfc: {  	s1 =	ssub.s32 @!p0 $0x0, s1;
	[sflag:s0] =	ssyncset.done @!p0 $0x0  }
0xfd: {  	[sflag:s0] =	ssyncadd.s32 @!p0 s1  }
0xfe: {  	[bflag:$0x3] =	sbarrier.arrive $0xFFFF  }
0xff: {  	_ =	shalt  }

// kernel: kernel.19.cloned.1.call-start
scs
__scs_entry_jumppad:
0x0: {  	(pc) =	sbr.rel $0x88, $3  }
0x1: {  	(tag) =	ssettag $0x0;
	lr =	simm.s32 $0x1  }
0x2: {  	[smem:$0x3F9B] =	sst lr;
	_ =	strace $0xD0000000  }
0x3: {  	_ = 	snop  }
0x4: {  	_ = 	snop  }
0x5: {  	_ = 	snop  }
0x6: {  	_ = 	snop  }
0x7: {  	_ = 	snop  }
__scs_overlays_trampoline_lowered:
0x8: {  	[smem:$0x3FAA] =	sst s0  }
0x9: {  	[smem:$0x3FAB] =	sst s1  }
0xa: {  	[smem:$0x3FAC] =	sst s2  }
0xb: {  	[smem:$0x3FAD] =	sst s3  }
0xc: {  	[smem:$0x3FAE] =	sst s4  }
0xd: {  	[smem:$0x3FAF] =	sst s5  }
0xe: {  	[smem:$0x3FB0] =	sst s6  }
0xf: {  	[smem:$0x3FB1] =	sst s7  }
0x10: {  	[smem:$0x3FB2] =	sst s8  }
0x11: {  	[smem:$0x3FB3] =	sst s9;
	s0 =	simm.s32 @!p0 $0x0  }
0x12: {  	s1 =	sld [smem:$0x3F99];
	s0 =	simm.s32 @p0 $0x1  }
0x13: {  	[smem:$0x3FB4] =	sst s0;
	s0 =	simm.s32 @!p1 $0x0  }
0x14: {  	s2 =	sld [smem:$0x3F98];
	s0 =	simm.s32 @p1 $0x1  }
0x15: {  	[smem:$0x3FB5] =	sst s0;
	s0 =	simm.s32 @!p2 $0x0  }
0x16: {  	s3 =	sld [smem:$0x3FDB];
	s0 =	simm.s32 @p2 $0x1  }
0x17: {  	s4 =	simm.s32 $0x1BF5;
	[smem:$0x3FB7] =	sst s0  }
0x18: {  	s0 =	sld [smem:$0x3F9A];
	_ =	swait.ge [sflag:s4], $0x0  }
0x19: {  	s7 =	sld [smem:$0x3F9B]  }
0x1a: {  	s8 =	sadd.s32 $0xFFFFE003, lr  }
0x1b: {  	s9 =	sadd.s32 $0xFFFFFEF7, lr;
	s5 =	simm.s32 $0xFFFFFFFF;
	p2 =	slt.u32 s8, $0xFFFFF086  }
0x1c: {  	p1 =	slt.u32 s9, $0xF7A;
	s5 =	simm.s32 @!p2 $0x0  }
0x1d: {  	s5 =	simm.s32 @p1 $0x1;
	p0 =	seq.s32 s7, s2  }
0x1e: {  	s7 =	smul.u32 @!p0 $0xF7A, s2;
	p2 =	seq.s32 @!p0 s5, $0x0  }
0x1f: {  	s9 =	smul.u32 $0xF7A, s1;
	s8 =	simm.s32 @!p0 $0x1BF5;
	p2 =	por !p2, p0  }
0x20: {  	[sflag:s8] =	ssyncset.s32 @!p0 $0xFFFFF086;
	s6 =	sadd.s32 @!p0 s3, s7;
	s7 =	simm.s32 @!p0 $0x108  }
0x21: {  	s3 =	sadd.s32 s3, s9;
	s6 =	sadd.s32 @!p0 $0x88, s6;
	s7 =	simm.s32 @p2 $0x1082  }
0x22: {  	[simem:s7], [sflag:s8] =	dma.local @!p0 [hbm:s6], $0xF7A  }
0x23: {  	s9 =	sor.u32 $0xD0000000, s2;
	s6 =	simm.s32 $0x108;
	_ =	swait.ge @!p0 [sflag:s8], $0x0  }
0x24: {  	s3 =	sadd.s32 $0x88, s3;
	s6 =	simm.s32 @!p1 $0x1082;
	[sflag:s4] =	ssyncset.s32 $0xFFFFF086  }
0x25: {  	[simem:s6], [sflag:s4] =	dma.local [hbm:s3], $0xF7A  }
0x26: {  	[smem:$0x3F9B] =	sst s1;
	(tag) =	ssettag s2;
	_ =	strace s9  }
0x27: {  	s1 =	sld [smem:$0x3FAB]  }
0x28: {  	s2 =	sld [smem:$0x3FAC]  }
0x29: {  	s4 =	sld [smem:$0x3FAE]  }
0x2a: {  	p0 =	seq.s32 s5, $0x0;
	s5 =	sld [smem:$0x3FAF]  }
0x2b: {  	s6 =	sld [smem:$0x3FB0]  }
0x2c: {  	s7 =	sld [smem:$0x3FB1]  }
0x2d: {  	s3 =	simm.s32 $0x108;
	s8 =	sld [smem:$0x3FB2]  }
0x2e: {  	s3 =	simm.s32 @!p0 $0x1082;
	s9 =	sld [smem:$0x3FB3]  }
0x2f: {  	lr =	sadd.s32 s0, s3;
	s0 =	sld [smem:$0x3FAA]  }
0x30: {  	s3 =	sld [smem:$0x3FAD]  }
0x31: {  	[smem:$0x3FB6] =	sst s10  }
0x32: {  	s10 =	sld [smem:$0x3FB4];
	_ =	sdelay $0x3  }
0x33: {  	p0 =	seq.s32 s10, $0x1;
	s10 =	sld [smem:$0x3FB6];
	_ =	sdelay $0x3  }
0x34: {  	[smem:$0x3FB6] =	sst s10  }
0x35: {  	s10 =	sld [smem:$0x3FB5];
	_ =	sdelay $0x3  }
0x36: {  	p1 =	seq.s32 s10, $0x1;
	s10 =	sld [smem:$0x3FB6];
	_ =	sdelay $0x3  }
0x37: {  	[smem:$0x3FB6] =	sst s10  }
0x38: {  	s10 =	sld [smem:$0x3FB7]  }
0x39: {  	_ = 	snop;
	(pc) =	sbr.ind lr, $3  }
0x3a: {  	_ = 	snop  }
0x3b: {  	_ = 	snop  }
0x3c: {  	p2 =	seq.s32 s10, $0x1;
	s10 =	sld [smem:$0x3FB6]  }
0x3d: {  	_ =	shalt  }
0x3e: {  	_ =	shalt  }
0x3f: {  	_ =	shalt  }
0x40: {  	_ =	shalt  }
0x41: {  	_ =	shalt  }
0x42: {  	_ =	shalt  }
0x43: {  	_ =	shalt  }
0x44: {  	_ =	shalt  }
0x45: {  	_ =	shalt  }
0x46: {  	_ =	shalt  }
0x47: {  	_ =	shalt  }
0x48: {  	_ =	shalt  }
0x49: {  	_ =	shalt  }
0x4a: {  	_ =	shalt  }
0x4b: {  	_ =	shalt  }
0x4c: {  	_ =	shalt  }
0x4d: {  	_ =	shalt  }
0x4e: {  	_ =	shalt  }
0x4f: {  	_ =	shalt  }
0x50: {  	_ =	shalt  }
0x51: {  	_ =	shalt  }
0x52: {  	_ =	shalt  }
0x53: {  	_ =	shalt  }
0x54: {  	_ =	shalt  }
0x55: {  	_ =	shalt  }
0x56: {  	_ =	shalt  }
0x57: {  	_ =	shalt  }
0x58: {  	_ =	shalt  }
0x59: {  	_ =	shalt  }
0x5a: {  	_ =	shalt  }
0x5b: {  	_ =	shalt  }
0x5c: {  	_ =	shalt  }
0x5d: {  	_ =	shalt  }
0x5e: {  	_ =	shalt  }
0x5f: {  	_ =	shalt  }
0x60: {  	_ =	shalt  }
0x61: {  	_ =	shalt  }
0x62: {  	_ =	shalt  }
0x63: {  	_ =	shalt  }
0x64: {  	_ =	shalt  }
0x65: {  	_ =	shalt  }
0x66: {  	_ =	shalt  }
0x67: {  	_ =	shalt  }
0x68: {  	_ =	shalt  }
0x69: {  	_ =	shalt  }
0x6a: {  	_ =	shalt  }
0x6b: {  	_ =	shalt  }
0x6c: {  	_ =	shalt  }
0x6d: {  	_ =	shalt  }
0x6e: {  	_ =	shalt  }
0x6f: {  	_ =	shalt  }
0x70: {  	_ =	shalt  }
0x71: {  	_ =	shalt  }
0x72: {  	_ =	shalt  }
0x73: {  	_ =	shalt  }
0x74: {  	_ =	shalt  }
0x75: {  	_ =	shalt  }
0x76: {  	_ =	shalt  }
0x77: {  	_ =	shalt  }
0x78: {  	_ =	shalt  }
0x79: {  	_ =	shalt  }
0x7a: {  	_ =	shalt  }
0x7b: {  	_ =	shalt  }
0x7c: {  	_ =	shalt  }
0x7d: {  	_ =	shalt  }
0x7e: {  	_ =	shalt  }
0x7f: {  	_ =	shalt  }
0x80: {  	_ =	shalt  }
0x81: {  	_ =	shalt  }
0x82: {  	_ =	shalt  }
0x83: {  	_ =	shalt  }
0x84: {  	_ =	shalt  }
0x85: {  	_ =	shalt  }
0x86: {  	_ =	shalt  }
0x87: {  	_ =	shalt  }
.Lfunc_end0:
.L_simem_size_0:
called_computation.3_lowered:
.L_overlay_start_0:
0x88: {  	s2 =	sld [smem:$0x3FD9]  }
0x89: {  	s3 =	sld [smem:$0x3FFE];
	_ =	sdelay $0x1  }
0x8a: {  	s1 =	srdreg.scid  }
0x8b: {  	s0 =	sand.u32 $0x1, s1  }
0x8c: {  	s17 =	sshll.u32 s0, $0xA;
	s2 =	sadd.s32 s3, s2  }
0x8d: {  	s2 =	sadd.s32 s2, s17  }
0x8e: {  	[smem:$0x3FC2] =	sst s2  }
0x8f: {  	_ = 	snop  }
0x90: {  	s18 =	sld [smem:$0x3FD0];
	(tm) =	ssettm $0x1  }
0x91: {  	s19 =	sld [smem:$0x3FFB];
	_ =	sdelay $0x3  }
0x92: {  	_ =	strace s19  }
0x93: {  	s2 =	sld [smem:$0x3FFC];
	_ =	sdelay $0x3  }
0x94: {  	_ =	strace s2  }
0x95: {  	s2 =	sld [smem:$0x3FFD];
	_ =	sdelay $0x3  }
0x96: {  	_ =	strace s2  }
0x97: {  	_ =	strace $0x8FFFFFFF  }
0x98: {  	s20 =	sld [smem:$0x3FDB];
	_ =	sdelay $0x1  }
0x99: {  	s4 =	simm.s32 $_scs_section_size  }
0x9a: {  	s5 =	simm.s32 $_size__tile_overlayer_lowered;
	s6 =	simm.s32 $_tile_overlayer_lowered  }
0x9b: {  	s7 =	simm.s32 $0x1BFF;
	s21 =	sshll.u32 s6, $0x1;
	s4 =	sadd.s32 s4, s20  }
0x9c: {  	s22 =	simm.s32 $0x0;
	s5 =	sshll.u32 s5, $0x1;
	s6 =	sadd.s32 s21, s4  }
0x9d: {  	[timem:s22], [sflag:s7] =	dma.local [hbm:s6], s5  }
0x9e: {  	_ =	swait.ge [sflag:s7], s5  }
0x9f: {  	s5 =	ssub.s32 $0x0, s5;
	[sflag:s7] =	ssyncset.done $0x0  }
0xa0: {  	[sflag:s7] =	ssyncadd.s32 s5;
	_ =	sdelay $0x1  }
0xa1: {  	s23 =	simm.s32 $0x1B8B  }
0xa2: {  	_ =	swait.ge [sflag:s23], $0x1  }
0xa3: {  	[sflag:s23] =	ssyncset.done $0x0  }
0xa4: {  	[sflag:s23] =	ssyncadd.s32 $0xFFFFFFFF  }
0xa5: {  	s5 =	sld [smem:$0x0]  }
0xa6: {  	s6 =	sand.u32 $0xFFFFFFFE, s1  }
0xa7: {  	p0 =	sne.s32 s1, s6  }
0xa8: {  	s6 =	sshll.u32 @p0 s6, $0xE  }
0xa9: {  	s6 =	sadd.s32 @p0 $0x11B8D, s6;
	s7 =	sshll.u32 @p0 s5, $0x11  }
0xaa: {  	s6 =	sor.u32 @p0 s7, s6  }
0xab: {  	[sflag:s6] =	ssyncadd.remote.s32 @p0 $0x1;
	_ =	sdelay $0x1  }
0xac: {  	s6 =	simm.s32 @p0 $0x1B8D  }
0xad: {  	_ =	swait.eq @p0 [sflag:s6], $0x1  }
0xae: {  	[sflag:s6] =	ssyncadd.s32 @p0 $0xFFFFFFFF  }
0xaf: {  	s7 =	sshll.u32 @!p0 s1, $0xE  }
0xb0: {  	s7 =	sor.u32 @!p0 $0x4000, s7;
	s6 =	simm.s32 @!p0 $0x1B8D  }
0xb1: {  	s5 =	sshll.u32 @!p0 s5, $0x11;
	s7 =	sadd.s32 @!p0 $0x11B8D, s7;
	_ =	swait.eq @!p0 [sflag:s6], $0x1  }
0xb2: {  	s5 =	sor.u32 @!p0 s5, s7;
	[sflag:s6] =	ssyncadd.s32 @!p0 $0xFFFFFFFF  }
0xb3: {  	s25 =	simm.s32 $0x1B8E;
	s24 =	sld [smem:$0x3FFE];
	[sflag:s5] =	ssyncadd.remote.s32 @!p0 $0x1  }
0xb4: {  	s26 =	simm.s32 $execute0_lowered;
	[smem:$0x3FD2] =	sst s25  }
0xb5: {  	s6 =	sshll.u32 s26, $0x1;
	_ =	strace $0x8000004F;
	[dreg:$0x1] =	wrdreg $0xFFFFFFFF  }
0xb6: {  	s28 =	simm.s32 $_size_execute0_lowered;
	s4 =	sadd.s32 s4, s6;
	[dreg:$0x0] =	wrdreg $0x0  }
0xb7: {  	s6 =	sshll.u32 s28, $0x1;
	[dreg:$0x2] =	wrdreg s4  }
0xb8: {  	[dreg:$0x3] =	wrdreg s6  }
0xb9: {  	[dreg:$0x4] =	wrdreg $0xC0  }
0xba: {  	_ =	task [dreg:s22], $0x5FFFF  }
0xbb: {  	[dreg:$0x1] =	wrdreg $0xFFFFFFFF  }
0xbc: {  	[dreg:$0x0] =	wrdreg $0x60  }
0xbd: {  	[dreg:$0x2] =	wrdreg s24  }
0xbe: {  	[dreg:$0x3] =	wrdreg s18  }
0xbf: {  	[dreg:$0x4] =	wrdreg $0xD0000  }
0xc0: {  	[dreg:$0x5] =	wrdreg $0xF8000  }
0xc1: {  	[dreg:$0x6] =	wrdreg $0xA  }
0xc2: {  	_ =	task.clear_ibuf [dreg:s22], $0x7FFFF;
	_ =	strace $0x9000004F  }
0xc3: {  	s29 =	simm.s32 $0xA;
	_ =	strace $0x80000051  }
0xc4: {  	_ =	swait.ge [sflag:s29], $0x1  }
0xc5: {  	[sflag:s29] =	ssyncadd.s32 $0xFFFFFFFF  }
0xc6: {  	_ =	strace $0x90000051  }
0xc7: {  	_ =	sfence  }
0xc8: {  	s30 =	sld [smem:$0x0];
	_ =	sdelay $0x2  }
0xc9: {  	s31 =	sshll.u32 s1, $0xD;
	s1 =	sshrl.u32 s1, $0x2  }
0xca: {  	s4 =	sand.u32 $0x4000, s31;
	s1 =	sadd.s32 s1, s30  }
0xcb: {  	s0 =	sor.u32 s4, s0;
	s1 =	sshll.u32 s1, $0x11  }
0xcc: {  	s0 =	sor.u32 s1, s0  }
0xcd: {  	s0 =	sadd.s32 $0x8F2B, s0  }
0xce: {  	[sflag:s0] =	ssyncadd.remote.s32 $0x1  }
0xcf: {  	_ =	sfence.sel $0xFFFF  }
0xd0: {  	[dreg:$0x0] =	wrdreg $0xFFFFFFFF;
	(pc) =	sbr.abs _section_cstart, $3  }
0xd1: {  	[dreg:$0x1] =	wrdreg $0xFFFFFFFF  }
0xd2: {  	_ =	task.clear_ibuf [dreg:s22], $0x2FFFF;
	_ =	strace $0x9FFFFFFF  }
0xd3: {  	(tm) =	ssettm $0x7FFFFFFF  }
tec
execute0_lowered:
.L_overlay_start_1:
0x0: {  	(tag) =	ssettag $0x1  }
0x1: {  	s4 =	rddreg [dreg:$0x0]  }
0x2: {  	s5 =	rddreg [dreg:$0x1]  }
0x3: {  	s1 =	rddreg [dreg:$0x2]  }
0x4: {  	s2 =	rddreg [dreg:$0x3]  }
0x5: {  	s3 =	simm.s32 $0x0;
	s6 =	srdreg.scid;
	s7 =	stileid.u32  }
0x6: {  	s16 =	simm.s32 $0x2C00;
	s19 =	simm.s32 $0x800;
	s21 =	simm.s32 $0x3000  }
0x7: {  	s31 =	sand.u32 $0x1, s6;
	s25 =	sshll.u32 s7, $0x1;
	[smem:$0x7FF] =	sst s3  }
0x8: {  	s8 =	smul.u32 $0x2800, s7;
	_ =	strace $0x80000050;
	[dreg:$0xd] =	wrdreg s16  }
0x9: {  	s9 =	smul.u32 $0x2700, s7;
	p0 =	sne.s32 s7, $0x0;
	[dreg:$0xe] =	wrdreg s19  }
0xa: {  	s6 =	sor.u32 s31, s25;
	s12 =	smul.u32 $0x28000, s31;
	[dreg:$0xf] =	wrdreg s21  }
0xb: {  	s10 =	sshrl.u32 s8, $0x3;
	s11 =	sshrl.u32 s9, $0x3;
	s9 =	sadd.s32 s9, s2  }
0xc: {  	s6 =	smul.u32 $0x500, s6;
	s10 =	sadd.s32 s10, s4;
	s15 =	sshrl.u32 s9, $0x3  }
0xd: {  	s11 =	sadd.s32 s11, s4;
	s10 =	sadd.s32 $0x7800, s10;
	[dreg:$0xb] =	wrdreg s15  }
0xe: {  	s12 =	sadd.s32 s8, s12;
	s26 =	sadd.s32 $0x48A00, s11;
	[dreg:$0x5] =	wrdreg s10  }
0xf: {  	s0 =	sshrl.u32 s12, $0x3;
	s12 =	sadd.s32 $0x4D800, s4;
	[dreg:$0x6] =	wrdreg s26  }
0x10: {  	s13 =	sadd.s32 s6, s4;
	s5 =	sadd.s32 s5, s6;
	[dreg:$0x7] =	wrdreg s12  }
0x11: {  	s18 =	sshll.u32 s7, $0x6;
	s14 =	sadd.s32 $0xD800, s13;
	[dreg:$0x9] =	wrdreg s5  }
0x12: {  	s17 =	sadd.s32 s8, s1;
	s4 =	sadd.s32 s0, s4;
	[dreg:$0x8] =	wrdreg s14  }
0x13: {  	s6 =	sadd.s32 $0x27000, s2;
	s4 =	sadd.s32 $0x4DA00, s4;
	s20 =	rddreg [dreg:$0x5]  }
0x14: {  	s5 =	simm.s32 $0x5;
	[dreg:$0xa] =	wrdreg s4;
	s4 =	sshrl.u32 @!p0 s6, $0x3  }
0x15: {  	s6 =	sshrl.u32 s17, $0x3;
	[dreg:$0xc] =	wrdreg s4;
	s4 =	sor.u32 $0x1C05, s18  }
0x16: {  	[spmem:s6], [sflag:s4] =	dma.local [hbm:s20], $0x500  }
0x17: {  	_ =	swait.ge [sflag:s5], $0x500  }
0x18: {  	s22 =	rddreg [dreg:$0x6];
	[sflag:s5] =	ssyncset.done $0x0  }
0x19: {  	s23 =	rddreg [dreg:$0xb];
	[sflag:s5] =	ssyncadd.s32 $0xFFFFFB00  }
0x1a: {  	[spmem:s23], [sflag:s4] =	dma.local [hbm:s22], $0x4E0  }
0x1b: {  	_ =	swait.ge [sflag:s5], $0x4E0  }
0x1c: {  	s8 =	rddreg [dreg:$0x7];
	[sflag:s5] =	ssyncset.done $0x0  }
0x1d: {  	s7 =	simm.s32 @!p0 $0x5;
	s9 =	rddreg [dreg:$0xc];
	[sflag:s5] =	ssyncadd.s32 $0xFFFFFB20  }
0x1e: {  	[spmem:s9], [sflag:s4] =	dma.local @!p0 [hbm:s8], $0x20  }
0x1f: {  	_ =	swait.ge @!p0 [sflag:s7], $0x20  }
0x20: {  	[sflag:s7] =	ssyncset.done @!p0 $0x0  }
0x21: {  	s24 =	rddreg [dreg:$0x8];
	[sflag:s7] =	ssyncadd.s32 @!p0 $0xFFFFFFE0  }
0x22: {  	[tilespmem:s3], [sflag:$0x5] =	stream.linear.gather [hbm4b:s24+s3], $0x2800, $0x38;
	[tilespmem:$0x11F10] =	vst v63  }
0x23: {  	_ =	swait.ge [sflag:s5], $0x2800  }
0x24: {  	[sflag:s5] =	ssyncset.done $0x0  }
0x25: {  	s8 =	simm.s32 $0x2800;
	s25 =	rddreg [dreg:$0x9];
	[sflag:s5] =	ssyncadd.s32 $0xFFFFD800  }
0x26: {  	[tilespmem:s8], [sflag:$0x5] =	stream.linear.gather [hbm4b:s25+s3], $0x2800, $0x38;
	[tilespmem:$0x11F10] =	vst v63  }
0x27: {  	_ =	swait.ge [sflag:s5], $0x2800  }
0x28: {  	[sflag:s5] =	ssyncset.done $0x0  }
0x29: {  	s11 =	simm.s32 $0x1;
	[sflag:s5] =	ssyncadd.s32 $0xFFFFD800  }
0x2a: {  	s10 =	simm.s32 $0x5000;
	s9 =	simm.s32 $0x400;
	[bflag:$0x0] =	sbarrier.arrive $0xFFFF  }
0x2b: {  	[tilespmem:s10], [sflag:$0x1] =	stream.indirect.gather [spmem:s2], $0x10, s3, s9, $0xb8;
	[tilespmem:$0x11F10] =	vst v63  }
0x2c: {  	_ =	swait.ge [sflag:s11], $0x4000  }
0x2d: {  	[sflag:s11] =	ssyncset.done $0x0  }
0x2e: {  	[sflag:s11] =	ssyncadd.s32 $0xFFFFC000  }
0x2f: {  	[spmem:s1] =	stream.indirect.scatter.add.f32 [tilespmem:s10], [sflag:$0x3], $0x10, s8, s9, $0xb8;
	[tilespmem:$0x11F10] =	vst v63  }
0x30: {  	s12 =	simm.s32 $0x9000;
	s13 =	simm.s32 $0x2  }
0x31: {  	[tilespmem:s12], [sflag:$0x2] =	stream.indirect.gather [spmem:s2], $0x10, s9, s9, $0xb8;
	[tilespmem:$0x11F10] =	vst v63  }
0x32: {  	_ =	swait.ge [sflag:s13], $0x4000  }
0x33: {  	[sflag:s13] =	ssyncset.done $0x0  }
0x34: {  	s14 =	simm.s32 $0x3;
	s15 =	rddreg [dreg:$0xd];
	[sflag:s13] =	ssyncadd.s32 $0xFFFFC000  }
0x35: {  	[spmem:s1] =	stream.indirect.scatter.add.f32 [tilespmem:s12], [sflag:$0x4], $0x10, s15, s9, $0xb8;
	[tilespmem:$0x11F10] =	vst v63  }
0x36: {  	_ =	swait.ge [sflag:s14], $0x4000  }
0x37: {  	[sflag:s14] =	ssyncset.done $0x0  }
0x38: {  	s26 =	rddreg [dreg:$0xe];
	[sflag:s14] =	ssyncadd.s32 $0xFFFFC000  }
0x39: {  	[tilespmem:s10], [sflag:$0x1] =	stream.indirect.gather [spmem:s2], $0x10, s26, s9, $0xb8;
	[tilespmem:$0x11F10] =	vst v63  }
0x3a: {  	_ =	swait.ge [sflag:s11], $0x4000  }
0x3b: {  	[sflag:s11] =	ssyncset.done $0x0  }
0x3c: {  	s15 =	simm.s32 $0x4;
	s16 =	rddreg [dreg:$0xf];
	[sflag:s11] =	ssyncadd.s32 $0xFFFFC000  }
0x3d: {  	[spmem:s1] =	stream.indirect.scatter.add.f32 [tilespmem:s10], [sflag:$0x3], $0x10, s16, s9, $0xb8;
	[tilespmem:$0x11F10] =	vst v63  }
0x3e: {  	_ =	swait.ge [sflag:s15], $0x4000  }
0x3f: {  	[sflag:s15] =	ssyncset.done $0x0  }
0x40: {  	s0 =	simm.s32 $0xC00;
	[sflag:s15] =	ssyncadd.s32 $0xFFFFC000  }
0x41: {  	[tilespmem:s12], [sflag:$0x2] =	stream.indirect.gather [spmem:s2], $0x10, s0, s9, $0xb8;
	[tilespmem:$0x11F10] =	vst v63  }
0x42: {  	_ =	swait.ge [sflag:s13], $0x4000  }
0x43: {  	[sflag:s13] =	ssyncset.done $0x0  }
0x44: {  	s17 =	simm.s32 $0x3400;
	[sflag:s13] =	ssyncadd.s32 $0xFFFFC000  }
0x45: {  	[spmem:s1] =	stream.indirect.scatter.add.f32 [tilespmem:s12], [sflag:$0x4], $0x10, s17, s9, $0xb8;
	[tilespmem:$0x11F10] =	vst v63  }
0x46: {  	_ =	swait.ge [sflag:s14], $0x4000  }
0x47: {  	[sflag:s14] =	ssyncset.done $0x0  }
0x48: {  	s18 =	simm.s32 $0x1000;
	[sflag:s14] =	ssyncadd.s32 $0xFFFFC000  }
0x49: {  	[tilespmem:s10], [sflag:$0x1] =	stream.indirect.gather [spmem:s2], $0x10, s18, s9, $0xb8;
	[tilespmem:$0x11F10] =	vst v63  }
0x4a: {  	_ =	swait.ge [sflag:s11], $0x4000  }
0x4b: {  	[sflag:s11] =	ssyncset.done $0x0  }
0x4c: {  	s19 =	simm.s32 $0x3800;
	[sflag:s11] =	ssyncadd.s32 $0xFFFFC000  }
0x4d: {  	[spmem:s1] =	stream.indirect.scatter.add.f32 [tilespmem:s10], [sflag:$0x3], $0x10, s19, s9, $0xb8;
	[tilespmem:$0x11F10] =	vst v63  }
0x4e: {  	_ =	swait.ge [sflag:s15], $0x4000  }
0x4f: {  	[sflag:s15] =	ssyncset.done $0x0  }
0x50: {  	s20 =	simm.s32 $0x1400;
	[sflag:s15] =	ssyncadd.s32 $0xFFFFC000  }
0x51: {  	[tilespmem:s12], [sflag:$0x2] =	stream.indirect.gather [spmem:s2], $0x10, s20, s9, $0xb8;
	[tilespmem:$0x11F10] =	vst v63  }
0x52: {  	_ =	swait.ge [sflag:s13], $0x4000  }
0x53: {  	[sflag:s13] =	ssyncset.done $0x0  }
0x54: {  	s21 =	simm.s32 $0x3C00;
	[sflag:s13] =	ssyncadd.s32 $0xFFFFC000  }
0x55: {  	[spmem:s1] =	stream.indirect.scatter.add.f32 [tilespmem:s12], [sflag:$0x4], $0x10, s21, s9, $0xb8;
	[tilespmem:$0x11F10] =	vst v63  }
0x56: {  	_ =	swait.ge [sflag:s14], $0x4000  }
0x57: {  	[sflag:s14] =	ssyncset.done $0x0  }
0x58: {  	s22 =	simm.s32 $0x1800;
	[sflag:s14] =	ssyncadd.s32 $0xFFFFC000  }
0x59: {  	[tilespmem:s10], [sflag:$0x1] =	stream.indirect.gather [spmem:s2], $0x10, s22, s9, $0xb8;
	[tilespmem:$0x11F10] =	vst v63  }
0x5a: {  	_ =	swait.ge [sflag:s11], $0x4000  }
0x5b: {  	[sflag:s11] =	ssyncset.done $0x0  }
0x5c: {  	s23 =	simm.s32 $0x4000;
	[sflag:s11] =	ssyncadd.s32 $0xFFFFC000  }
0x5d: {  	[spmem:s1] =	stream.indirect.scatter.add.f32 [tilespmem:s10], [sflag:$0x3], $0x10, s23, s9, $0xb8;
	[tilespmem:$0x11F10] =	vst v63  }
0x5e: {  	_ =	swait.ge [sflag:s15], $0x4000  }
0x5f: {  	[sflag:s15] =	ssyncset.done $0x0  }
0x60: {  	s24 =	simm.s32 $0x1C00;
	[sflag:s15] =	ssyncadd.s32 $0xFFFFC000  }
0x61: {  	[tilespmem:s12], [sflag:$0x2] =	stream.indirect.gather [spmem:s2], $0x10, s24, s9, $0xb8;
	[tilespmem:$0x11F10] =	vst v63  }
0x62: {  	_ =	swait.ge [sflag:s13], $0x4000  }
0x63: {  	[sflag:s13] =	ssyncset.done $0x0  }
0x64: {  	s25 =	simm.s32 $0x4400;
	[sflag:s13] =	ssyncadd.s32 $0xFFFFC000  }
0x65: {  	[spmem:s1] =	stream.indirect.scatter.add.f32 [tilespmem:s12], [sflag:$0x4], $0x10, s25, s9, $0xb8;
	[tilespmem:$0x11F10] =	vst v63  }
0x66: {  	_ =	swait.ge [sflag:s14], $0x4000  }
0x67: {  	[sflag:s14] =	ssyncset.done $0x0  }
0x68: {  	s26 =	simm.s32 $0x2000;
	[sflag:s14] =	ssyncadd.s32 $0xFFFFC000  }
0x69: {  	[tilespmem:s10], [sflag:$0x1] =	stream.indirect.gather [spmem:s2], $0x10, s26, s9, $0xb8;
	[tilespmem:$0x11F10] =	vst v63  }
0x6a: {  	_ =	swait.ge [sflag:s11], $0x4000  }
0x6b: {  	[sflag:s11] =	ssyncset.done $0x0  }
0x6c: {  	s28 =	simm.s32 $0x4800;
	[sflag:s11] =	ssyncadd.s32 $0xFFFFC000  }
0x6d: {  	[spmem:s1] =	stream.indirect.scatter.add.f32 [tilespmem:s10], [sflag:$0x3], $0x10, s28, s9, $0xb8;
	[tilespmem:$0x11F10] =	vst v63  }
0x6e: {  	_ =	swait.ge [sflag:s15], $0x4000  }
0x6f: {  	[sflag:s15] =	ssyncset.done $0x0  }
0x70: {  	s29 =	simm.s32 $0x2400;
	[sflag:s15] =	ssyncadd.s32 $0xFFFFC000  }
0x71: {  	[tilespmem:s12], [sflag:$0x2] =	stream.indirect.gather [spmem:s2], $0x10, s29, s9, $0xb8;
	[tilespmem:$0x11F10] =	vst v63  }
0x72: {  	_ =	swait.ge [sflag:s13], $0x4000  }
0x73: {  	s31 =	ssub.s32 $0x2, s31;
	[sflag:s13] =	ssyncset.done $0x0  }
0x74: {  	s30 =	simm.s32 $0x4C00;
	s0 =	sshrl.u32 s31, $0x1;
	[sflag:s13] =	ssyncadd.s32 $0xFFFFC000  }
0x75: {  	[spmem:s1] =	stream.indirect.scatter.add.f32 [tilespmem:s12], [sflag:$0x4], $0x10, s30, s9, $0xb8;
	[tilespmem:$0x11F10] =	vst v63  }
0x76: {  	s0 =	ssub.s32 s31, s0;
	_ =	swait.ge [sflag:s14], $0x4000  }
0x77: {  	s0 =	smax.u32 s0, $0x1;
	[sflag:s14] =	ssyncset.done $0x0  }
0x78: {  	s31 =	sadd.s32 $0xFFFFFFFF, s0;
	[sflag:s14] =	ssyncadd.s32 $0xFFFFC000  }
0x79: {  	p1 =	sne.s32 s31, $0x0;
	_ =	swait.ge [sflag:s15], $0x4000  }
.Ltmp0:
0x7a: {  	[sflag:s15] =	ssyncset.done $0x0;
	(pc) =	sbr.rel @!p1 .LBB2_2-.Ltmp0, $4  }
0x7b: {  	[sflag:s15] =	ssyncadd.s32 $0xFFFFC000  }
0x7c: {  	[bflag:$0x0] =	sbarrier.arrive $0xFFFF  }
0x7d: {  	s16 =	rddreg [dreg:$0xa]  }
0x7e: {  	[hbm:s16], [sflag:s4] =	dma.local [spmem:s6], $0x500  }
.LBB2_1:
0x7f: {  	_ =	swait.ge [sflag:s5], $0x500  }
0x80: {  	[sflag:s5] =	ssyncset.done $0x0  }
0x81: {  	s0 =	rddreg [dreg:$0x5];
	[sflag:s5] =	ssyncadd.s32 $0xFFFFFB00  }
0x82: {  	[spmem:s6], [sflag:s4] =	dma.local [hbm:s0], $0x500  }
0x83: {  	_ =	swait.ge [sflag:s5], $0x500  }
0x84: {  	[sflag:s5] =	ssyncset.done $0x0;
	s0 =	rddreg [dreg:$0x6]  }
0x85: {  	s16 =	rddreg [dreg:$0xb];
	[sflag:s5] =	ssyncadd.s32 $0xFFFFFB00  }
0x86: {  	[spmem:s16], [sflag:s4] =	dma.local [hbm:s0], $0x4E0  }
0x87: {  	_ =	swait.ge [sflag:s5], $0x4E0  }
0x88: {  	[sflag:s5] =	ssyncset.done $0x0;
	s0 =	rddreg [dreg:$0x7]  }
0x89: {  	s16 =	rddreg [dreg:$0xc];
	[sflag:s5] =	ssyncadd.s32 $0xFFFFFB20  }
0x8a: {  	[spmem:s16], [sflag:s4] =	dma.local @!p0 [hbm:s0], $0x20  }
0x8b: {  	_ =	swait.ge @!p0 [sflag:s7], $0x20  }
0x8c: {  	[sflag:s7] =	ssyncset.done @!p0 $0x0  }
0x8d: {  	s16 =	rddreg [dreg:$0x8];
	[sflag:s7] =	ssyncadd.s32 @!p0 $0xFFFFFFE0  }
0x8e: {  	[tilespmem:s3], [sflag:$0x5] =	stream.linear.gather [hbm4b:s16+s3], $0x2800, $0x38;
	[tilespmem:$0x11F10] =	vst v63  }
0x8f: {  	_ =	swait.ge [sflag:s5], $0x2800  }
0x90: {  	[sflag:s5] =	ssyncset.done $0x0  }
0x91: {  	s16 =	rddreg [dreg:$0x9];
	[sflag:s5] =	ssyncadd.s32 $0xFFFFD800  }
0x92: {  	[tilespmem:s8], [sflag:$0x5] =	stream.linear.gather [hbm4b:s16+s3], $0x2800, $0x38;
	[tilespmem:$0x11F10] =	vst v63  }
0x93: {  	_ =	swait.ge [sflag:s5], $0x2800  }
0x94: {  	[sflag:s5] =	ssyncset.done $0x0  }
0x95: {  	[sflag:s5] =	ssyncadd.s32 $0xFFFFD800  }
0x96: {  	[bflag:$0x0] =	sbarrier.arrive $0xFFFF  }
0x97: {  	[tilespmem:s10], [sflag:$0x1] =	stream.indirect.gather [spmem:s2], $0x10, s3, s9, $0xb8;
	[tilespmem:$0x11F10] =	vst v63  }
0x98: {  	_ =	swait.ge [sflag:s11], $0x4000  }
0x99: {  	[sflag:s11] =	ssyncset.done $0x0  }
0x9a: {  	[sflag:s11] =	ssyncadd.s32 $0xFFFFC000  }
0x9b: {  	[spmem:s1] =	stream.indirect.scatter.add.f32 [tilespmem:s10], [sflag:$0x3], $0x10, s8, s9, $0xb8;
	[tilespmem:$0x11F10] =	vst v63  }
0x9c: {  	_ = 	snop  }
0x9d: {  	[tilespmem:s12], [sflag:$0x2] =	stream.indirect.gather [spmem:s2], $0x10, s9, s9, $0xb8;
	[tilespmem:$0x11F10] =	vst v63  }
0x9e: {  	_ =	swait.ge [sflag:s13], $0x4000  }
0x9f: {  	[sflag:s13] =	ssyncset.done $0x0  }
0xa0: {  	s16 =	rddreg [dreg:$0xd];
	[sflag:s13] =	ssyncadd.s32 $0xFFFFC000  }
0xa1: {  	[spmem:s1] =	stream.indirect.scatter.add.f32 [tilespmem:s12], [sflag:$0x4], $0x10, s16, s9, $0xb8;
	[tilespmem:$0x11F10] =	vst v63  }
0xa2: {  	_ =	swait.ge [sflag:s14], $0x4000  }
0xa3: {  	[sflag:s14] =	ssyncset.done $0x0  }
0xa4: {  	s16 =	rddreg [dreg:$0xe];
	[sflag:s14] =	ssyncadd.s32 $0xFFFFC000  }
0xa5: {  	[tilespmem:s10], [sflag:$0x1] =	stream.indirect.gather [spmem:s2], $0x10, s16, s9, $0xb8;
	[tilespmem:$0x11F10] =	vst v63  }
0xa6: {  	_ =	swait.ge [sflag:s11], $0x4000  }
0xa7: {  	[sflag:s11] =	ssyncset.done $0x0  }
0xa8: {  	s16 =	rddreg [dreg:$0xf];
	[sflag:s11] =	ssyncadd.s32 $0xFFFFC000  }
0xa9: {  	[spmem:s1] =	stream.indirect.scatter.add.f32 [tilespmem:s10], [sflag:$0x3], $0x10, s16, s9, $0xb8;
	[tilespmem:$0x11F10] =	vst v63  }
0xaa: {  	_ =	swait.ge [sflag:s15], $0x4000  }
0xab: {  	[sflag:s15] =	ssyncset.done $0x0  }
0xac: {  	s16 =	simm.s32 $0xC00;
	[sflag:s15] =	ssyncadd.s32 $0xFFFFC000  }
0xad: {  	[tilespmem:s12], [sflag:$0x2] =	stream.indirect.gather [spmem:s2], $0x10, s16, s9, $0xb8;
	[tilespmem:$0x11F10] =	vst v63  }
0xae: {  	_ =	swait.ge [sflag:s13], $0x4000  }
0xaf: {  	[sflag:s13] =	ssyncset.done $0x0  }
0xb0: {  	[sflag:s13] =	ssyncadd.s32 $0xFFFFC000  }
0xb1: {  	[spmem:s1] =	stream.indirect.scatter.add.f32 [tilespmem:s12], [sflag:$0x4], $0x10, s17, s9, $0xb8;
	[tilespmem:$0x11F10] =	vst v63  }
0xb2: {  	_ =	swait.ge [sflag:s14], $0x4000  }
0xb3: {  	[sflag:s14] =	ssyncset.done $0x0  }
0xb4: {  	[sflag:s14] =	ssyncadd.s32 $0xFFFFC000  }
0xb5: {  	[tilespmem:s10], [sflag:$0x1] =	stream.indirect.gather [spmem:s2], $0x10, s18, s9, $0xb8;
	[tilespmem:$0x11F10] =	vst v63  }
0xb6: {  	_ =	swait.ge [sflag:s11], $0x4000  }
0xb7: {  	[sflag:s11] =	ssyncset.done $0x0  }
0xb8: {  	[sflag:s11] =	ssyncadd.s32 $0xFFFFC000  }
0xb9: {  	[spmem:s1] =	stream.indirect.scatter.add.f32 [tilespmem:s10], [sflag:$0x3], $0x10, s19, s9, $0xb8;
	[tilespmem:$0x11F10] =	vst v63  }
0xba: {  	_ =	swait.ge [sflag:s15], $0x4000  }
0xbb: {  	[sflag:s15] =	ssyncset.done $0x0  }
0xbc: {  	[sflag:s15] =	ssyncadd.s32 $0xFFFFC000  }
0xbd: {  	[tilespmem:s12], [sflag:$0x2] =	stream.indirect.gather [spmem:s2], $0x10, s20, s9, $0xb8;
	[tilespmem:$0x11F10] =	vst v63  }
0xbe: {  	_ =	swait.ge [sflag:s13], $0x4000  }
0xbf: {  	[sflag:s13] =	ssyncset.done $0x0  }
0xc0: {  	[sflag:s13] =	ssyncadd.s32 $0xFFFFC000  }
0xc1: {  	[spmem:s1] =	stream.indirect.scatter.add.f32 [tilespmem:s12], [sflag:$0x4], $0x10, s21, s9, $0xb8;
	[tilespmem:$0x11F10] =	vst v63  }
0xc2: {  	_ =	swait.ge [sflag:s14], $0x4000  }
0xc3: {  	[sflag:s14] =	ssyncset.done $0x0  }
0xc4: {  	[sflag:s14] =	ssyncadd.s32 $0xFFFFC000  }
0xc5: {  	[tilespmem:s10], [sflag:$0x1] =	stream.indirect.gather [spmem:s2], $0x10, s22, s9, $0xb8;
	[tilespmem:$0x11F10] =	vst v63  }
0xc6: {  	_ =	swait.ge [sflag:s11], $0x4000  }
0xc7: {  	[sflag:s11] =	ssyncset.done $0x0  }
0xc8: {  	[sflag:s11] =	ssyncadd.s32 $0xFFFFC000  }
0xc9: {  	[spmem:s1] =	stream.indirect.scatter.add.f32 [tilespmem:s10], [sflag:$0x3], $0x10, s23, s9, $0xb8;
	[tilespmem:$0x11F10] =	vst v63  }
0xca: {  	_ =	swait.ge [sflag:s15], $0x4000  }
0xcb: {  	[sflag:s15] =	ssyncset.done $0x0  }
0xcc: {  	[sflag:s15] =	ssyncadd.s32 $0xFFFFC000  }
0xcd: {  	[tilespmem:s12], [sflag:$0x2] =	stream.indirect.gather [spmem:s2], $0x10, s24, s9, $0xb8;
	[tilespmem:$0x11F10] =	vst v63  }
0xce: {  	_ =	swait.ge [sflag:s13], $0x4000  }
0xcf: {  	[sflag:s13] =	ssyncset.done $0x0  }
0xd0: {  	[sflag:s13] =	ssyncadd.s32 $0xFFFFC000  }
0xd1: {  	[spmem:s1] =	stream.indirect.scatter.add.f32 [tilespmem:s12], [sflag:$0x4], $0x10, s25, s9, $0xb8;
	[tilespmem:$0x11F10] =	vst v63  }
0xd2: {  	_ =	swait.ge [sflag:s14], $0x4000  }
0xd3: {  	[sflag:s14] =	ssyncset.done $0x0  }
0xd4: {  	[sflag:s14] =	ssyncadd.s32 $0xFFFFC000  }
0xd5: {  	[tilespmem:s10], [sflag:$0x1] =	stream.indirect.gather [spmem:s2], $0x10, s26, s9, $0xb8;
	[tilespmem:$0x11F10] =	vst v63  }
0xd6: {  	_ =	swait.ge [sflag:s11], $0x4000  }
0xd7: {  	[sflag:s11] =	ssyncset.done $0x0  }
0xd8: {  	[sflag:s11] =	ssyncadd.s32 $0xFFFFC000  }
0xd9: {  	[spmem:s1] =	stream.indirect.scatter.add.f32 [tilespmem:s10], [sflag:$0x3], $0x10, s28, s9, $0xb8;
	[tilespmem:$0x11F10] =	vst v63  }
0xda: {  	_ =	swait.ge [sflag:s15], $0x4000  }
0xdb: {  	[sflag:s15] =	ssyncset.done $0x0  }
0xdc: {  	[sflag:s15] =	ssyncadd.s32 $0xFFFFC000  }
0xdd: {  	[tilespmem:s12], [sflag:$0x2] =	stream.indirect.gather [spmem:s2], $0x10, s29, s9, $0xb8;
	[tilespmem:$0x11F10] =	vst v63  }
0xde: {  	_ =	swait.ge [sflag:s13], $0x4000  }
0xdf: {  	[sflag:s13] =	ssyncset.done $0x0  }
0xe0: {  	[sflag:s13] =	ssyncadd.s32 $0xFFFFC000  }
0xe1: {  	[spmem:s1] =	stream.indirect.scatter.add.f32 [tilespmem:s12], [sflag:$0x4], $0x10, s30, s9, $0xb8;
	[tilespmem:$0x11F10] =	vst v63  }
0xe2: {  	_ =	swait.ge [sflag:s14], $0x4000  }
0xe3: {  	[sflag:s14] =	ssyncset.done $0x0  }
0xe4: {  	s31 =	sadd.s32 $0xFFFFFFFF, s31;
	[sflag:s14] =	ssyncadd.s32 $0xFFFFC000  }
0xe5: {  	p1 =	sne.s32 s31, $0x0;
	_ =	swait.ge [sflag:s15], $0x4000  }
.Ltmp1:
0xe6: {  	[sflag:s15] =	ssyncset.done $0x0;
	(pc) =	sbr.rel @p1 .LBB2_1-.Ltmp1, $4  }
0xe7: {  	[sflag:s15] =	ssyncadd.s32 $0xFFFFC000  }
0xe8: {  	[bflag:$0x0] =	sbarrier.arrive $0xFFFF  }
0xe9: {  	s16 =	rddreg [dreg:$0xa]  }
0xea: {  	[hbm:s16], [sflag:s4] =	dma.local [spmem:s6], $0x500  }
.LBB2_2:
0xeb: {  	_ =	swait.ge [sflag:s5], $0x500  }
0xec: {  	[sflag:s5] =	ssyncset.done $0x0  }
0xed: {  	[sflag:s5] =	ssyncadd.s32 $0xFFFFFB00  }
0xee: {  	_ =	sfence.sel $0x180000  }
0xef: {  	[bflag:$0x0] =	sbarrier.arrive $0xFFFF  }
0xf0: {  	_ =	strace $0x90000050  }
0xf1: {  	[bflag:$0x2] =	sbarrier.arrive $0xFFFF  }
0xf2: {  	s0 =	rddreg [dreg:$0x4]  }
0xf3: {  	s0 =	sadd.s32 @!p0 $0x100000, s0  }
0xf4: {  	[sflag:s0] =	ssyncadd.tile.s32 @!p0 $0x1;
	_ =	shalt  }
.Lfunc_end2:
_tile_overlayer_lowered:
.L_overlay_start_2:
0xf5: {  	(tag) =	ssettag $0x2  }
0xf6: {  	s0 =	rddreg [dreg:$0x0];
	s2 =	stileid.u32  }
0xf7: {  	s1 =	rddreg [dreg:$0x1];
	p0 =	sne.s32 s2, $0x0  }
0xf8: {  	s3 =	rddreg [dreg:$0x2];
	[bflag:$0x3] =	sbarrier.arrive $0xFFFF;
	s2 =	simm.s32 @!p0 $0x1C05  }
0xf9: {  	[timem:s3], [sflag:s2] =	dma.local @!p0 [hbm:s0], s1  }
0xfa: {  	s0 =	simm.s32 @!p0 $0x5  }
0xfb: {  	_ =	swait.ge @!p0 [sflag:s0], s1  }
0xfc: {  	s1 =	ssub.s32 @!p0 $0x0, s1;
	[sflag:s0] =	ssyncset.done @!p0 $0x0  }
0xfd: {  	[sflag:s0] =	ssyncadd.s32 @!p0 s1  }
0xfe: {  	[bflag:$0x3] =	sbarrier.arrive $0xFFFF  }
0xff: {  	_ =	shalt  }

// kernel: kernel.22.cloned.1.call-start
scs
__scs_entry_jumppad:
0x0: {  	(pc) =	sbr.rel $0x88, $3  }
0x1: {  	(tag) =	ssettag $0x0;
	lr =	simm.s32 $0x1  }
0x2: {  	[smem:$0x3F9B] =	sst lr;
	_ =	strace $0xD0000000  }
0x3: {  	_ = 	snop  }
0x4: {  	_ = 	snop  }
0x5: {  	_ = 	snop  }
0x6: {  	_ = 	snop  }
0x7: {  	_ = 	snop  }
__scs_overlays_trampoline_lowered:
0x8: {  	[smem:$0x3FAA] =	sst s0  }
0x9: {  	[smem:$0x3FAB] =	sst s1  }
0xa: {  	[smem:$0x3FAC] =	sst s2  }
0xb: {  	[smem:$0x3FAD] =	sst s3  }
0xc: {  	[smem:$0x3FAE] =	sst s4  }
0xd: {  	[smem:$0x3FAF] =	sst s5  }
0xe: {  	[smem:$0x3FB0] =	sst s6  }
0xf: {  	[smem:$0x3FB1] =	sst s7  }
0x10: {  	[smem:$0x3FB2] =	sst s8  }
0x11: {  	[smem:$0x3FB3] =	sst s9;
	s0 =	simm.s32 @!p0 $0x0  }
0x12: {  	s1 =	sld [smem:$0x3F99];
	s0 =	simm.s32 @p0 $0x1  }
0x13: {  	[smem:$0x3FB4] =	sst s0;
	s0 =	simm.s32 @!p1 $0x0  }
0x14: {  	s2 =	sld [smem:$0x3F98];
	s0 =	simm.s32 @p1 $0x1  }
0x15: {  	[smem:$0x3FB5] =	sst s0;
	s0 =	simm.s32 @!p2 $0x0  }
0x16: {  	s3 =	sld [smem:$0x3FDB];
	s0 =	simm.s32 @p2 $0x1  }
0x17: {  	s4 =	simm.s32 $0x1BF5;
	[smem:$0x3FB7] =	sst s0  }
0x18: {  	s0 =	sld [smem:$0x3F9A];
	_ =	swait.ge [sflag:s4], $0x0  }
0x19: {  	s7 =	sld [smem:$0x3F9B]  }
0x1a: {  	s8 =	sadd.s32 $0xFFFFE003, lr  }
0x1b: {  	s9 =	sadd.s32 $0xFFFFFEF7, lr;
	s5 =	simm.s32 $0xFFFFFFFF;
	p2 =	slt.u32 s8, $0xFFFFF086  }
0x1c: {  	p1 =	slt.u32 s9, $0xF7A;
	s5 =	simm.s32 @!p2 $0x0  }
0x1d: {  	s5 =	simm.s32 @p1 $0x1;
	p0 =	seq.s32 s7, s2  }
0x1e: {  	s7 =	smul.u32 @!p0 $0xF7A, s2;
	p2 =	seq.s32 @!p0 s5, $0x0  }
0x1f: {  	s9 =	smul.u32 $0xF7A, s1;
	s8 =	simm.s32 @!p0 $0x1BF5;
	p2 =	por !p2, p0  }
0x20: {  	[sflag:s8] =	ssyncset.s32 @!p0 $0xFFFFF086;
	s6 =	sadd.s32 @!p0 s3, s7;
	s7 =	simm.s32 @!p0 $0x108  }
0x21: {  	s3 =	sadd.s32 s3, s9;
	s6 =	sadd.s32 @!p0 $0x88, s6;
	s7 =	simm.s32 @p2 $0x1082  }
0x22: {  	[simem:s7], [sflag:s8] =	dma.local @!p0 [hbm:s6], $0xF7A  }
0x23: {  	s9 =	sor.u32 $0xD0000000, s2;
	s6 =	simm.s32 $0x108;
	_ =	swait.ge @!p0 [sflag:s8], $0x0  }
0x24: {  	s3 =	sadd.s32 $0x88, s3;
	s6 =	simm.s32 @!p1 $0x1082;
	[sflag:s4] =	ssyncset.s32 $0xFFFFF086  }
0x25: {  	[simem:s6], [sflag:s4] =	dma.local [hbm:s3], $0xF7A  }
0x26: {  	[smem:$0x3F9B] =	sst s1;
	(tag) =	ssettag s2;
	_ =	strace s9  }
0x27: {  	s1 =	sld [smem:$0x3FAB]  }
0x28: {  	s2 =	sld [smem:$0x3FAC]  }
0x29: {  	s4 =	sld [smem:$0x3FAE]  }
0x2a: {  	p0 =	seq.s32 s5, $0x0;
	s5 =	sld [smem:$0x3FAF]  }
0x2b: {  	s6 =	sld [smem:$0x3FB0]  }
0x2c: {  	s7 =	sld [smem:$0x3FB1]  }
0x2d: {  	s3 =	simm.s32 $0x108;
	s8 =	sld [smem:$0x3FB2]  }
0x2e: {  	s3 =	simm.s32 @!p0 $0x1082;
	s9 =	sld [smem:$0x3FB3]  }
0x2f: {  	lr =	sadd.s32 s0, s3;
	s0 =	sld [smem:$0x3FAA]  }
0x30: {  	s3 =	sld [smem:$0x3FAD]  }
0x31: {  	[smem:$0x3FB6] =	sst s10  }
0x32: {  	s10 =	sld [smem:$0x3FB4];
	_ =	sdelay $0x3  }
0x33: {  	p0 =	seq.s32 s10, $0x1;
	s10 =	sld [smem:$0x3FB6];
	_ =	sdelay $0x3  }
0x34: {  	[smem:$0x3FB6] =	sst s10  }
0x35: {  	s10 =	sld [smem:$0x3FB5];
	_ =	sdelay $0x3  }
0x36: {  	p1 =	seq.s32 s10, $0x1;
	s10 =	sld [smem:$0x3FB6];
	_ =	sdelay $0x3  }
0x37: {  	[smem:$0x3FB6] =	sst s10  }
0x38: {  	s10 =	sld [smem:$0x3FB7]  }
0x39: {  	_ = 	snop;
	(pc) =	sbr.ind lr, $3  }
0x3a: {  	_ = 	snop  }
0x3b: {  	_ = 	snop  }
0x3c: {  	p2 =	seq.s32 s10, $0x1;
	s10 =	sld [smem:$0x3FB6]  }
0x3d: {  	_ =	shalt  }
0x3e: {  	_ =	shalt  }
0x3f: {  	_ =	shalt  }
0x40: {  	_ =	shalt  }
0x41: {  	_ =	shalt  }
0x42: {  	_ =	shalt  }
0x43: {  	_ =	shalt  }
0x44: {  	_ =	shalt  }
0x45: {  	_ =	shalt  }
0x46: {  	_ =	shalt  }
0x47: {  	_ =	shalt  }
0x48: {  	_ =	shalt  }
0x49: {  	_ =	shalt  }
0x4a: {  	_ =	shalt  }
0x4b: {  	_ =	shalt  }
0x4c: {  	_ =	shalt  }
0x4d: {  	_ =	shalt  }
0x4e: {  	_ =	shalt  }
0x4f: {  	_ =	shalt  }
0x50: {  	_ =	shalt  }
0x51: {  	_ =	shalt  }
0x52: {  	_ =	shalt  }
0x53: {  	_ =	shalt  }
0x54: {  	_ =	shalt  }
0x55: {  	_ =	shalt  }
0x56: {  	_ =	shalt  }
0x57: {  	_ =	shalt  }
0x58: {  	_ =	shalt  }
0x59: {  	_ =	shalt  }
0x5a: {  	_ =	shalt  }
0x5b: {  	_ =	shalt  }
0x5c: {  	_ =	shalt  }
0x5d: {  	_ =	shalt  }
0x5e: {  	_ =	shalt  }
0x5f: {  	_ =	shalt  }
0x60: {  	_ =	shalt  }
0x61: {  	_ =	shalt  }
0x62: {  	_ =	shalt  }
0x63: {  	_ =	shalt  }
0x64: {  	_ =	shalt  }
0x65: {  	_ =	shalt  }
0x66: {  	_ =	shalt  }
0x67: {  	_ =	shalt  }
0x68: {  	_ =	shalt  }
0x69: {  	_ =	shalt  }
0x6a: {  	_ =	shalt  }
0x6b: {  	_ =	shalt  }
0x6c: {  	_ =	shalt  }
0x6d: {  	_ =	shalt  }
0x6e: {  	_ =	shalt  }
0x6f: {  	_ =	shalt  }
0x70: {  	_ =	shalt  }
0x71: {  	_ =	shalt  }
0x72: {  	_ =	shalt  }
0x73: {  	_ =	shalt  }
0x74: {  	_ =	shalt  }
0x75: {  	_ =	shalt  }
0x76: {  	_ =	shalt  }
0x77: {  	_ =	shalt  }
0x78: {  	_ =	shalt  }
0x79: {  	_ =	shalt  }
0x7a: {  	_ =	shalt  }
0x7b: {  	_ =	shalt  }
0x7c: {  	_ =	shalt  }
0x7d: {  	_ =	shalt  }
0x7e: {  	_ =	shalt  }
0x7f: {  	_ =	shalt  }
0x80: {  	_ =	shalt  }
0x81: {  	_ =	shalt  }
0x82: {  	_ =	shalt  }
0x83: {  	_ =	shalt  }
0x84: {  	_ =	shalt  }
0x85: {  	_ =	shalt  }
0x86: {  	_ =	shalt  }
0x87: {  	_ =	shalt  }
.Lfunc_end0:
.L_simem_size_0:
called_computation.4_lowered:
.L_overlay_start_0:
0x88: {  	s2 =	sld [smem:$0x3FD9]  }
0x89: {  	s3 =	sld [smem:$0x3FFE];
	_ =	sdelay $0x1  }
0x8a: {  	s1 =	srdreg.scid  }
0x8b: {  	s0 =	sand.u32 $0x1, s1  }
0x8c: {  	s17 =	sshll.u32 s0, $0xA;
	s2 =	sadd.s32 s3, s2  }
0x8d: {  	s2 =	sadd.s32 s2, s17  }
0x8e: {  	[smem:$0x3FC2] =	sst s2  }
0x8f: {  	_ = 	snop  }
0x90: {  	s18 =	sld [smem:$0x3FD0];
	(tm) =	ssettm $0x1  }
0x91: {  	s19 =	sld [smem:$0x3FFB];
	_ =	sdelay $0x3  }
0x92: {  	_ =	strace s19  }
0x93: {  	s2 =	sld [smem:$0x3FFC];
	_ =	sdelay $0x3  }
0x94: {  	_ =	strace s2  }
0x95: {  	s2 =	sld [smem:$0x3FFD];
	_ =	sdelay $0x3  }
0x96: {  	_ =	strace s2  }
0x97: {  	_ =	strace $0x8FFFFFFF  }
0x98: {  	s20 =	sld [smem:$0x3FDB];
	_ =	sdelay $0x1  }
0x99: {  	s4 =	simm.s32 $_scs_section_size  }
0x9a: {  	s5 =	simm.s32 $_size__tile_overlayer_lowered;
	s6 =	simm.s32 $_tile_overlayer_lowered  }
0x9b: {  	s7 =	simm.s32 $0x1BFF;
	s21 =	sshll.u32 s6, $0x1;
	s4 =	sadd.s32 s4, s20  }
0x9c: {  	s22 =	simm.s32 $0x0;
	s5 =	sshll.u32 s5, $0x1;
	s6 =	sadd.s32 s21, s4  }
0x9d: {  	[timem:s22], [sflag:s7] =	dma.local [hbm:s6], s5  }
0x9e: {  	_ =	swait.ge [sflag:s7], s5  }
0x9f: {  	s5 =	ssub.s32 $0x0, s5;
	[sflag:s7] =	ssyncset.done $0x0  }
0xa0: {  	[sflag:s7] =	ssyncadd.s32 s5;
	_ =	sdelay $0x1  }
0xa1: {  	s23 =	simm.s32 $0x1B8B  }
0xa2: {  	_ =	swait.ge [sflag:s23], $0x1  }
0xa3: {  	[sflag:s23] =	ssyncset.done $0x0  }
0xa4: {  	[sflag:s23] =	ssyncadd.s32 $0xFFFFFFFF  }
0xa5: {  	s5 =	sld [smem:$0x0]  }
0xa6: {  	s6 =	sand.u32 $0xFFFFFFFE, s1  }
0xa7: {  	p0 =	sne.s32 s1, s6  }
0xa8: {  	s6 =	sshll.u32 @p0 s6, $0xE  }
0xa9: {  	s6 =	sadd.s32 @p0 $0x11B8D, s6;
	s7 =	sshll.u32 @p0 s5, $0x11  }
0xaa: {  	s6 =	sor.u32 @p0 s7, s6  }
0xab: {  	[sflag:s6] =	ssyncadd.remote.s32 @p0 $0x1;
	_ =	sdelay $0x1  }
0xac: {  	s6 =	simm.s32 @p0 $0x1B8D  }
0xad: {  	_ =	swait.eq @p0 [sflag:s6], $0x1  }
0xae: {  	[sflag:s6] =	ssyncadd.s32 @p0 $0xFFFFFFFF  }
0xaf: {  	s7 =	sshll.u32 @!p0 s1, $0xE  }
0xb0: {  	s7 =	sor.u32 @!p0 $0x4000, s7;
	s6 =	simm.s32 @!p0 $0x1B8D  }
0xb1: {  	s5 =	sshll.u32 @!p0 s5, $0x11;
	s7 =	sadd.s32 @!p0 $0x11B8D, s7;
	_ =	swait.eq @!p0 [sflag:s6], $0x1  }
0xb2: {  	s5 =	sor.u32 @!p0 s5, s7;
	[sflag:s6] =	ssyncadd.s32 @!p0 $0xFFFFFFFF  }
0xb3: {  	s25 =	simm.s32 $0x1B8E;
	s24 =	sld [smem:$0x3FFE];
	[sflag:s5] =	ssyncadd.remote.s32 @!p0 $0x1  }
0xb4: {  	s26 =	simm.s32 $execute0_lowered;
	[smem:$0x3FD2] =	sst s25  }
0xb5: {  	s6 =	sshll.u32 s26, $0x1;
	_ =	strace $0x80000052;
	[dreg:$0x1] =	wrdreg $0xFFFFFFFF  }
0xb6: {  	s28 =	simm.s32 $_size_execute0_lowered;
	s4 =	sadd.s32 s4, s6;
	[dreg:$0x0] =	wrdreg $0x0  }
0xb7: {  	s6 =	sshll.u32 s28, $0x1;
	[dreg:$0x2] =	wrdreg s4  }
0xb8: {  	[dreg:$0x3] =	wrdreg s6  }
0xb9: {  	[dreg:$0x4] =	wrdreg $0xC0  }
0xba: {  	_ =	task [dreg:s22], $0x5FFFF  }
0xbb: {  	[dreg:$0x1] =	wrdreg $0xFFFFFFFF  }
0xbc: {  	[dreg:$0x0] =	wrdreg $0x60  }
0xbd: {  	[dreg:$0x2] =	wrdreg s24  }
0xbe: {  	[dreg:$0x3] =	wrdreg s18  }
0xbf: {  	[dreg:$0x4] =	wrdreg $0x90000  }
0xc0: {  	[dreg:$0x5] =	wrdreg $0xA4000  }
0xc1: {  	[dreg:$0x6] =	wrdreg $0xB  }
0xc2: {  	_ =	task.clear_ibuf [dreg:s22], $0x7FFFF;
	_ =	strace $0x90000052  }
0xc3: {  	s29 =	simm.s32 $0xB;
	_ =	strace $0x80000054  }
0xc4: {  	_ =	swait.ge [sflag:s29], $0x1  }
0xc5: {  	[sflag:s29] =	ssyncadd.s32 $0xFFFFFFFF  }
0xc6: {  	_ =	strace $0x90000054  }
0xc7: {  	_ =	sfence  }
0xc8: {  	s30 =	sld [smem:$0x0];
	_ =	sdelay $0x2  }
0xc9: {  	s31 =	sshll.u32 s1, $0xD;
	s1 =	sshrl.u32 s1, $0x2  }
0xca: {  	s4 =	sand.u32 $0x4000, s31;
	s1 =	sadd.s32 s1, s30  }
0xcb: {  	s0 =	sor.u32 s4, s0;
	s1 =	sshll.u32 s1, $0x11  }
0xcc: {  	s0 =	sor.u32 s1, s0  }
0xcd: {  	s0 =	sadd.s32 $0x8F2B, s0  }
0xce: {  	[sflag:s0] =	ssyncadd.remote.s32 $0x1  }
0xcf: {  	_ =	sfence.sel $0xFFFF  }
0xd0: {  	[dreg:$0x0] =	wrdreg $0xFFFFFFFF;
	(pc) =	sbr.abs _section_cstart, $3  }
0xd1: {  	[dreg:$0x1] =	wrdreg $0xFFFFFFFF  }
0xd2: {  	_ =	task.clear_ibuf [dreg:s22], $0x2FFFF;
	_ =	strace $0x9FFFFFFF  }
0xd3: {  	(tm) =	ssettm $0x7FFFFFFF  }
tec
execute0_lowered:
.L_overlay_start_1:
0x0: {  	(tag) =	ssettag $0x1  }
0x1: {  	s4 =	rddreg [dreg:$0x0]  }
0x2: {  	s5 =	rddreg [dreg:$0x1]  }
0x3: {  	s1 =	rddreg [dreg:$0x2]  }
0x4: {  	s2 =	rddreg [dreg:$0x3]  }
0x5: {  	s3 =	simm.s32 $0x0;
	s6 =	srdreg.scid;
	s7 =	stileid.u32  }
0x6: {  	s16 =	simm.s32 $0x2C00;
	s19 =	simm.s32 $0x800;
	s21 =	simm.s32 $0x3000  }
0x7: {  	s31 =	sand.u32 $0x1, s6;
	s25 =	sshll.u32 s7, $0x1;
	[smem:$0x7FF] =	sst s3  }
0x8: {  	s8 =	smul.u32 $0x1400, s7;
	_ =	strace $0x80000053;
	[dreg:$0xd] =	wrdreg s16  }
0x9: {  	s9 =	smul.u32 $0x1380, s7;
	p0 =	sne.s32 s7, $0x0;
	[dreg:$0xe] =	wrdreg s19  }
0xa: {  	s6 =	sor.u32 s31, s25;
	s12 =	smul.u32 $0x14000, s31;
	[dreg:$0xf] =	wrdreg s21  }
0xb: {  	s10 =	sshrl.u32 s8, $0x3;
	s11 =	sshrl.u32 s9, $0x3;
	s9 =	sadd.s32 s9, s2  }
0xc: {  	s6 =	smul.u32 $0x500, s6;
	s10 =	sadd.s32 s10, s4;
	s15 =	sshrl.u32 s9, $0x3  }
0xd: {  	s11 =	sadd.s32 s11, s4;
	s10 =	sadd.s32 $0x5A200, s10;
	[dreg:$0xb] =	wrdreg s15  }
0xe: {  	s12 =	sadd.s32 s8, s12;
	s26 =	sadd.s32 $0x57A00, s11;
	[dreg:$0x5] =	wrdreg s10  }
0xf: {  	s0 =	sshrl.u32 s12, $0x3;
	s12 =	sadd.s32 $0x5A100, s4;
	[dreg:$0x6] =	wrdreg s26  }
0x10: {  	s13 =	sadd.s32 s6, s4;
	s5 =	sadd.s32 s5, s6;
	[dreg:$0x7] =	wrdreg s12  }
0x11: {  	s18 =	sshll.u32 s7, $0x6;
	s14 =	sadd.s32 $0xD800, s13;
	[dreg:$0x9] =	wrdreg s5  }
0x12: {  	s17 =	sadd.s32 s8, s1;
	s4 =	sadd.s32 s0, s4;
	[dreg:$0x8] =	wrdreg s14  }
0x13: {  	s6 =	sadd.s32 $0x13800, s2;
	s4 =	sadd.s32 $0x5CA00, s4;
	s20 =	rddreg [dreg:$0x5]  }
0x14: {  	s5 =	simm.s32 $0x5;
	[dreg:$0xa] =	wrdreg s4;
	s4 =	sshrl.u32 @!p0 s6, $0x3  }
0x15: {  	s6 =	sshrl.u32 s17, $0x3;
	[dreg:$0xc] =	wrdreg s4;
	s4 =	sor.u32 $0x1C05, s18  }
0x16: {  	[spmem:s6], [sflag:s4] =	dma.local [hbm:s20], $0x280  }
0x17: {  	_ =	swait.ge [sflag:s5], $0x280  }
0x18: {  	s22 =	rddreg [dreg:$0x6];
	[sflag:s5] =	ssyncset.done $0x0  }
0x19: {  	s23 =	rddreg [dreg:$0xb];
	[sflag:s5] =	ssyncadd.s32 $0xFFFFFD80  }
0x1a: {  	[spmem:s23], [sflag:s4] =	dma.local [hbm:s22], $0x270  }
0x1b: {  	_ =	swait.ge [sflag:s5], $0x270  }
0x1c: {  	s8 =	rddreg [dreg:$0x7];
	[sflag:s5] =	ssyncset.done $0x0  }
0x1d: {  	s7 =	simm.s32 @!p0 $0x5;
	s9 =	rddreg [dreg:$0xc];
	[sflag:s5] =	ssyncadd.s32 $0xFFFFFD90  }
0x1e: {  	[spmem:s9], [sflag:s4] =	dma.local @!p0 [hbm:s8], $0x10  }
0x1f: {  	_ =	swait.ge @!p0 [sflag:s7], $0x10  }
0x20: {  	[sflag:s7] =	ssyncset.done @!p0 $0x0  }
0x21: {  	s24 =	rddreg [dreg:$0x8];
	[sflag:s7] =	ssyncadd.s32 @!p0 $0xFFFFFFF0  }
0x22: {  	[tilespmem:s3], [sflag:$0x5] =	stream.linear.gather [hbm4b:s24+s3], $0x2800, $0x38;
	[tilespmem:$0xB788] =	vst v63  }
0x23: {  	_ =	swait.ge [sflag:s5], $0x2800  }
0x24: {  	[sflag:s5] =	ssyncset.done $0x0  }
0x25: {  	s8 =	simm.s32 $0x2800;
	s25 =	rddreg [dreg:$0x9];
	[sflag:s5] =	ssyncadd.s32 $0xFFFFD800  }
0x26: {  	[tilespmem:s8], [sflag:$0x5] =	stream.linear.gather [hbm4b:s25+s3], $0x2800, $0x38;
	[tilespmem:$0xB788] =	vst v63  }
0x27: {  	_ =	swait.ge [sflag:s5], $0x2800  }
0x28: {  	[sflag:s5] =	ssyncset.done $0x0  }
0x29: {  	s11 =	simm.s32 $0x1;
	[sflag:s5] =	ssyncadd.s32 $0xFFFFD800  }
0x2a: {  	s10 =	simm.s32 $0x5000;
	s9 =	simm.s32 $0x400;
	[bflag:$0x0] =	sbarrier.arrive $0xFFFF  }
0x2b: {  	[tilespmem:s10], [sflag:$0x1] =	stream.indirect.gather [spmem:s2], $0x8, s3, s9, $0xb8;
	[tilespmem:$0xB788] =	vst v63  }
0x2c: {  	_ =	swait.ge [sflag:s11], $0x2000  }
0x2d: {  	[sflag:s11] =	ssyncset.done $0x0  }
0x2e: {  	[sflag:s11] =	ssyncadd.s32 $0xFFFFE000  }
0x2f: {  	[spmem:s1] =	stream.indirect.scatter.add.f32 [tilespmem:s10], [sflag:$0x3], $0x8, s8, s9, $0xb8;
	[tilespmem:$0xB788] =	vst v63  }
0x30: {  	s12 =	simm.s32 $0x7000;
	s13 =	simm.s32 $0x2  }
0x31: {  	[tilespmem:s12], [sflag:$0x2] =	stream.indirect.gather [spmem:s2], $0x8, s9, s9, $0xb8;
	[tilespmem:$0xB788] =	vst v63  }
0x32: {  	_ =	swait.ge [sflag:s13], $0x2000  }
0x33: {  	[sflag:s13] =	ssyncset.done $0x0  }
0x34: {  	s14 =	simm.s32 $0x3;
	s15 =	rddreg [dreg:$0xd];
	[sflag:s13] =	ssyncadd.s32 $0xFFFFE000  }
0x35: {  	[spmem:s1] =	stream.indirect.scatter.add.f32 [tilespmem:s12], [sflag:$0x4], $0x8, s15, s9, $0xb8;
	[tilespmem:$0xB788] =	vst v63  }
0x36: {  	_ =	swait.ge [sflag:s14], $0x2000  }
0x37: {  	[sflag:s14] =	ssyncset.done $0x0  }
0x38: {  	s26 =	rddreg [dreg:$0xe];
	[sflag:s14] =	ssyncadd.s32 $0xFFFFE000  }
0x39: {  	[tilespmem:s10], [sflag:$0x1] =	stream.indirect.gather [spmem:s2], $0x8, s26, s9, $0xb8;
	[tilespmem:$0xB788] =	vst v63  }
0x3a: {  	_ =	swait.ge [sflag:s11], $0x2000  }
0x3b: {  	[sflag:s11] =	ssyncset.done $0x0  }
0x3c: {  	s15 =	simm.s32 $0x4;
	s16 =	rddreg [dreg:$0xf];
	[sflag:s11] =	ssyncadd.s32 $0xFFFFE000  }
0x3d: {  	[spmem:s1] =	stream.indirect.scatter.add.f32 [tilespmem:s10], [sflag:$0x3], $0x8, s16, s9, $0xb8;
	[tilespmem:$0xB788] =	vst v63  }
0x3e: {  	_ =	swait.ge [sflag:s15], $0x2000  }
0x3f: {  	[sflag:s15] =	ssyncset.done $0x0  }
0x40: {  	s0 =	simm.s32 $0xC00;
	[sflag:s15] =	ssyncadd.s32 $0xFFFFE000  }
0x41: {  	[tilespmem:s12], [sflag:$0x2] =	stream.indirect.gather [spmem:s2], $0x8, s0, s9, $0xb8;
	[tilespmem:$0xB788] =	vst v63  }
0x42: {  	_ =	swait.ge [sflag:s13], $0x2000  }
0x43: {  	[sflag:s13] =	ssyncset.done $0x0  }
0x44: {  	s17 =	simm.s32 $0x3400;
	[sflag:s13] =	ssyncadd.s32 $0xFFFFE000  }
0x45: {  	[spmem:s1] =	stream.indirect.scatter.add.f32 [tilespmem:s12], [sflag:$0x4], $0x8, s17, s9, $0xb8;
	[tilespmem:$0xB788] =	vst v63  }
0x46: {  	_ =	swait.ge [sflag:s14], $0x2000  }
0x47: {  	[sflag:s14] =	ssyncset.done $0x0  }
0x48: {  	s18 =	simm.s32 $0x1000;
	[sflag:s14] =	ssyncadd.s32 $0xFFFFE000  }
0x49: {  	[tilespmem:s10], [sflag:$0x1] =	stream.indirect.gather [spmem:s2], $0x8, s18, s9, $0xb8;
	[tilespmem:$0xB788] =	vst v63  }
0x4a: {  	_ =	swait.ge [sflag:s11], $0x2000  }
0x4b: {  	[sflag:s11] =	ssyncset.done $0x0  }
0x4c: {  	s19 =	simm.s32 $0x3800;
	[sflag:s11] =	ssyncadd.s32 $0xFFFFE000  }
0x4d: {  	[spmem:s1] =	stream.indirect.scatter.add.f32 [tilespmem:s10], [sflag:$0x3], $0x8, s19, s9, $0xb8;
	[tilespmem:$0xB788] =	vst v63  }
0x4e: {  	_ =	swait.ge [sflag:s15], $0x2000  }
0x4f: {  	[sflag:s15] =	ssyncset.done $0x0  }
0x50: {  	s20 =	simm.s32 $0x1400;
	[sflag:s15] =	ssyncadd.s32 $0xFFFFE000  }
0x51: {  	[tilespmem:s12], [sflag:$0x2] =	stream.indirect.gather [spmem:s2], $0x8, s20, s9, $0xb8;
	[tilespmem:$0xB788] =	vst v63  }
0x52: {  	_ =	swait.ge [sflag:s13], $0x2000  }
0x53: {  	[sflag:s13] =	ssyncset.done $0x0  }
0x54: {  	s21 =	simm.s32 $0x3C00;
	[sflag:s13] =	ssyncadd.s32 $0xFFFFE000  }
0x55: {  	[spmem:s1] =	stream.indirect.scatter.add.f32 [tilespmem:s12], [sflag:$0x4], $0x8, s21, s9, $0xb8;
	[tilespmem:$0xB788] =	vst v63  }
0x56: {  	_ =	swait.ge [sflag:s14], $0x2000  }
0x57: {  	[sflag:s14] =	ssyncset.done $0x0  }
0x58: {  	s22 =	simm.s32 $0x1800;
	[sflag:s14] =	ssyncadd.s32 $0xFFFFE000  }
0x59: {  	[tilespmem:s10], [sflag:$0x1] =	stream.indirect.gather [spmem:s2], $0x8, s22, s9, $0xb8;
	[tilespmem:$0xB788] =	vst v63  }
0x5a: {  	_ =	swait.ge [sflag:s11], $0x2000  }
0x5b: {  	[sflag:s11] =	ssyncset.done $0x0  }
0x5c: {  	s23 =	simm.s32 $0x4000;
	[sflag:s11] =	ssyncadd.s32 $0xFFFFE000  }
0x5d: {  	[spmem:s1] =	stream.indirect.scatter.add.f32 [tilespmem:s10], [sflag:$0x3], $0x8, s23, s9, $0xb8;
	[tilespmem:$0xB788] =	vst v63  }
0x5e: {  	_ =	swait.ge [sflag:s15], $0x2000  }
0x5f: {  	[sflag:s15] =	ssyncset.done $0x0  }
0x60: {  	s24 =	simm.s32 $0x1C00;
	[sflag:s15] =	ssyncadd.s32 $0xFFFFE000  }
0x61: {  	[tilespmem:s12], [sflag:$0x2] =	stream.indirect.gather [spmem:s2], $0x8, s24, s9, $0xb8;
	[tilespmem:$0xB788] =	vst v63  }
0x62: {  	_ =	swait.ge [sflag:s13], $0x2000  }
0x63: {  	[sflag:s13] =	ssyncset.done $0x0  }
0x64: {  	s25 =	simm.s32 $0x4400;
	[sflag:s13] =	ssyncadd.s32 $0xFFFFE000  }
0x65: {  	[spmem:s1] =	stream.indirect.scatter.add.f32 [tilespmem:s12], [sflag:$0x4], $0x8, s25, s9, $0xb8;
	[tilespmem:$0xB788] =	vst v63  }
0x66: {  	_ =	swait.ge [sflag:s14], $0x2000  }
0x67: {  	[sflag:s14] =	ssyncset.done $0x0  }
0x68: {  	s26 =	simm.s32 $0x2000;
	[sflag:s14] =	ssyncadd.s32 $0xFFFFE000  }
0x69: {  	[tilespmem:s10], [sflag:$0x1] =	stream.indirect.gather [spmem:s2], $0x8, s26, s9, $0xb8;
	[tilespmem:$0xB788] =	vst v63  }
0x6a: {  	_ =	swait.ge [sflag:s11], $0x2000  }
0x6b: {  	[sflag:s11] =	ssyncset.done $0x0  }
0x6c: {  	s28 =	simm.s32 $0x4800;
	[sflag:s11] =	ssyncadd.s32 $0xFFFFE000  }
0x6d: {  	[spmem:s1] =	stream.indirect.scatter.add.f32 [tilespmem:s10], [sflag:$0x3], $0x8, s28, s9, $0xb8;
	[tilespmem:$0xB788] =	vst v63  }
0x6e: {  	_ =	swait.ge [sflag:s15], $0x2000  }
0x6f: {  	[sflag:s15] =	ssyncset.done $0x0  }
0x70: {  	s29 =	simm.s32 $0x2400;
	[sflag:s15] =	ssyncadd.s32 $0xFFFFE000  }
0x71: {  	[tilespmem:s12], [sflag:$0x2] =	stream.indirect.gather [spmem:s2], $0x8, s29, s9, $0xb8;
	[tilespmem:$0xB788] =	vst v63  }
0x72: {  	_ =	swait.ge [sflag:s13], $0x2000  }
0x73: {  	s31 =	ssub.s32 $0x2, s31;
	[sflag:s13] =	ssyncset.done $0x0  }
0x74: {  	s30 =	simm.s32 $0x4C00;
	s0 =	sshrl.u32 s31, $0x1;
	[sflag:s13] =	ssyncadd.s32 $0xFFFFE000  }
0x75: {  	[spmem:s1] =	stream.indirect.scatter.add.f32 [tilespmem:s12], [sflag:$0x4], $0x8, s30, s9, $0xb8;
	[tilespmem:$0xB788] =	vst v63  }
0x76: {  	s0 =	ssub.s32 s31, s0;
	_ =	swait.ge [sflag:s14], $0x2000  }
0x77: {  	s0 =	smax.u32 s0, $0x1;
	[sflag:s14] =	ssyncset.done $0x0  }
0x78: {  	s31 =	sadd.s32 $0xFFFFFFFF, s0;
	[sflag:s14] =	ssyncadd.s32 $0xFFFFE000  }
0x79: {  	p1 =	sne.s32 s31, $0x0;
	_ =	swait.ge [sflag:s15], $0x2000  }
.Ltmp0:
0x7a: {  	[sflag:s15] =	ssyncset.done $0x0;
	(pc) =	sbr.rel @!p1 .LBB2_2-.Ltmp0, $4  }
0x7b: {  	[sflag:s15] =	ssyncadd.s32 $0xFFFFE000  }
0x7c: {  	[bflag:$0x0] =	sbarrier.arrive $0xFFFF  }
0x7d: {  	s16 =	rddreg [dreg:$0xa]  }
0x7e: {  	[hbm:s16], [sflag:s4] =	dma.local [spmem:s6], $0x280  }
.LBB2_1:
0x7f: {  	_ =	swait.ge [sflag:s5], $0x280  }
0x80: {  	[sflag:s5] =	ssyncset.done $0x0  }
0x81: {  	s0 =	rddreg [dreg:$0x5];
	[sflag:s5] =	ssyncadd.s32 $0xFFFFFD80  }
0x82: {  	[spmem:s6], [sflag:s4] =	dma.local [hbm:s0], $0x280  }
0x83: {  	_ =	swait.ge [sflag:s5], $0x280  }
0x84: {  	[sflag:s5] =	ssyncset.done $0x0;
	s0 =	rddreg [dreg:$0x6]  }
0x85: {  	s16 =	rddreg [dreg:$0xb];
	[sflag:s5] =	ssyncadd.s32 $0xFFFFFD80  }
0x86: {  	[spmem:s16], [sflag:s4] =	dma.local [hbm:s0], $0x270  }
0x87: {  	_ =	swait.ge [sflag:s5], $0x270  }
0x88: {  	[sflag:s5] =	ssyncset.done $0x0;
	s0 =	rddreg [dreg:$0x7]  }
0x89: {  	s16 =	rddreg [dreg:$0xc];
	[sflag:s5] =	ssyncadd.s32 $0xFFFFFD90  }
0x8a: {  	[spmem:s16], [sflag:s4] =	dma.local @!p0 [hbm:s0], $0x10  }
0x8b: {  	_ =	swait.ge @!p0 [sflag:s7], $0x10  }
0x8c: {  	[sflag:s7] =	ssyncset.done @!p0 $0x0  }
0x8d: {  	s16 =	rddreg [dreg:$0x8];
	[sflag:s7] =	ssyncadd.s32 @!p0 $0xFFFFFFF0  }
0x8e: {  	[tilespmem:s3], [sflag:$0x5] =	stream.linear.gather [hbm4b:s16+s3], $0x2800, $0x38;
	[tilespmem:$0xB788] =	vst v63  }
0x8f: {  	_ =	swait.ge [sflag:s5], $0x2800  }
0x90: {  	[sflag:s5] =	ssyncset.done $0x0  }
0x91: {  	s16 =	rddreg [dreg:$0x9];
	[sflag:s5] =	ssyncadd.s32 $0xFFFFD800  }
0x92: {  	[tilespmem:s8], [sflag:$0x5] =	stream.linear.gather [hbm4b:s16+s3], $0x2800, $0x38;
	[tilespmem:$0xB788] =	vst v63  }
0x93: {  	_ =	swait.ge [sflag:s5], $0x2800  }
0x94: {  	[sflag:s5] =	ssyncset.done $0x0  }
0x95: {  	[sflag:s5] =	ssyncadd.s32 $0xFFFFD800  }
0x96: {  	[bflag:$0x0] =	sbarrier.arrive $0xFFFF  }
0x97: {  	[tilespmem:s10], [sflag:$0x1] =	stream.indirect.gather [spmem:s2], $0x8, s3, s9, $0xb8;
	[tilespmem:$0xB788] =	vst v63  }
0x98: {  	_ =	swait.ge [sflag:s11], $0x2000  }
0x99: {  	[sflag:s11] =	ssyncset.done $0x0  }
0x9a: {  	[sflag:s11] =	ssyncadd.s32 $0xFFFFE000  }
0x9b: {  	[spmem:s1] =	stream.indirect.scatter.add.f32 [tilespmem:s10], [sflag:$0x3], $0x8, s8, s9, $0xb8;
	[tilespmem:$0xB788] =	vst v63  }
0x9c: {  	_ = 	snop  }
0x9d: {  	[tilespmem:s12], [sflag:$0x2] =	stream.indirect.gather [spmem:s2], $0x8, s9, s9, $0xb8;
	[tilespmem:$0xB788] =	vst v63  }
0x9e: {  	_ =	swait.ge [sflag:s13], $0x2000  }
0x9f: {  	[sflag:s13] =	ssyncset.done $0x0  }
0xa0: {  	s16 =	rddreg [dreg:$0xd];
	[sflag:s13] =	ssyncadd.s32 $0xFFFFE000  }
0xa1: {  	[spmem:s1] =	stream.indirect.scatter.add.f32 [tilespmem:s12], [sflag:$0x4], $0x8, s16, s9, $0xb8;
	[tilespmem:$0xB788] =	vst v63  }
0xa2: {  	_ =	swait.ge [sflag:s14], $0x2000  }
0xa3: {  	[sflag:s14] =	ssyncset.done $0x0  }
0xa4: {  	s16 =	rddreg [dreg:$0xe];
	[sflag:s14] =	ssyncadd.s32 $0xFFFFE000  }
0xa5: {  	[tilespmem:s10], [sflag:$0x1] =	stream.indirect.gather [spmem:s2], $0x8, s16, s9, $0xb8;
	[tilespmem:$0xB788] =	vst v63  }
0xa6: {  	_ =	swait.ge [sflag:s11], $0x2000  }
0xa7: {  	[sflag:s11] =	ssyncset.done $0x0  }
0xa8: {  	s16 =	rddreg [dreg:$0xf];
	[sflag:s11] =	ssyncadd.s32 $0xFFFFE000  }
0xa9: {  	[spmem:s1] =	stream.indirect.scatter.add.f32 [tilespmem:s10], [sflag:$0x3], $0x8, s16, s9, $0xb8;
	[tilespmem:$0xB788] =	vst v63  }
0xaa: {  	_ =	swait.ge [sflag:s15], $0x2000  }
0xab: {  	[sflag:s15] =	ssyncset.done $0x0  }
0xac: {  	s16 =	simm.s32 $0xC00;
	[sflag:s15] =	ssyncadd.s32 $0xFFFFE000  }
0xad: {  	[tilespmem:s12], [sflag:$0x2] =	stream.indirect.gather [spmem:s2], $0x8, s16, s9, $0xb8;
	[tilespmem:$0xB788] =	vst v63  }
0xae: {  	_ =	swait.ge [sflag:s13], $0x2000  }
0xaf: {  	[sflag:s13] =	ssyncset.done $0x0  }
0xb0: {  	[sflag:s13] =	ssyncadd.s32 $0xFFFFE000  }
0xb1: {  	[spmem:s1] =	stream.indirect.scatter.add.f32 [tilespmem:s12], [sflag:$0x4], $0x8, s17, s9, $0xb8;
	[tilespmem:$0xB788] =	vst v63  }
0xb2: {  	_ =	swait.ge [sflag:s14], $0x2000  }
0xb3: {  	[sflag:s14] =	ssyncset.done $0x0  }
0xb4: {  	[sflag:s14] =	ssyncadd.s32 $0xFFFFE000  }
0xb5: {  	[tilespmem:s10], [sflag:$0x1] =	stream.indirect.gather [spmem:s2], $0x8, s18, s9, $0xb8;
	[tilespmem:$0xB788] =	vst v63  }
0xb6: {  	_ =	swait.ge [sflag:s11], $0x2000  }
0xb7: {  	[sflag:s11] =	ssyncset.done $0x0  }
0xb8: {  	[sflag:s11] =	ssyncadd.s32 $0xFFFFE000  }
0xb9: {  	[spmem:s1] =	stream.indirect.scatter.add.f32 [tilespmem:s10], [sflag:$0x3], $0x8, s19, s9, $0xb8;
	[tilespmem:$0xB788] =	vst v63  }
0xba: {  	_ =	swait.ge [sflag:s15], $0x2000  }
0xbb: {  	[sflag:s15] =	ssyncset.done $0x0  }
0xbc: {  	[sflag:s15] =	ssyncadd.s32 $0xFFFFE000  }
0xbd: {  	[tilespmem:s12], [sflag:$0x2] =	stream.indirect.gather [spmem:s2], $0x8, s20, s9, $0xb8;
	[tilespmem:$0xB788] =	vst v63  }
0xbe: {  	_ =	swait.ge [sflag:s13], $0x2000  }
0xbf: {  	[sflag:s13] =	ssyncset.done $0x0  }
0xc0: {  	[sflag:s13] =	ssyncadd.s32 $0xFFFFE000  }
0xc1: {  	[spmem:s1] =	stream.indirect.scatter.add.f32 [tilespmem:s12], [sflag:$0x4], $0x8, s21, s9, $0xb8;
	[tilespmem:$0xB788] =	vst v63  }
0xc2: {  	_ =	swait.ge [sflag:s14], $0x2000  }
0xc3: {  	[sflag:s14] =	ssyncset.done $0x0  }
0xc4: {  	[sflag:s14] =	ssyncadd.s32 $0xFFFFE000  }
0xc5: {  	[tilespmem:s10], [sflag:$0x1] =	stream.indirect.gather [spmem:s2], $0x8, s22, s9, $0xb8;
	[tilespmem:$0xB788] =	vst v63  }
0xc6: {  	_ =	swait.ge [sflag:s11], $0x2000  }
0xc7: {  	[sflag:s11] =	ssyncset.done $0x0  }
0xc8: {  	[sflag:s11] =	ssyncadd.s32 $0xFFFFE000  }
0xc9: {  	[spmem:s1] =	stream.indirect.scatter.add.f32 [tilespmem:s10], [sflag:$0x3], $0x8, s23, s9, $0xb8;
	[tilespmem:$0xB788] =	vst v63  }
0xca: {  	_ =	swait.ge [sflag:s15], $0x2000  }
0xcb: {  	[sflag:s15] =	ssyncset.done $0x0  }
0xcc: {  	[sflag:s15] =	ssyncadd.s32 $0xFFFFE000  }
0xcd: {  	[tilespmem:s12], [sflag:$0x2] =	stream.indirect.gather [spmem:s2], $0x8, s24, s9, $0xb8;
	[tilespmem:$0xB788] =	vst v63  }
0xce: {  	_ =	swait.ge [sflag:s13], $0x2000  }
0xcf: {  	[sflag:s13] =	ssyncset.done $0x0  }
0xd0: {  	[sflag:s13] =	ssyncadd.s32 $0xFFFFE000  }
0xd1: {  	[spmem:s1] =	stream.indirect.scatter.add.f32 [tilespmem:s12], [sflag:$0x4], $0x8, s25, s9, $0xb8;
	[tilespmem:$0xB788] =	vst v63  }
0xd2: {  	_ =	swait.ge [sflag:s14], $0x2000  }
0xd3: {  	[sflag:s14] =	ssyncset.done $0x0  }
0xd4: {  	[sflag:s14] =	ssyncadd.s32 $0xFFFFE000  }
0xd5: {  	[tilespmem:s10], [sflag:$0x1] =	stream.indirect.gather [spmem:s2], $0x8, s26, s9, $0xb8;
	[tilespmem:$0xB788] =	vst v63  }
0xd6: {  	_ =	swait.ge [sflag:s11], $0x2000  }
0xd7: {  	[sflag:s11] =	ssyncset.done $0x0  }
0xd8: {  	[sflag:s11] =	ssyncadd.s32 $0xFFFFE000  }
0xd9: {  	[spmem:s1] =	stream.indirect.scatter.add.f32 [tilespmem:s10], [sflag:$0x3], $0x8, s28, s9, $0xb8;
	[tilespmem:$0xB788] =	vst v63  }
0xda: {  	_ =	swait.ge [sflag:s15], $0x2000  }
0xdb: {  	[sflag:s15] =	ssyncset.done $0x0  }
0xdc: {  	[sflag:s15] =	ssyncadd.s32 $0xFFFFE000  }
0xdd: {  	[tilespmem:s12], [sflag:$0x2] =	stream.indirect.gather [spmem:s2], $0x8, s29, s9, $0xb8;
	[tilespmem:$0xB788] =	vst v63  }
0xde: {  	_ =	swait.ge [sflag:s13], $0x2000  }
0xdf: {  	[sflag:s13] =	ssyncset.done $0x0  }
0xe0: {  	[sflag:s13] =	ssyncadd.s32 $0xFFFFE000  }
0xe1: {  	[spmem:s1] =	stream.indirect.scatter.add.f32 [tilespmem:s12], [sflag:$0x4], $0x8, s30, s9, $0xb8;
	[tilespmem:$0xB788] =	vst v63  }
0xe2: {  	_ =	swait.ge [sflag:s14], $0x2000  }
0xe3: {  	[sflag:s14] =	ssyncset.done $0x0  }
0xe4: {  	s31 =	sadd.s32 $0xFFFFFFFF, s31;
	[sflag:s14] =	ssyncadd.s32 $0xFFFFE000  }
0xe5: {  	p1 =	sne.s32 s31, $0x0;
	_ =	swait.ge [sflag:s15], $0x2000  }
.Ltmp1:
0xe6: {  	[sflag:s15] =	ssyncset.done $0x0;
	(pc) =	sbr.rel @p1 .LBB2_1-.Ltmp1, $4  }
0xe7: {  	[sflag:s15] =	ssyncadd.s32 $0xFFFFE000  }
0xe8: {  	[bflag:$0x0] =	sbarrier.arrive $0xFFFF  }
0xe9: {  	s16 =	rddreg [dreg:$0xa]  }
0xea: {  	[hbm:s16], [sflag:s4] =	dma.local [spmem:s6], $0x280  }
.LBB2_2:
0xeb: {  	_ =	swait.ge [sflag:s5], $0x280  }
0xec: {  	[sflag:s5] =	ssyncset.done $0x0  }
0xed: {  	[sflag:s5] =	ssyncadd.s32 $0xFFFFFD80  }
0xee: {  	_ =	sfence.sel $0x180000  }
0xef: {  	[bflag:$0x0] =	sbarrier.arrive $0xFFFF  }
0xf0: {  	_ =	strace $0x90000053  }
0xf1: {  	[bflag:$0x2] =	sbarrier.arrive $0xFFFF  }
0xf2: {  	s0 =	rddreg [dreg:$0x4]  }
0xf3: {  	s0 =	sadd.s32 @!p0 $0x100000, s0  }
0xf4: {  	[sflag:s0] =	ssyncadd.tile.s32 @!p0 $0x1;
	_ =	shalt  }
.Lfunc_end2:
_tile_overlayer_lowered:
.L_overlay_start_2:
0xf5: {  	(tag) =	ssettag $0x2  }
0xf6: {  	s0 =	rddreg [dreg:$0x0];
	s2 =	stileid.u32  }
0xf7: {  	s1 =	rddreg [dreg:$0x1];
	p0 =	sne.s32 s2, $0x0  }
0xf8: {  	s3 =	rddreg [dreg:$0x2];
	[bflag:$0x3] =	sbarrier.arrive $0xFFFF;
	s2 =	simm.s32 @!p0 $0x1C05  }
0xf9: {  	[timem:s3], [sflag:s2] =	dma.local @!p0 [hbm:s0], s1  }
0xfa: {  	s0 =	simm.s32 @!p0 $0x5  }
0xfb: {  	_ =	swait.ge @!p0 [sflag:s0], s1  }
0xfc: {  	s1 =	ssub.s32 @!p0 $0x0, s1;
	[sflag:s0] =	ssyncset.done @!p0 $0x0  }
0xfd: {  	[sflag:s0] =	ssyncadd.s32 @!p0 s1  }
0xfe: {  	[bflag:$0x3] =	sbarrier.arrive $0xFFFF  }
0xff: {  	_ =	shalt  }

</sc_bundles>
